<compile_context>
chip_gen: v7x
topology: tpu7x:2x2x1
jax: 0.10.2.dev20260603
libtpu: 0.0.44.dev20260713+nightly
codegen_flags: <defaults>
</compile_context>

<pallas_src>
import functools

import jax
import jax.numpy as jnp
from jax import lax
from jax.experimental import pallas as pl
from jax.experimental.pallas import tpu as pltpu
from jax.experimental.pallas import tpu_sc as plsc

_N = 100000
_E = 3200000
_D = 16
_EPS = 1e-5

_CB = 25600
_GRID = _E // _CB

_NC = 2
_NS = 16
_NW = _NC * _NS
_EW = 102400
_EPAD = _NW * _EW
_C = 2048
_NCH = _EW // _C
_NP = 100352
_NROW = _NP // _NS


def _softplus(h):
    return jnp.maximum(h, 0.0) + jnp.log1p(jnp.exp(-jnp.abs(h)))


def _stats1_body(x_ref, w_ref, b_ref, o_ref, xt_ref):
    xt = x_ref[...].T
    xt_ref[...] = xt
    h = jnp.dot(w_ref[...], xt, preferred_element_type=jnp.float32)
    h = h + b_ref[...]
    p = jnp.stack([jnp.sum(h, axis=1), jnp.sum(h * h, axis=1)], axis=0)

    @pl.when(pl.program_id(0) == 0)
    def _():
        o_ref[...] = jnp.zeros_like(o_ref)

    o_ref[...] += p


def _stats2_body(x_ref, w1_ref, b1_ref, w2_ref, b2_ref, o_ref):
    h1 = jnp.dot(w1_ref[...], x_ref[...], preferred_element_type=jnp.float32)
    h1 = h1 + b1_ref[...]
    s = _softplus(h1)
    h2 = jnp.dot(w2_ref[...], s, preferred_element_type=jnp.float32) + b2_ref[...]
    p = jnp.stack([jnp.sum(h2, axis=1), jnp.sum(h2 * h2, axis=1)], axis=0)

    @pl.when(pl.program_id(0) == 0)
    def _():
        o_ref[...] = jnp.zeros_like(o_ref)

    o_ref[...] += p


def _scalar_body(x_ref, w1_ref, b1_ref, w2_ref, b2_ref, wo_ref, bo_ref, o_ref):
    h1 = jnp.dot(w1_ref[...], x_ref[...], preferred_element_type=jnp.float32)
    h1 = h1 + b1_ref[...]
    s1 = _softplus(h1)
    h2 = jnp.dot(w2_ref[...], s1, preferred_element_type=jnp.float32) + b2_ref[...]
    s2 = _softplus(h2)
    o_ref[...] = jnp.sum(s2 * wo_ref[...], axis=0) + bo_ref[0, 0]


def _add_body(a_ref, o_ref):
    o_ref[...] = a_ref[0] + a_ref[1]


_whole = lambda shape: pl.BlockSpec(shape, lambda g: tuple(0 for _ in shape))

_stats1 = pl.pallas_call(
    _stats1_body,
    grid=(_GRID,),
    in_specs=[
        pl.BlockSpec((_CB, _D), lambda g: (g, 0)),
        _whole((_D, _D)),
        _whole((_D, 1)),
    ],
    out_specs=[_whole((2, _D)), pl.BlockSpec((_D, _CB), lambda g: (0, g))],
    out_shape=[jax.ShapeDtypeStruct((2, _D), jnp.float32),
               jax.ShapeDtypeStruct((_D, _E), jnp.float32)],
)

_stats2 = pl.pallas_call(
    _stats2_body,
    grid=(_GRID,),
    in_specs=[
        pl.BlockSpec((_D, _CB), lambda g: (0, g)),
        _whole((_D, _D)),
        _whole((_D, 1)),
        _whole((_D, _D)),
        _whole((_D, 1)),
    ],
    out_specs=_whole((2, _D)),
    out_shape=jax.ShapeDtypeStruct((2, _D), jnp.float32),
)

_scalar_pass = pl.pallas_call(
    _scalar_body,
    grid=(_GRID,),
    in_specs=[
        pl.BlockSpec((_D, _CB), lambda g: (0, g)),
        _whole((_D, _D)),
        _whole((_D, 1)),
        _whole((_D, _D)),
        _whole((_D, 1)),
        _whole((_D, 1)),
        _whole((1, 1)),
    ],
    out_specs=pl.BlockSpec((_CB,), lambda g: (g,)),
    out_shape=jax.ShapeDtypeStruct((_E,), jnp.float32),
)

_ADD_R = _NP * 3 // 128
_add_partials = pl.pallas_call(
    _add_body,
    grid=(1,),
    in_specs=[pl.BlockSpec((2, _ADD_R, 128), lambda g: (0, 0, 0))],
    out_specs=pl.BlockSpec((_ADD_R, 128), lambda g: (0, 0)),
    out_shape=jax.ShapeDtypeStruct((_ADD_R, 128), jnp.float32),
)


def _rsqrt16(s):
    t = s
    r = jnp.full((16,), 1.0, jnp.float32)
    for k in (32, 16, 8, 4, 2, 1):
        big = t >= jnp.float32(4.0 ** k)
        t = jnp.where(big, t * jnp.float32(4.0 ** -k), t)
        r = jnp.where(big, r * jnp.float32(2.0 ** -k), r)
        small = t < jnp.float32(4.0 ** -k)
        t = jnp.where(small, t * jnp.float32(4.0 ** k), t)
        r = jnp.where(small, r * jnp.float32(2.0 ** k), r)
    big = t >= jnp.float32(2.0)
    t = jnp.where(big, t * jnp.float32(0.5), t)
    r = jnp.where(big, r * jnp.float32(0.70710678), r)
    y = jnp.float32(1.53) - jnp.float32(0.4571) * t
    for _ in range(4):
        y = y * (jnp.float32(1.5) - jnp.float32(0.5) * t * y * y)
    return y * r


def _sc_gather_grp(ih, jh, sxh, syh, szh, sch, base, B, sem):
    pltpu.async_copy(ih.at[pl.ds(base, _C)], B[0], sem)
    pltpu.async_copy(jh.at[pl.ds(base, _C)], B[1], sem)
    pltpu.async_copy(sxh.at[pl.ds(base, _C)], B[2], sem)
    pltpu.async_copy(syh.at[pl.ds(base, _C)], B[3], sem)
    pltpu.async_copy(szh.at[pl.ds(base, _C)], B[4], sem)
    pltpu.async_copy(sch.at[pl.ds(base, _C)], B[5], sem)


def _sc_drain_grp(ih, jh, sxh, syh, szh, sch, base, B, sem):
    pltpu.make_async_copy(ih.at[pl.ds(base, _C)], B[0], sem).wait()
    pltpu.make_async_copy(jh.at[pl.ds(base, _C)], B[1], sem).wait()
    pltpu.make_async_copy(sxh.at[pl.ds(base, _C)], B[2], sem).wait()
    pltpu.make_async_copy(syh.at[pl.ds(base, _C)], B[3], sem).wait()
    pltpu.make_async_copy(szh.at[pl.ds(base, _C)], B[4], sem).wait()
    pltpu.make_async_copy(sch.at[pl.ds(base, _C)], B[5], sem).wait()


def _sc_fire_gathers(px_sp, py_sp, pz_sp, B, sem):
    pltpu.async_copy(px_sp.at[B[0]], B[6], sem)
    pltpu.async_copy(py_sp.at[B[0]], B[7], sem)
    pltpu.async_copy(pz_sp.at[B[0]], B[8], sem)
    pltpu.async_copy(px_sp.at[B[1]], B[9], sem)
    pltpu.async_copy(py_sp.at[B[1]], B[10], sem)
    pltpu.async_copy(pz_sp.at[B[1]], B[11], sem)


def _sc_drain_gathers(px_sp, py_sp, pz_sp, B, sem):
    pltpu.make_async_copy(px_sp.at[B[0]], B[6], sem).wait()
    pltpu.make_async_copy(py_sp.at[B[0]], B[7], sem).wait()
    pltpu.make_async_copy(pz_sp.at[B[0]], B[8], sem).wait()
    pltpu.make_async_copy(px_sp.at[B[1]], B[9], sem).wait()
    pltpu.make_async_copy(py_sp.at[B[1]], B[10], sem).wait()
    pltpu.make_async_copy(pz_sp.at[B[1]], B[11], sem).wait()


def _sc_compute(B):
    def _grp(g, c2):
        sl = pl.ds(pl.multiple_of(g * 16, 16), 16)
        dx = B[6][sl] + B[2][sl] - B[9][sl]
        dy = B[7][sl] + B[3][sl] - B[10][sl]
        dz = B[8][sl] + B[4][sl] - B[11][sl]
        inv = _rsqrt16(dx * dx + dy * dy + dz * dz)
        f = B[5][sl] * inv
        B[12][sl] = f * dx
        B[13][sl] = f * dy
        B[14][sl] = f * dz
        return c2

    lax.fori_loop(0, _C // 16, _grp, 0)


def _sc_body(i_hbm, j_hbm, shx_hbm, shy_hbm, shz_hbm, scal_hbm,
             px_hbm, py_hbm, pz_hbm, zeros_hbm, out_hbm,
             ii0, jj0, sx0, sy0, sz0, sc0, xi0, yi0, zi0, xj0, yj0, zj0,
             fx0, fy0, fz0,
             ii1, jj1, sx1, sy1, sz1, sc1, xi1, yi1, zi1, xj1, yj1, zj1,
             fx1, fy1, fz1,
             px_sp, py_sp, pz_sp, ox_sp, oy_sp, oz_sp,
             lsem0, lsem1, gsem0, gsem1):
    cid = lax.axis_index("c")
    sid = lax.axis_index("s")
    wid = sid * _NC + cid
    BUFS = ((ii0, jj0, sx0, sy0, sz0, sc0, xi0, yi0, zi0, xj0, yj0, zj0,
             fx0, fy0, fz0),
            (ii1, jj1, sx1, sy1, sz1, sc1, xi1, yi1, zi1, xj1, yj1, zj1,
             fx1, fy1, fz1))
    LSEM = (lsem0, lsem1)
    GSEM = (gsem0, gsem1)
    lin = (i_hbm, j_hbm, shx_hbm, shy_hbm, shz_hbm, scal_hbm)

    row0 = pl.multiple_of(sid * _NROW, 128)
    pltpu.sync_copy(zeros_hbm.at[pl.ds(row0, _NROW)], ox_sp.at[pl.ds(row0, _NROW)])
    pltpu.sync_copy(zeros_hbm.at[pl.ds(row0, _NROW)], oy_sp.at[pl.ds(row0, _NROW)])
    pltpu.sync_copy(zeros_hbm.at[pl.ds(row0, _NROW)], oz_sp.at[pl.ds(row0, _NROW)])
    pltpu.sync_copy(px_hbm.at[pl.ds(row0, _NROW)], px_sp.at[pl.ds(row0, _NROW)])
    pltpu.sync_copy(py_hbm.at[pl.ds(row0, _NROW)], py_sp.at[pl.ds(row0, _NROW)])
    pltpu.sync_copy(pz_hbm.at[pl.ds(row0, _NROW)], pz_sp.at[pl.ds(row0, _NROW)])
    plsc.subcore_barrier()

    def _base(ch):
        return pl.multiple_of(wid * _EW + ch * _C, _C)

    _sc_gather_grp(*lin, _base(0), BUFS[0], LSEM[0])
    _sc_drain_grp(*lin, _base(0), BUFS[0], LSEM[0])
    _sc_fire_gathers(px_sp, py_sp, pz_sp, BUFS[0], GSEM[0])
    _sc_gather_grp(*lin, _base(1), BUFS[1], LSEM[1])

    def _pair(it, carry):
        last = it >= _NCH // 2 - 1
        for b in (0, 1):
            ch = it * 2 + b
            nb = 1 - b
            B = BUFS[b]
            NB = BUFS[nb]

            @pl.when(jnp.logical_or(b == 0, jnp.logical_not(last)))
            def _():
                _sc_drain_grp(*lin, _base(ch + 1), NB, LSEM[nb])
                _sc_fire_gathers(px_sp, py_sp, pz_sp, NB, GSEM[nb])

            _sc_drain_gathers(px_sp, py_sp, pz_sp, B, GSEM[b])
            _sc_compute(B)
            pltpu.sync_copy(B[12], ox_sp.at[B[0]], add=True)
            pltpu.sync_copy(B[13], oy_sp.at[B[0]], add=True)
            pltpu.sync_copy(B[14], oz_sp.at[B[0]], add=True)

            @pl.when(jnp.logical_not(last))
            def _():
                _sc_gather_grp(*lin, _base(ch + 2), B, LSEM[b])

        return carry

    lax.fori_loop(0, _NCH // 2, _pair, 0)
    plsc.subcore_barrier()
    row1 = pl.multiple_of(sid * _NROW, 128)
    pltpu.sync_copy(ox_sp.at[pl.ds(row1, _NROW)],
                    out_hbm.at[cid, pl.ds(pl.multiple_of(0 * _NP + sid * _NROW, 128), _NROW)])
    pltpu.sync_copy(oy_sp.at[pl.ds(row1, _NROW)],
                    out_hbm.at[cid, pl.ds(pl.multiple_of(1 * _NP + sid * _NROW, 128), _NROW)])
    pltpu.sync_copy(oz_sp.at[pl.ds(row1, _NROW)],
                    out_hbm.at[cid, pl.ds(pl.multiple_of(2 * _NP + sid * _NROW, 128), _NROW)])


@functools.cache
def _sc_scatter_fn():
  c_f32 = pltpu.VMEM((_C,), jnp.float32)
  c_i32 = pltpu.VMEM((_C,), jnp.int32)
  one_set = [c_i32, c_i32] + [c_f32] * 13
  return pl.kernel(
    _sc_body,
    out_type=jax.ShapeDtypeStruct((_NC, 3 * _NP), jnp.float32),
    mesh=plsc.VectorSubcoreMesh(core_axis_name="c", subcore_axis_name="s",
                                num_cores=_NC, num_subcores=_NS),
    scratch_types=one_set + one_set + [
        pltpu.VMEM_SHARED((_NP,), jnp.float32),
        pltpu.VMEM_SHARED((_NP,), jnp.float32),
        pltpu.VMEM_SHARED((_NP,), jnp.float32),
        pltpu.VMEM_SHARED((_NP,), jnp.float32),
        pltpu.VMEM_SHARED((_NP,), jnp.float32),
        pltpu.VMEM_SHARED((_NP,), jnp.float32),
        pltpu.SemaphoreType.DMA,
        pltpu.SemaphoreType.DMA,
        pltpu.SemaphoreType.DMA,
        pltpu.SemaphoreType.DMA,
    ],
  )


@jax.jit
def kernel(edge_attr, edge_index, nbr_shift, pos, W1, b1, g1, be1,
           W2, b2, g2, be2, Wout, bout):
    ef = jnp.float32(_E)

    sA, xT = _stats1(edge_attr, W1.T, b1.reshape(_D, 1))
    mean1 = sA[0] / ef
    var1 = sA[1] / ef - mean1 * mean1
    a1 = g1 * lax.rsqrt(var1 + _EPS)
    W1f = (W1 * a1[None, :]).T
    b1f = (b1 * a1 + be1 - mean1 * a1).reshape(_D, 1)

    sB = _stats2(xT, W1f, b1f, W2.T, b2.reshape(_D, 1))
    mean2 = sB[0] / ef
    var2 = sB[1] / ef - mean2 * mean2
    a2 = g2 * lax.rsqrt(var2 + _EPS)
    W2f = (W2 * a2[None, :]).T
    b2f = (b2 * a2 + be2 - mean2 * a2).reshape(_D, 1)

    scal = _scalar_pass(xT, W1f, b1f, W2f, b2f,
                        Wout.reshape(_D, 1), bout.reshape(1, 1))

    pad = _EPAD - _E
    i1 = jnp.pad(edge_index[1], (0, pad))
    j1 = jnp.pad(edge_index[0], (0, pad))
    shx = jnp.pad(nbr_shift[:, 0], (0, pad), constant_values=1.0)
    shy = jnp.pad(nbr_shift[:, 1], (0, pad))
    shz = jnp.pad(nbr_shift[:, 2], (0, pad))
    scp = jnp.pad(scal, (0, pad))
    zer = jnp.zeros((_NP,), jnp.float32)
    posp = jnp.pad(pos, ((0, _NP - _N), (0, 0)))
    parts = _sc_scatter_fn()(i1, j1, shx, shy, shz, scp,
                             posp[:, 0], posp[:, 1], posp[:, 2], zer)

    out3 = _add_partials(parts.reshape(2, _ADD_R, 128))
    return out3.reshape(3, _NP)[:, :_N].T

# --- scband reference (transcript-rebuilt; emitter-appended) ---
"""Pipeline reference for scband-force-35502199669492 (READ-ONLY COPY).

The authoritative reference and input builder live on the scoring server;
editing this copy changes nothing except your own understanding.
"""

import jax, jax.numpy as jnp
import numpy as np

N_NODES = 100000
N_EDGES = 3200000
D_EDGE = 16
EPS = 1e-5


def _bn(h, gamma, beta):
    mu = h.mean(axis=0)
    var = h.var(axis=0)
    return (h - mu) / jnp.sqrt(var + EPS) * gamma + beta


def _dense_regression(x, params):
    # n_h=3 -> two hidden blocks (Linear -> BatchNorm1d -> Softplus), then Linear(D,1)
    h = x
    for (W, b, g, be) in params['hidden']:
        h = h @ W + b
        h = _bn(h, g, be)
        h = jax.nn.softplus(h)
    Wout, bout = params['out']
    return h @ Wout + bout


def setup_inputs(seed: int = 0) -> dict:
    key = jax.random.key(seed)
    ks = jax.random.split(key, 20)
    inp = {}
    inp['edge_attr'] = jax.random.normal(ks[0], (N_EDGES, D_EDGE), dtype=jnp.float32)
    inp['edge_index'] = jax.random.randint(ks[1], (2, N_EDGES), 0, N_NODES, dtype=jnp.int32)
    inp['nbr_shift'] = jax.random.normal(ks[2], (N_EDGES, 3), dtype=jnp.float32)
    inp['pos'] = jax.random.normal(ks[3], (N_NODES, 3), dtype=jnp.float32)
    s = 1.0 / np.sqrt(D_EDGE)
    inp['W1'] = jax.random.uniform(ks[4], (D_EDGE, D_EDGE), jnp.float32, -s, s)
    inp['b1'] = jax.random.uniform(ks[5], (D_EDGE,), jnp.float32, -s, s)
    inp['g1'] = jnp.ones((D_EDGE,), jnp.float32)
    inp['be1'] = jnp.zeros((D_EDGE,), jnp.float32)
    inp['W2'] = jax.random.uniform(ks[6], (D_EDGE, D_EDGE), jnp.float32, -s, s)
    inp['b2'] = jax.random.uniform(ks[7], (D_EDGE,), jnp.float32, -s, s)
    inp['g2'] = jnp.ones((D_EDGE,), jnp.float32)
    inp['be2'] = jnp.zeros((D_EDGE,), jnp.float32)
    inp['Wout'] = jax.random.uniform(ks[8], (D_EDGE, 1), jnp.float32, -s, s)
    inp['bout'] = jax.random.uniform(ks[9], (1,), jnp.float32, -s, s)
    return inp


def reference(edge_attr, edge_index, nbr_shift, pos, W1, b1, g1, be1, W2, b2, g2, be2, Wout, bout):
    params = {'hidden': [(W1, b1, g1, be1), (W2, b2, g2, be2)], 'out': (Wout, bout)}
    j = edge_index[0]
    i = edge_index[1]
    edge_dir = pos[i] + nbr_shift - pos[j]
    edge_length = jnp.sqrt(jnp.sum(edge_dir ** 2, axis=-1))
    edge_dir = edge_dir / edge_length[:, None]
    scalar = _dense_regression(edge_attr, params)  # [E, 1]
    force = scalar * edge_dir  # [E, 3]
    out = jax.ops.segment_sum(force, i, num_segments=N_NODES)
    return out

if __name__ == "__main__":
    import jax
    _d = setup_inputs()
    print(jax.jit(kernel)(*tuple(_d.values())))

</pallas_src>

<mosaic_0001>
#map = affine_map<(d0, d1) -> (0)>
#map1 = affine_map<(d0, d1) -> (0, 0)>
module attributes {stable_mosaic.version = 14 : i64} {
  func.func @_sc_body(%arg0: i32, %arg1: i32, %arg2: memref<3276800xi32, #tpu.memory_space<hbm>>, %arg3: memref<3276800xi32, #tpu.memory_space<hbm>>, %arg4: memref<3276800xf32, #tpu.memory_space<hbm>>, %arg5: memref<3276800xf32, #tpu.memory_space<hbm>>, %arg6: memref<3276800xf32, #tpu.memory_space<hbm>>, %arg7: memref<3276800xf32, #tpu.memory_space<hbm>>, %arg8: memref<100352xf32, #tpu.memory_space<hbm>>, %arg9: memref<100352xf32, #tpu.memory_space<hbm>>, %arg10: memref<100352xf32, #tpu.memory_space<hbm>>, %arg11: memref<100352xf32, #tpu.memory_space<hbm>>, %arg12: memref<2x301056xf32, #tpu.memory_space<hbm>>, %arg13: memref<2048xi32, #tpu.memory_space<vmem>>, %arg14: memref<2048xi32, #tpu.memory_space<vmem>>, %arg15: memref<2048xf32, #tpu.memory_space<vmem>>, %arg16: memref<2048xf32, #tpu.memory_space<vmem>>, %arg17: memref<2048xf32, #tpu.memory_space<vmem>>, %arg18: memref<2048xf32, #tpu.memory_space<vmem>>, %arg19: memref<2048xf32, #tpu.memory_space<vmem>>, %arg20: memref<2048xf32, #tpu.memory_space<vmem>>, %arg21: memref<2048xf32, #tpu.memory_space<vmem>>, %arg22: memref<2048xf32, #tpu.memory_space<vmem>>, %arg23: memref<2048xf32, #tpu.memory_space<vmem>>, %arg24: memref<2048xf32, #tpu.memory_space<vmem>>, %arg25: memref<2048xf32, #tpu.memory_space<vmem>>, %arg26: memref<2048xf32, #tpu.memory_space<vmem>>, %arg27: memref<2048xf32, #tpu.memory_space<vmem>>, %arg28: memref<2048xi32, #tpu.memory_space<vmem>>, %arg29: memref<2048xi32, #tpu.memory_space<vmem>>, %arg30: memref<2048xf32, #tpu.memory_space<vmem>>, %arg31: memref<2048xf32, #tpu.memory_space<vmem>>, %arg32: memref<2048xf32, #tpu.memory_space<vmem>>, %arg33: memref<2048xf32, #tpu.memory_space<vmem>>, %arg34: memref<2048xf32, #tpu.memory_space<vmem>>, %arg35: memref<2048xf32, #tpu.memory_space<vmem>>, %arg36: memref<2048xf32, #tpu.memory_space<vmem>>, %arg37: memref<2048xf32, #tpu.memory_space<vmem>>, %arg38: memref<2048xf32, #tpu.memory_space<vmem>>, %arg39: memref<2048xf32, #tpu.memory_space<vmem>>, %arg40: memref<2048xf32, #tpu.memory_space<vmem>>, %arg41: memref<2048xf32, #tpu.memory_space<vmem>>, %arg42: memref<2048xf32, #tpu.memory_space<vmem>>, %arg43: memref<100352xf32, #tpu.memory_space<vmem_shared>>, %arg44: memref<100352xf32, #tpu.memory_space<vmem_shared>>, %arg45: memref<100352xf32, #tpu.memory_space<vmem_shared>>, %arg46: memref<100352xf32, #tpu.memory_space<vmem_shared>>, %arg47: memref<100352xf32, #tpu.memory_space<vmem_shared>>, %arg48: memref<100352xf32, #tpu.memory_space<vmem_shared>>, %arg49: memref<!tpu.dma_semaphore, #tpu.memory_space<semaphore_mem>>, %arg50: memref<!tpu.dma_semaphore, #tpu.memory_space<semaphore_mem>>, %arg51: memref<!tpu.dma_semaphore, #tpu.memory_space<semaphore_mem>>, %arg52: memref<!tpu.dma_semaphore, #tpu.memory_space<semaphore_mem>>) attributes {dimension_semantics = [#tpu.dimension_semantics<core_parallel>, #tpu.dimension_semantics<subcore_parallel>], iteration_bounds = array<i64: 2, 16>, scalar_prefetch = 0 : i64, scratch_operands = 40 : i64, tpu.core_type = #tpu.core_type<sc_vector_subcore>, window_params = [{transform_indices = #map}, {transform_indices = #map}, {transform_indices = #map}, {transform_indices = #map}, {transform_indices = #map}, {transform_indices = #map}, {transform_indices = #map}, {transform_indices = #map}, {transform_indices = #map}, {transform_indices = #map}, {transform_indices = #map1}]} {
    %mul3A = arith.constant 2 : i32
    %mul3A_0 = arith.muli %arg1, %mul3A : i32
    %add3A = arith.addi %mul3A_0, %arg0 : i32
    %mul3A_1 = arith.constant 6272 : i32
    %mul3A_2 = arith.muli %arg1, %mul3A_1 : i32
    %multiple_of3A = tpu.assume_multiple %mul3A_2, 128 : i32
    "tpu.region"() ({
      %run_scoped3A = tpu.sem_alloc : memref<!tpu.dma_semaphore, #tpu.memory_space<semaphore_mem>>
      %dma_start3A_88 = tpu.memref_slice %arg46[%multiple_of3A] : memref<100352xf32, #tpu.memory_space<vmem_shared>> -> memref<6272xf32, #tpu.memory_space<vmem_shared>>
      %dma_start3A_89 = tpu.memref_slice %arg11[%multiple_of3A] : memref<100352xf32, #tpu.memory_space<hbm>> -> memref<6272xf32, #tpu.memory_space<hbm>>
      tpu.enqueue_dma source(%dma_start3A_89 : memref<6272xf32, #tpu.memory_space<hbm>>) target(%dma_start3A_88 : memref<6272xf32, #tpu.memory_space<vmem_shared>>) target_semaphore(%run_scoped3A : memref<!tpu.dma_semaphore, #tpu.memory_space<semaphore_mem>>)
      %dma_wait3A_90 = tpu.memref_slice %arg46[%multiple_of3A] : memref<100352xf32, #tpu.memory_space<vmem_shared>> -> memref<6272xf32, #tpu.memory_space<vmem_shared>>
      %dma_wait3A_91 = tpu.memref_slice %arg11[%multiple_of3A] : memref<100352xf32, #tpu.memory_space<hbm>> -> memref<6272xf32, #tpu.memory_space<hbm>>
      tpu.wait_dma2 semaphore(%run_scoped3A : memref<!tpu.dma_semaphore, #tpu.memory_space<semaphore_mem>>) src(%dma_wait3A_91 : memref<6272xf32, #tpu.memory_space<hbm>>) dst(%dma_wait3A_90 : memref<6272xf32, #tpu.memory_space<vmem_shared>>)
      tpu.yield
    }) : () -> ()
    "tpu.region"() ({
      %run_scoped3A = tpu.sem_alloc : memref<!tpu.dma_semaphore, #tpu.memory_space<semaphore_mem>>
      %dma_start3A_88 = tpu.memref_slice %arg47[%multiple_of3A] : memref<100352xf32, #tpu.memory_space<vmem_shared>> -> memref<6272xf32, #tpu.memory_space<vmem_shared>>
      %dma_start3A_89 = tpu.memref_slice %arg11[%multiple_of3A] : memref<100352xf32, #tpu.memory_space<hbm>> -> memref<6272xf32, #tpu.memory_space<hbm>>
      tpu.enqueue_dma source(%dma_start3A_89 : memref<6272xf32, #tpu.memory_space<hbm>>) target(%dma_start3A_88 : memref<6272xf32, #tpu.memory_space<vmem_shared>>) target_semaphore(%run_scoped3A : memref<!tpu.dma_semaphore, #tpu.memory_space<semaphore_mem>>)
      %dma_wait3A_90 = tpu.memref_slice %arg47[%multiple_of3A] : memref<100352xf32, #tpu.memory_space<vmem_shared>> -> memref<6272xf32, #tpu.memory_space<vmem_shared>>
      %dma_wait3A_91 = tpu.memref_slice %arg11[%multiple_of3A] : memref<100352xf32, #tpu.memory_space<hbm>> -> memref<6272xf32, #tpu.memory_space<hbm>>
      tpu.wait_dma2 semaphore(%run_scoped3A : memref<!tpu.dma_semaphore, #tpu.memory_space<semaphore_mem>>) src(%dma_wait3A_91 : memref<6272xf32, #tpu.memory_space<hbm>>) dst(%dma_wait3A_90 : memref<6272xf32, #tpu.memory_space<vmem_shared>>)
      tpu.yield
    }) : () -> ()
    "tpu.region"() ({
      %run_scoped3A = tpu.sem_alloc : memref<!tpu.dma_semaphore, #tpu.memory_space<semaphore_mem>>
      %dma_start3A_88 = tpu.memref_slice %arg48[%multiple_of3A] : memref<100352xf32, #tpu.memory_space<vmem_shared>> -> memref<6272xf32, #tpu.memory_space<vmem_shared>>
      %dma_start3A_89 = tpu.memref_slice %arg11[%multiple_of3A] : memref<100352xf32, #tpu.memory_space<hbm>> -> memref<6272xf32, #tpu.memory_space<hbm>>
      tpu.enqueue_dma source(%dma_start3A_89 : memref<6272xf32, #tpu.memory_space<hbm>>) target(%dma_start3A_88 : memref<6272xf32, #tpu.memory_space<vmem_shared>>) target_semaphore(%run_scoped3A : memref<!tpu.dma_semaphore, #tpu.memory_space<semaphore_mem>>)
      %dma_wait3A_90 = tpu.memref_slice %arg48[%multiple_of3A] : memref<100352xf32, #tpu.memory_space<vmem_shared>> -> memref<6272xf32, #tpu.memory_space<vmem_shared>>
      %dma_wait3A_91 = tpu.memref_slice %arg11[%multiple_of3A] : memref<100352xf32, #tpu.memory_space<hbm>> -> memref<6272xf32, #tpu.memory_space<hbm>>
      tpu.wait_dma2 semaphore(%run_scoped3A : memref<!tpu.dma_semaphore, #tpu.memory_space<semaphore_mem>>) src(%dma_wait3A_91 : memref<6272xf32, #tpu.memory_space<hbm>>) dst(%dma_wait3A_90 : memref<6272xf32, #tpu.memory_space<vmem_shared>>)
      tpu.yield
    }) : () -> ()
    "tpu.region"() ({
      %run_scoped3A = tpu.sem_alloc : memref<!tpu.dma_semaphore, #tpu.memory_space<semaphore_mem>>
      %dma_start3A_88 = tpu.memref_slice %arg43[%multiple_of3A] : memref<100352xf32, #tpu.memory_space<vmem_shared>> -> memref<6272xf32, #tpu.memory_space<vmem_shared>>
      %dma_start3A_89 = tpu.memref_slice %arg8[%multiple_of3A] : memref<100352xf32, #tpu.memory_space<hbm>> -> memref<6272xf32, #tpu.memory_space<hbm>>
      tpu.enqueue_dma source(%dma_start3A_89 : memref<6272xf32, #tpu.memory_space<hbm>>) target(%dma_start3A_88 : memref<6272xf32, #tpu.memory_space<vmem_shared>>) target_semaphore(%run_scoped3A : memref<!tpu.dma_semaphore, #tpu.memory_space<semaphore_mem>>)
      %dma_wait3A_90 = tpu.memref_slice %arg43[%multiple_of3A] : memref<100352xf32, #tpu.memory_space<vmem_shared>> -> memref<6272xf32, #tpu.memory_space<vmem_shared>>
      %dma_wait3A_91 = tpu.memref_slice %arg8[%multiple_of3A] : memref<100352xf32, #tpu.memory_space<hbm>> -> memref<6272xf32, #tpu.memory_space<hbm>>
      tpu.wait_dma2 semaphore(%run_scoped3A : memref<!tpu.dma_semaphore, #tpu.memory_space<semaphore_mem>>) src(%dma_wait3A_91 : memref<6272xf32, #tpu.memory_space<hbm>>) dst(%dma_wait3A_90 : memref<6272xf32, #tpu.memory_space<vmem_shared>>)
      tpu.yield
    }) : () -> ()
    "tpu.region"() ({
      %run_scoped3A = tpu.sem_alloc : memref<!tpu.dma_semaphore, #tpu.memory_space<semaphore_mem>>
      %dma_start3A_88 = tpu.memref_slice %arg44[%multiple_of3A] : memref<100352xf32, #tpu.memory_space<vmem_shared>> -> memref<6272xf32, #tpu.memory_space<vmem_shared>>
      %dma_start3A_89 = tpu.memref_slice %arg9[%multiple_of3A] : memref<100352xf32, #tpu.memory_space<hbm>> -> memref<6272xf32, #tpu.memory_space<hbm>>
      tpu.enqueue_dma source(%dma_start3A_89 : memref<6272xf32, #tpu.memory_space<hbm>>) target(%dma_start3A_88 : memref<6272xf32, #tpu.memory_space<vmem_shared>>) target_semaphore(%run_scoped3A : memref<!tpu.dma_semaphore, #tpu.memory_space<semaphore_mem>>)
      %dma_wait3A_90 = tpu.memref_slice %arg44[%multiple_of3A] : memref<100352xf32, #tpu.memory_space<vmem_shared>> -> memref<6272xf32, #tpu.memory_space<vmem_shared>>
      %dma_wait3A_91 = tpu.memref_slice %arg9[%multiple_of3A] : memref<100352xf32, #tpu.memory_space<hbm>> -> memref<6272xf32, #tpu.memory_space<hbm>>
      tpu.wait_dma2 semaphore(%run_scoped3A : memref<!tpu.dma_semaphore, #tpu.memory_space<semaphore_mem>>) src(%dma_wait3A_91 : memref<6272xf32, #tpu.memory_space<hbm>>) dst(%dma_wait3A_90 : memref<6272xf32, #tpu.memory_space<vmem_shared>>)
      tpu.yield
    }) : () -> ()
    "tpu.region"() ({
      %run_scoped3A = tpu.sem_alloc : memref<!tpu.dma_semaphore, #tpu.memory_space<semaphore_mem>>
      %dma_start3A_88 = tpu.memref_slice %arg45[%multiple_of3A] : memref<100352xf32, #tpu.memory_space<vmem_shared>> -> memref<6272xf32, #tpu.memory_space<vmem_shared>>
      %dma_start3A_89 = tpu.memref_slice %arg10[%multiple_of3A] : memref<100352xf32, #tpu.memory_space<hbm>> -> memref<6272xf32, #tpu.memory_space<hbm>>
      tpu.enqueue_dma source(%dma_start3A_89 : memref<6272xf32, #tpu.memory_space<hbm>>) target(%dma_start3A_88 : memref<6272xf32, #tpu.memory_space<vmem_shared>>) target_semaphore(%run_scoped3A : memref<!tpu.dma_semaphore, #tpu.memory_space<semaphore_mem>>)
      %dma_wait3A_90 = tpu.memref_slice %arg45[%multiple_of3A] : memref<100352xf32, #tpu.memory_space<vmem_shared>> -> memref<6272xf32, #tpu.memory_space<vmem_shared>>
      %dma_wait3A_91 = tpu.memref_slice %arg10[%multiple_of3A] : memref<100352xf32, #tpu.memory_space<hbm>> -> memref<6272xf32, #tpu.memory_space<hbm>>
      tpu.wait_dma2 semaphore(%run_scoped3A : memref<!tpu.dma_semaphore, #tpu.memory_space<semaphore_mem>>) src(%dma_wait3A_91 : memref<6272xf32, #tpu.memory_space<hbm>>) dst(%dma_wait3A_90 : memref<6272xf32, #tpu.memory_space<vmem_shared>>)
      tpu.yield
    }) : () -> ()
    %barrier3A = arith.constant 0 : index
    tpu.barrier barrier_id(%barrier3A)
    %mul3A_3 = arith.constant 102400 : i32
    %mul3A_4 = arith.muli %add3A, %mul3A_3 : i32
    %add3A_5 = arith.constant 0 : i32
    %add3A_6 = arith.addi %mul3A_4, %add3A_5 : i32
    %multiple_of3A_7 = tpu.assume_multiple %add3A_6, 2048 : i32
    %dma_start3A = tpu.memref_slice %arg2[%multiple_of3A_7] : memref<3276800xi32, #tpu.memory_space<hbm>> -> memref<2048xi32, #tpu.memory_space<hbm>>
    %dma_start3A_8 = tpu.memref_slice %arg2[%multiple_of3A_7] : memref<3276800xi32, #tpu.memory_space<hbm>> -> memref<2048xi32, #tpu.memory_space<hbm>>
    tpu.enqueue_dma source(%dma_start3A_8 : memref<2048xi32, #tpu.memory_space<hbm>>) target(%arg13 : memref<2048xi32, #tpu.memory_space<vmem>>) target_semaphore(%arg49 : memref<!tpu.dma_semaphore, #tpu.memory_space<semaphore_mem>>)
    %dma_start3A_9 = tpu.memref_slice %arg3[%multiple_of3A_7] : memref<3276800xi32, #tpu.memory_space<hbm>> -> memref<2048xi32, #tpu.memory_space<hbm>>
    %dma_start3A_10 = tpu.memref_slice %arg3[%multiple_of3A_7] : memref<3276800xi32, #tpu.memory_space<hbm>> -> memref<2048xi32, #tpu.memory_space<hbm>>
    tpu.enqueue_dma source(%dma_start3A_10 : memref<2048xi32, #tpu.memory_space<hbm>>) target(%arg14 : memref<2048xi32, #tpu.memory_space<vmem>>) target_semaphore(%arg49 : memref<!tpu.dma_semaphore, #tpu.memory_space<semaphore_mem>>)
    %dma_start3A_11 = tpu.memref_slice %arg4[%multiple_of3A_7] : memref<3276800xf32, #tpu.memory_space<hbm>> -> memref<2048xf32, #tpu.memory_space<hbm>>
    %dma_start3A_12 = tpu.memref_slice %arg4[%multiple_of3A_7] : memref<3276800xf32, #tpu.memory_space<hbm>> -> memref<2048xf32, #tpu.memory_space<hbm>>
    tpu.enqueue_dma source(%dma_start3A_12 : memref<2048xf32, #tpu.memory_space<hbm>>) target(%arg15 : memref<2048xf32, #tpu.memory_space<vmem>>) target_semaphore(%arg49 : memref<!tpu.dma_semaphore, #tpu.memory_space<semaphore_mem>>)
    %dma_start3A_13 = tpu.memref_slice %arg5[%multiple_of3A_7] : memref<3276800xf32, #tpu.memory_space<hbm>> -> memref<2048xf32, #tpu.memory_space<hbm>>
    %dma_start3A_14 = tpu.memref_slice %arg5[%multiple_of3A_7] : memref<3276800xf32, #tpu.memory_space<hbm>> -> memref<2048xf32, #tpu.memory_space<hbm>>
    tpu.enqueue_dma source(%dma_start3A_14 : memref<2048xf32, #tpu.memory_space<hbm>>) target(%arg16 : memref<2048xf32, #tpu.memory_space<vmem>>) target_semaphore(%arg49 : memref<!tpu.dma_semaphore, #tpu.memory_space<semaphore_mem>>)
    %dma_start3A_15 = tpu.memref_slice %arg6[%multiple_of3A_7] : memref<3276800xf32, #tpu.memory_space<hbm>> -> memref<2048xf32, #tpu.memory_space<hbm>>
    %dma_start3A_16 = tpu.memref_slice %arg6[%multiple_of3A_7] : memref<3276800xf32, #tpu.memory_space<hbm>> -> memref<2048xf32, #tpu.memory_space<hbm>>
    tpu.enqueue_dma source(%dma_start3A_16 : memref<2048xf32, #tpu.memory_space<hbm>>) target(%arg17 : memref<2048xf32, #tpu.memory_space<vmem>>) target_semaphore(%arg49 : memref<!tpu.dma_semaphore, #tpu.memory_space<semaphore_mem>>)
    %dma_start3A_17 = tpu.memref_slice %arg7[%multiple_of3A_7] : memref<3276800xf32, #tpu.memory_space<hbm>> -> memref<2048xf32, #tpu.memory_space<hbm>>
    %dma_start3A_18 = tpu.memref_slice %arg7[%multiple_of3A_7] : memref<3276800xf32, #tpu.memory_space<hbm>> -> memref<2048xf32, #tpu.memory_space<hbm>>
    tpu.enqueue_dma source(%dma_start3A_18 : memref<2048xf32, #tpu.memory_space<hbm>>) target(%arg18 : memref<2048xf32, #tpu.memory_space<vmem>>) target_semaphore(%arg49 : memref<!tpu.dma_semaphore, #tpu.memory_space<semaphore_mem>>)
    %mul3A_19 = arith.constant 102400 : i32
    %mul3A_20 = arith.muli %add3A, %mul3A_19 : i32
    %add3A_21 = arith.constant 0 : i32
    %add3A_22 = arith.addi %mul3A_20, %add3A_21 : i32
    %multiple_of3A_23 = tpu.assume_multiple %add3A_22, 2048 : i32
    %dma_wait3A = tpu.memref_slice %arg2[%multiple_of3A_23] : memref<3276800xi32, #tpu.memory_space<hbm>> -> memref<2048xi32, #tpu.memory_space<hbm>>
    %dma_wait3A_24 = tpu.memref_slice %arg2[%multiple_of3A_23] : memref<3276800xi32, #tpu.memory_space<hbm>> -> memref<2048xi32, #tpu.memory_space<hbm>>
    tpu.wait_dma2 semaphore(%arg49 : memref<!tpu.dma_semaphore, #tpu.memory_space<semaphore_mem>>) src(%dma_wait3A_24 : memref<2048xi32, #tpu.memory_space<hbm>>) dst(%arg13 : memref<2048xi32, #tpu.memory_space<vmem>>)
    %dma_wait3A_25 = tpu.memref_slice %arg3[%multiple_of3A_23] : memref<3276800xi32, #tpu.memory_space<hbm>> -> memref<2048xi32, #tpu.memory_space<hbm>>
    %dma_wait3A_26 = tpu.memref_slice %arg3[%multiple_of3A_23] : memref<3276800xi32, #tpu.memory_space<hbm>> -> memref<2048xi32, #tpu.memory_space<hbm>>
    tpu.wait_dma2 semaphore(%arg49 : memref<!tpu.dma_semaphore, #tpu.memory_space<semaphore_mem>>) src(%dma_wait3A_26 : memref<2048xi32, #tpu.memory_space<hbm>>) dst(%arg14 : memref<2048xi32, #tpu.memory_space<vmem>>)
    %dma_wait3A_27 = tpu.memref_slice %arg4[%multiple_of3A_23] : memref<3276800xf32, #tpu.memory_space<hbm>> -> memref<2048xf32, #tpu.memory_space<hbm>>
    %dma_wait3A_28 = tpu.memref_slice %arg4[%multiple_of3A_23] : memref<3276800xf32, #tpu.memory_space<hbm>> -> memref<2048xf32, #tpu.memory_space<hbm>>
    tpu.wait_dma2 semaphore(%arg49 : memref<!tpu.dma_semaphore, #tpu.memory_space<semaphore_mem>>) src(%dma_wait3A_28 : memref<2048xf32, #tpu.memory_space<hbm>>) dst(%arg15 : memref<2048xf32, #tpu.memory_space<vmem>>)
    %dma_wait3A_29 = tpu.memref_slice %arg5[%multiple_of3A_23] : memref<3276800xf32, #tpu.memory_space<hbm>> -> memref<2048xf32, #tpu.memory_space<hbm>>
    %dma_wait3A_30 = tpu.memref_slice %arg5[%multiple_of3A_23] : memref<3276800xf32, #tpu.memory_space<hbm>> -> memref<2048xf32, #tpu.memory_space<hbm>>
    tpu.wait_dma2 semaphore(%arg49 : memref<!tpu.dma_semaphore, #tpu.memory_space<semaphore_mem>>) src(%dma_wait3A_30 : memref<2048xf32, #tpu.memory_space<hbm>>) dst(%arg16 : memref<2048xf32, #tpu.memory_space<vmem>>)
    %dma_wait3A_31 = tpu.memref_slice %arg6[%multiple_of3A_23] : memref<3276800xf32, #tpu.memory_space<hbm>> -> memref<2048xf32, #tpu.memory_space<hbm>>
    %dma_wait3A_32 = tpu.memref_slice %arg6[%multiple_of3A_23] : memref<3276800xf32, #tpu.memory_space<hbm>> -> memref<2048xf32, #tpu.memory_space<hbm>>
    tpu.wait_dma2 semaphore(%arg49 : memref<!tpu.dma_semaphore, #tpu.memory_space<semaphore_mem>>) src(%dma_wait3A_32 : memref<2048xf32, #tpu.memory_space<hbm>>) dst(%arg17 : memref<2048xf32, #tpu.memory_space<vmem>>)
    %dma_wait3A_33 = tpu.memref_slice %arg7[%multiple_of3A_23] : memref<3276800xf32, #tpu.memory_space<hbm>> -> memref<2048xf32, #tpu.memory_space<hbm>>
    %dma_wait3A_34 = tpu.memref_slice %arg7[%multiple_of3A_23] : memref<3276800xf32, #tpu.memory_space<hbm>> -> memref<2048xf32, #tpu.memory_space<hbm>>
    tpu.wait_dma2 semaphore(%arg49 : memref<!tpu.dma_semaphore, #tpu.memory_space<semaphore_mem>>) src(%dma_wait3A_34 : memref<2048xf32, #tpu.memory_space<hbm>>) dst(%arg18 : memref<2048xf32, #tpu.memory_space<vmem>>)
    %dma_start3A_35 = arith.constant 0 : i32
    %dma_start3A_36 = tpu.memref_slice %arg43[%dma_start3A_35] : memref<100352xf32, #tpu.memory_space<vmem_shared>> -> memref<100352xf32, #tpu.memory_space<vmem_shared>>
    tpu.enqueue_indirect_dma source(%dma_start3A_36 : memref<100352xf32, #tpu.memory_space<vmem_shared>>) target(%arg19 : memref<2048xf32, #tpu.memory_space<vmem>>) offsets(%arg13 : memref<2048xi32, #tpu.memory_space<vmem>>) semaphore(%arg51 : memref<!tpu.dma_semaphore, #tpu.memory_space<semaphore_mem>>)
    %dma_start3A_37 = arith.constant 0 : i32
    %dma_start3A_38 = tpu.memref_slice %arg44[%dma_start3A_37] : memref<100352xf32, #tpu.memory_space<vmem_shared>> -> memref<100352xf32, #tpu.memory_space<vmem_shared>>
    tpu.enqueue_indirect_dma source(%dma_start3A_38 : memref<100352xf32, #tpu.memory_space<vmem_shared>>) target(%arg20 : memref<2048xf32, #tpu.memory_space<vmem>>) offsets(%arg13 : memref<2048xi32, #tpu.memory_space<vmem>>) semaphore(%arg51 : memref<!tpu.dma_semaphore, #tpu.memory_space<semaphore_mem>>)
    %dma_start3A_39 = arith.constant 0 : i32
    %dma_start3A_40 = tpu.memref_slice %arg45[%dma_start3A_39] : memref<100352xf32, #tpu.memory_space<vmem_shared>> -> memref<100352xf32, #tpu.memory_space<vmem_shared>>
    tpu.enqueue_indirect_dma source(%dma_start3A_40 : memref<100352xf32, #tpu.memory_space<vmem_shared>>) target(%arg21 : memref<2048xf32, #tpu.memory_space<vmem>>) offsets(%arg13 : memref<2048xi32, #tpu.memory_space<vmem>>) semaphore(%arg51 : memref<!tpu.dma_semaphore, #tpu.memory_space<semaphore_mem>>)
    %dma_start3A_41 = arith.constant 0 : i32
    %dma_start3A_42 = tpu.memref_slice %arg43[%dma_start3A_41] : memref<100352xf32, #tpu.memory_space<vmem_shared>> -> memref<100352xf32, #tpu.memory_space<vmem_shared>>
    tpu.enqueue_indirect_dma source(%dma_start3A_42 : memref<100352xf32, #tpu.memory_space<vmem_shared>>) target(%arg22 : memref<2048xf32, #tpu.memory_space<vmem>>) offsets(%arg14 : memref<2048xi32, #tpu.memory_space<vmem>>) semaphore(%arg51 : memref<!tpu.dma_semaphore, #tpu.memory_space<semaphore_mem>>)
    %dma_start3A_43 = arith.constant 0 : i32
    %dma_start3A_44 = tpu.memref_slice %arg44[%dma_start3A_43] : memref<100352xf32, #tpu.memory_space<vmem_shared>> -> memref<100352xf32, #tpu.memory_space<vmem_shared>>
    tpu.enqueue_indirect_dma source(%dma_start3A_44 : memref<100352xf32, #tpu.memory_space<vmem_shared>>) target(%arg23 : memref<2048xf32, #tpu.memory_space<vmem>>) offsets(%arg14 : memref<2048xi32, #tpu.memory_space<vmem>>) semaphore(%arg51 : memref<!tpu.dma_semaphore, #tpu.memory_space<semaphore_mem>>)
    %dma_start3A_45 = arith.constant 0 : i32
    %dma_start3A_46 = tpu.memref_slice %arg45[%dma_start3A_45] : memref<100352xf32, #tpu.memory_space<vmem_shared>> -> memref<100352xf32, #tpu.memory_space<vmem_shared>>
    tpu.enqueue_indirect_dma source(%dma_start3A_46 : memref<100352xf32, #tpu.memory_space<vmem_shared>>) target(%arg24 : memref<2048xf32, #tpu.memory_space<vmem>>) offsets(%arg14 : memref<2048xi32, #tpu.memory_space<vmem>>) semaphore(%arg51 : memref<!tpu.dma_semaphore, #tpu.memory_space<semaphore_mem>>)
    %mul3A_47 = arith.constant 102400 : i32
    %mul3A_48 = arith.muli %add3A, %mul3A_47 : i32
    %add3A_49 = arith.constant 2048 : i32
    %add3A_50 = arith.addi %mul3A_48, %add3A_49 : i32
    %multiple_of3A_51 = tpu.assume_multiple %add3A_50, 2048 : i32
    %dma_start3A_52 = tpu.memref_slice %arg2[%multiple_of3A_51] : memref<3276800xi32, #tpu.memory_space<hbm>> -> memref<2048xi32, #tpu.memory_space<hbm>>
    %dma_start3A_53 = tpu.memref_slice %arg2[%multiple_of3A_51] : memref<3276800xi32, #tpu.memory_space<hbm>> -> memref<2048xi32, #tpu.memory_space<hbm>>
    tpu.enqueue_dma source(%dma_start3A_53 : memref<2048xi32, #tpu.memory_space<hbm>>) target(%arg28 : memref<2048xi32, #tpu.memory_space<vmem>>) target_semaphore(%arg50 : memref<!tpu.dma_semaphore, #tpu.memory_space<semaphore_mem>>)
    %dma_start3A_54 = tpu.memref_slice %arg3[%multiple_of3A_51] : memref<3276800xi32, #tpu.memory_space<hbm>> -> memref<2048xi32, #tpu.memory_space<hbm>>
    %dma_start3A_55 = tpu.memref_slice %arg3[%multiple_of3A_51] : memref<3276800xi32, #tpu.memory_space<hbm>> -> memref<2048xi32, #tpu.memory_space<hbm>>
    tpu.enqueue_dma source(%dma_start3A_55 : memref<2048xi32, #tpu.memory_space<hbm>>) target(%arg29 : memref<2048xi32, #tpu.memory_space<vmem>>) target_semaphore(%arg50 : memref<!tpu.dma_semaphore, #tpu.memory_space<semaphore_mem>>)
    %dma_start3A_56 = tpu.memref_slice %arg4[%multiple_of3A_51] : memref<3276800xf32, #tpu.memory_space<hbm>> -> memref<2048xf32, #tpu.memory_space<hbm>>
    %dma_start3A_57 = tpu.memref_slice %arg4[%multiple_of3A_51] : memref<3276800xf32, #tpu.memory_space<hbm>> -> memref<2048xf32, #tpu.memory_space<hbm>>
    tpu.enqueue_dma source(%dma_start3A_57 : memref<2048xf32, #tpu.memory_space<hbm>>) target(%arg30 : memref<2048xf32, #tpu.memory_space<vmem>>) target_semaphore(%arg50 : memref<!tpu.dma_semaphore, #tpu.memory_space<semaphore_mem>>)
    %dma_start3A_58 = tpu.memref_slice %arg5[%multiple_of3A_51] : memref<3276800xf32, #tpu.memory_space<hbm>> -> memref<2048xf32, #tpu.memory_space<hbm>>
    %dma_start3A_59 = tpu.memref_slice %arg5[%multiple_of3A_51] : memref<3276800xf32, #tpu.memory_space<hbm>> -> memref<2048xf32, #tpu.memory_space<hbm>>
    tpu.enqueue_dma source(%dma_start3A_59 : memref<2048xf32, #tpu.memory_space<hbm>>) target(%arg31 : memref<2048xf32, #tpu.memory_space<vmem>>) target_semaphore(%arg50 : memref<!tpu.dma_semaphore, #tpu.memory_space<semaphore_mem>>)
    %dma_start3A_60 = tpu.memref_slice %arg6[%multiple_of3A_51] : memref<3276800xf32, #tpu.memory_space<hbm>> -> memref<2048xf32, #tpu.memory_space<hbm>>
    %dma_start3A_61 = tpu.memref_slice %arg6[%multiple_of3A_51] : memref<3276800xf32, #tpu.memory_space<hbm>> -> memref<2048xf32, #tpu.memory_space<hbm>>
    tpu.enqueue_dma source(%dma_start3A_61 : memref<2048xf32, #tpu.memory_space<hbm>>) target(%arg32 : memref<2048xf32, #tpu.memory_space<vmem>>) target_semaphore(%arg50 : memref<!tpu.dma_semaphore, #tpu.memory_space<semaphore_mem>>)
    %dma_start3A_62 = tpu.memref_slice %arg7[%multiple_of3A_51] : memref<3276800xf32, #tpu.memory_space<hbm>> -> memref<2048xf32, #tpu.memory_space<hbm>>
    %dma_start3A_63 = tpu.memref_slice %arg7[%multiple_of3A_51] : memref<3276800xf32, #tpu.memory_space<hbm>> -> memref<2048xf32, #tpu.memory_space<hbm>>
    tpu.enqueue_dma source(%dma_start3A_63 : memref<2048xf32, #tpu.memory_space<hbm>>) target(%arg33 : memref<2048xf32, #tpu.memory_space<vmem>>) target_semaphore(%arg50 : memref<!tpu.dma_semaphore, #tpu.memory_space<semaphore_mem>>)
    %scan3A = arith.constant 0 : i32
    %scan3A_64 = arith.constant 0 : i32
    %scan3A_65 = arith.constant 25 : i32
    %scan3A_66 = arith.addi %scan3A_64, %scan3A_65 : i32
    %scan3A_67 = arith.constant 1 : i32
    scf.for %scan3A_88 = %scan3A_64 to %scan3A_66 step %scan3A_67  : i32 {
      %ge3A = arith.constant 24 : i32
      %ge3A_89 = arith.cmpi sge, %scan3A_88, %ge3A : i32
      %mul3A_90 = arith.constant 2 : i32
      %mul3A_91 = arith.muli %scan3A_88, %mul3A_90 : i32
      %add3A_92 = arith.constant 0 : i32
      %add3A_93 = arith.addi %mul3A_91, %add3A_92 : i32
      %not3A = arith.constant true
      %not3A_94 = arith.xori %ge3A_89, %not3A : i1
      %or3A = arith.constant true
      %or3A_95 = arith.ori %or3A, %not3A_94 : i1
      %convert_element_type3A = arith.extui %or3A_95 : i1 to i32
      %cond3A = arith.constant 0 : i32
      %cond3A_96 = arith.cmpi ne, %convert_element_type3A, %cond3A : i32
      scf.if %cond3A_96 {
        %add3A_154 = arith.constant 1 : i32
        %add3A_155 = arith.addi %add3A_93, %add3A_154 : i32
        %mul3A_156 = arith.constant 102400 : i32
        %mul3A_157 = arith.muli %add3A, %mul3A_156 : i32
        %mul3A_158 = arith.constant 2048 : i32
        %mul3A_159 = arith.muli %add3A_155, %mul3A_158 : i32
        %add3A_160 = arith.addi %mul3A_157, %mul3A_159 : i32
        %multiple_of3A_161 = tpu.assume_multiple %add3A_160, 2048 : i32
        %dma_wait3A_162 = tpu.memref_slice %arg2[%multiple_of3A_161] : memref<3276800xi32, #tpu.memory_space<hbm>> -> memref<2048xi32, #tpu.memory_space<hbm>>
        %dma_wait3A_163 = tpu.memref_slice %arg2[%multiple_of3A_161] : memref<3276800xi32, #tpu.memory_space<hbm>> -> memref<2048xi32, #tpu.memory_space<hbm>>
        tpu.wait_dma2 semaphore(%arg50 : memref<!tpu.dma_semaphore, #tpu.memory_space<semaphore_mem>>) src(%dma_wait3A_163 : memref<2048xi32, #tpu.memory_space<hbm>>) dst(%arg28 : memref<2048xi32, #tpu.memory_space<vmem>>)
        %dma_wait3A_164 = tpu.memref_slice %arg3[%multiple_of3A_161] : memref<3276800xi32, #tpu.memory_space<hbm>> -> memref<2048xi32, #tpu.memory_space<hbm>>
        %dma_wait3A_165 = tpu.memref_slice %arg3[%multiple_of3A_161] : memref<3276800xi32, #tpu.memory_space<hbm>> -> memref<2048xi32, #tpu.memory_space<hbm>>
        tpu.wait_dma2 semaphore(%arg50 : memref<!tpu.dma_semaphore, #tpu.memory_space<semaphore_mem>>) src(%dma_wait3A_165 : memref<2048xi32, #tpu.memory_space<hbm>>) dst(%arg29 : memref<2048xi32, #tpu.memory_space<vmem>>)
        %dma_wait3A_166 = tpu.memref_slice %arg4[%multiple_of3A_161] : memref<3276800xf32, #tpu.memory_space<hbm>> -> memref<2048xf32, #tpu.memory_space<hbm>>
        %dma_wait3A_167 = tpu.memref_slice %arg4[%multiple_of3A_161] : memref<3276800xf32, #tpu.memory_space<hbm>> -> memref<2048xf32, #tpu.memory_space<hbm>>
        tpu.wait_dma2 semaphore(%arg50 : memref<!tpu.dma_semaphore, #tpu.memory_space<semaphore_mem>>) src(%dma_wait3A_167 : memref<2048xf32, #tpu.memory_space<hbm>>) dst(%arg30 : memref<2048xf32, #tpu.memory_space<vmem>>)
        %dma_wait3A_168 = tpu.memref_slice %arg5[%multiple_of3A_161] : memref<3276800xf32, #tpu.memory_space<hbm>> -> memref<2048xf32, #tpu.memory_space<hbm>>
        %dma_wait3A_169 = tpu.memref_slice %arg5[%multiple_of3A_161] : memref<3276800xf32, #tpu.memory_space<hbm>> -> memref<2048xf32, #tpu.memory_space<hbm>>
        tpu.wait_dma2 semaphore(%arg50 : memref<!tpu.dma_semaphore, #tpu.memory_space<semaphore_mem>>) src(%dma_wait3A_169 : memref<2048xf32, #tpu.memory_space<hbm>>) dst(%arg31 : memref<2048xf32, #tpu.memory_space<vmem>>)
        %dma_wait3A_170 = tpu.memref_slice %arg6[%multiple_of3A_161] : memref<3276800xf32, #tpu.memory_space<hbm>> -> memref<2048xf32, #tpu.memory_space<hbm>>
        %dma_wait3A_171 = tpu.memref_slice %arg6[%multiple_of3A_161] : memref<3276800xf32, #tpu.memory_space<hbm>> -> memref<2048xf32, #tpu.memory_space<hbm>>
        tpu.wait_dma2 semaphore(%arg50 : memref<!tpu.dma_semaphore, #tpu.memory_space<semaphore_mem>>) src(%dma_wait3A_171 : memref<2048xf32, #tpu.memory_space<hbm>>) dst(%arg32 : memref<2048xf32, #tpu.memory_space<vmem>>)
        %dma_wait3A_172 = tpu.memref_slice %arg7[%multiple_of3A_161] : memref<3276800xf32, #tpu.memory_space<hbm>> -> memref<2048xf32, #tpu.memory_space<hbm>>
        %dma_wait3A_173 = tpu.memref_slice %arg7[%multiple_of3A_161] : memref<3276800xf32, #tpu.memory_space<hbm>> -> memref<2048xf32, #tpu.memory_space<hbm>>
        tpu.wait_dma2 semaphore(%arg50 : memref<!tpu.dma_semaphore, #tpu.memory_space<semaphore_mem>>) src(%dma_wait3A_173 : memref<2048xf32, #tpu.memory_space<hbm>>) dst(%arg33 : memref<2048xf32, #tpu.memory_space<vmem>>)
        %dma_start3A_174 = arith.constant 0 : i32
        %dma_start3A_175 = tpu.memref_slice %arg43[%dma_start3A_174] : memref<100352xf32, #tpu.memory_space<vmem_shared>> -> memref<100352xf32, #tpu.memory_space<vmem_shared>>
        tpu.enqueue_indirect_dma source(%dma_start3A_175 : memref<100352xf32, #tpu.memory_space<vmem_shared>>) target(%arg34 : memref<2048xf32, #tpu.memory_space<vmem>>) offsets(%arg28 : memref<2048xi32, #tpu.memory_space<vmem>>) semaphore(%arg52 : memref<!tpu.dma_semaphore, #tpu.memory_space<semaphore_mem>>)
        %dma_start3A_176 = arith.constant 0 : i32
        %dma_start3A_177 = tpu.memref_slice %arg44[%dma_start3A_176] : memref<100352xf32, #tpu.memory_space<vmem_shared>> -> memref<100352xf32, #tpu.memory_space<vmem_shared>>
        tpu.enqueue_indirect_dma source(%dma_start3A_177 : memref<100352xf32, #tpu.memory_space<vmem_shared>>) target(%arg35 : memref<2048xf32, #tpu.memory_space<vmem>>) offsets(%arg28 : memref<2048xi32, #tpu.memory_space<vmem>>) semaphore(%arg52 : memref<!tpu.dma_semaphore, #tpu.memory_space<semaphore_mem>>)
        %dma_start3A_178 = arith.constant 0 : i32
        %dma_start3A_179 = tpu.memref_slice %arg45[%dma_start3A_178] : memref<100352xf32, #tpu.memory_space<vmem_shared>> -> memref<100352xf32, #tpu.memory_space<vmem_shared>>
        tpu.enqueue_indirect_dma source(%dma_start3A_179 : memref<100352xf32, #tpu.memory_space<vmem_shared>>) target(%arg36 : memref<2048xf32, #tpu.memory_space<vmem>>) offsets(%arg28 : memref<2048xi32, #tpu.memory_space<vmem>>) semaphore(%arg52 : memref<!tpu.dma_semaphore, #tpu.memory_space<semaphore_mem>>)
        %dma_start3A_180 = arith.constant 0 : i32
        %dma_start3A_181 = tpu.memref_slice %arg43[%dma_start3A_180] : memref<100352xf32, #tpu.memory_space<vmem_shared>> -> memref<100352xf32, #tpu.memory_space<vmem_shared>>
        tpu.enqueue_indirect_dma source(%dma_start3A_181 : memref<100352xf32, #tpu.memory_space<vmem_shared>>) target(%arg37 : memref<2048xf32, #tpu.memory_space<vmem>>) offsets(%arg29 : memref<2048xi32, #tpu.memory_space<vmem>>) semaphore(%arg52 : memref<!tpu.dma_semaphore, #tpu.memory_space<semaphore_mem>>)
        %dma_start3A_182 = arith.constant 0 : i32
        %dma_start3A_183 = tpu.memref_slice %arg44[%dma_start3A_182] : memref<100352xf32, #tpu.memory_space<vmem_shared>> -> memref<100352xf32, #tpu.memory_space<vmem_shared>>
        tpu.enqueue_indirect_dma source(%dma_start3A_183 : memref<100352xf32, #tpu.memory_space<vmem_shared>>) target(%arg38 : memref<2048xf32, #tpu.memory_space<vmem>>) offsets(%arg29 : memref<2048xi32, #tpu.memory_space<vmem>>) semaphore(%arg52 : memref<!tpu.dma_semaphore, #tpu.memory_space<semaphore_mem>>)
        %dma_start3A_184 = arith.constant 0 : i32
        %dma_start3A_185 = tpu.memref_slice %arg45[%dma_start3A_184] : memref<100352xf32, #tpu.memory_space<vmem_shared>> -> memref<100352xf32, #tpu.memory_space<vmem_shared>>
        tpu.enqueue_indirect_dma source(%dma_start3A_185 : memref<100352xf32, #tpu.memory_space<vmem_shared>>) target(%arg39 : memref<2048xf32, #tpu.memory_space<vmem>>) offsets(%arg29 : memref<2048xi32, #tpu.memory_space<vmem>>) semaphore(%arg52 : memref<!tpu.dma_semaphore, #tpu.memory_space<semaphore_mem>>)
      } else {
      }
      %dma_wait3A_97 = arith.constant 0 : i32
      %dma_wait3A_98 = tpu.memref_slice %arg43[%dma_wait3A_97] : memref<100352xf32, #tpu.memory_space<vmem_shared>> -> memref<100352xf32, #tpu.memory_space<vmem_shared>>
      tpu.wait_indirect_dma semaphore(%arg51 : memref<!tpu.dma_semaphore, #tpu.memory_space<semaphore_mem>>) src(%dma_wait3A_98 : memref<100352xf32, #tpu.memory_space<vmem_shared>>) dst(%arg19 : memref<2048xf32, #tpu.memory_space<vmem>>)
      %dma_wait3A_99 = arith.constant 0 : i32
      %dma_wait3A_100 = tpu.memref_slice %arg44[%dma_wait3A_99] : memref<100352xf32, #tpu.memory_space<vmem_shared>> -> memref<100352xf32, #tpu.memory_space<vmem_shared>>
      tpu.wait_indirect_dma semaphore(%arg51 : memref<!tpu.dma_semaphore, #tpu.memory_space<semaphore_mem>>) src(%dma_wait3A_100 : memref<100352xf32, #tpu.memory_space<vmem_shared>>) dst(%arg20 : memref<2048xf32, #tpu.memory_space<vmem>>)
      %dma_wait3A_101 = arith.constant 0 : i32
      %dma_wait3A_102 = tpu.memref_slice %arg45[%dma_wait3A_101] : memref<100352xf32, #tpu.memory_space<vmem_shared>> -> memref<100352xf32, #tpu.memory_space<vmem_shared>>
      tpu.wait_indirect_dma semaphore(%arg51 : memref<!tpu.dma_semaphore, #tpu.memory_space<semaphore_mem>>) src(%dma_wait3A_102 : memref<100352xf32, #tpu.memory_space<vmem_shared>>) dst(%arg21 : memref<2048xf32, #tpu.memory_space<vmem>>)
      %dma_wait3A_103 = arith.constant 0 : i32
      %dma_wait3A_104 = tpu.memref_slice %arg43[%dma_wait3A_103] : memref<100352xf32, #tpu.memory_space<vmem_shared>> -> memref<100352xf32, #tpu.memory_space<vmem_shared>>
      tpu.wait_indirect_dma semaphore(%arg51 : memref<!tpu.dma_semaphore, #tpu.memory_space<semaphore_mem>>) src(%dma_wait3A_104 : memref<100352xf32, #tpu.memory_space<vmem_shared>>) dst(%arg22 : memref<2048xf32, #tpu.memory_space<vmem>>)
      %dma_wait3A_105 = arith.constant 0 : i32
      %dma_wait3A_106 = tpu.memref_slice %arg44[%dma_wait3A_105] : memref<100352xf32, #tpu.memory_space<vmem_shared>> -> memref<100352xf32, #tpu.memory_space<vmem_shared>>
      tpu.wait_indirect_dma semaphore(%arg51 : memref<!tpu.dma_semaphore, #tpu.memory_space<semaphore_mem>>) src(%dma_wait3A_106 : memref<100352xf32, #tpu.memory_space<vmem_shared>>) dst(%arg23 : memref<2048xf32, #tpu.memory_space<vmem>>)
      %dma_wait3A_107 = arith.constant 0 : i32
      %dma_wait3A_108 = tpu.memref_slice %arg45[%dma_wait3A_107] : memref<100352xf32, #tpu.memory_space<vmem_shared>> -> memref<100352xf32, #tpu.memory_space<vmem_shared>>
      tpu.wait_indirect_dma semaphore(%arg51 : memref<!tpu.dma_semaphore, #tpu.memory_space<semaphore_mem>>) src(%dma_wait3A_108 : memref<100352xf32, #tpu.memory_space<vmem_shared>>) dst(%arg24 : memref<2048xf32, #tpu.memory_space<vmem>>)
      %scan3A_109 = arith.constant 0 : i32
      %scan3A_110 = arith.constant 0 : i32
      %scan3A_111 = arith.constant 128 : i32
      %scan3A_112 = arith.addi %scan3A_110, %scan3A_111 : i32
      %scan3A_113 = arith.constant 1 : i32
      scf.for %scan3A_154 = %scan3A_110 to %scan3A_112 step %scan3A_113  : i32 {
        %mul3A_155 = arith.constant 16 : i32
        %mul3A_156 = arith.muli %scan3A_154, %mul3A_155 : i32
        %multiple_of3A_157 = tpu.assume_multiple %mul3A_156, 16 : i32
        %get3A = arith.index_cast %multiple_of3A_157 : i32 to index
        %get3A_158 = tpu.vector_load %arg19[%get3A] {strides = array<i32>} : memref<2048xf32, #tpu.memory_space<vmem>>, vector<16xf32>,
        %get3A_159 = vector.shape_cast %get3A_158 : vector<16xf32> to vector<16xf32>
        %get3A_160 = arith.index_cast %multiple_of3A_157 : i32 to index
        %get3A_161 = tpu.vector_load %arg15[%get3A_160] {strides = array<i32>} : memref<2048xf32, #tpu.memory_space<vmem>>, vector<16xf32>,
        %get3A_162 = vector.shape_cast %get3A_161 : vector<16xf32> to vector<16xf32>
        %add3A_163 = arith.addf %get3A_159, %get3A_162 : vector<16xf32>
        %get3A_164 = arith.index_cast %multiple_of3A_157 : i32 to index
        %get3A_165 = tpu.vector_load %arg22[%get3A_164] {strides = array<i32>} : memref<2048xf32, #tpu.memory_space<vmem>>, vector<16xf32>,
        %get3A_166 = vector.shape_cast %get3A_165 : vector<16xf32> to vector<16xf32>
        %sub3A = arith.subf %add3A_163, %get3A_166 : vector<16xf32>
        %get3A_167 = arith.index_cast %multiple_of3A_157 : i32 to index
        %get3A_168 = tpu.vector_load %arg20[%get3A_167] {strides = array<i32>} : memref<2048xf32, #tpu.memory_space<vmem>>, vector<16xf32>,
        %get3A_169 = vector.shape_cast %get3A_168 : vector<16xf32> to vector<16xf32>
        %get3A_170 = arith.index_cast %multiple_of3A_157 : i32 to index
        %get3A_171 = tpu.vector_load %arg16[%get3A_170] {strides = array<i32>} : memref<2048xf32, #tpu.memory_space<vmem>>, vector<16xf32>,
        %get3A_172 = vector.shape_cast %get3A_171 : vector<16xf32> to vector<16xf32>
        %add3A_173 = arith.addf %get3A_169, %get3A_172 : vector<16xf32>
        %get3A_174 = arith.index_cast %multiple_of3A_157 : i32 to index
        %get3A_175 = tpu.vector_load %arg23[%get3A_174] {strides = array<i32>} : memref<2048xf32, #tpu.memory_space<vmem>>, vector<16xf32>,
        %get3A_176 = vector.shape_cast %get3A_175 : vector<16xf32> to vector<16xf32>
        %sub3A_177 = arith.subf %add3A_173, %get3A_176 : vector<16xf32>
        %get3A_178 = arith.index_cast %multiple_of3A_157 : i32 to index
        %get3A_179 = tpu.vector_load %arg21[%get3A_178] {strides = array<i32>} : memref<2048xf32, #tpu.memory_space<vmem>>, vector<16xf32>,
        %get3A_180 = vector.shape_cast %get3A_179 : vector<16xf32> to vector<16xf32>
        %get3A_181 = arith.index_cast %multiple_of3A_157 : i32 to index
        %get3A_182 = tpu.vector_load %arg17[%get3A_181] {strides = array<i32>} : memref<2048xf32, #tpu.memory_space<vmem>>, vector<16xf32>,
        %get3A_183 = vector.shape_cast %get3A_182 : vector<16xf32> to vector<16xf32>
        %add3A_184 = arith.addf %get3A_180, %get3A_183 : vector<16xf32>
        %get3A_185 = arith.index_cast %multiple_of3A_157 : i32 to index
        %get3A_186 = tpu.vector_load %arg24[%get3A_185] {strides = array<i32>} : memref<2048xf32, #tpu.memory_space<vmem>>, vector<16xf32>,
        %get3A_187 = vector.shape_cast %get3A_186 : vector<16xf32> to vector<16xf32>
        %sub3A_188 = arith.subf %add3A_184, %get3A_187 : vector<16xf32>
        %mul3A_189 = arith.mulf %sub3A, %sub3A : vector<16xf32>
        %mul3A_190 = arith.mulf %sub3A_177, %sub3A_177 : vector<16xf32>
        %add3A_191 = arith.addf %mul3A_189, %mul3A_190 : vector<16xf32>
        %mul3A_192 = arith.mulf %sub3A_188, %sub3A_188 : vector<16xf32>
        %add3A_193 = arith.addf %add3A_191, %mul3A_192 : vector<16xf32>
        %broadcast_in_dim3A = arith.constant 1.000000e+00 : f32
        %broadcast_in_dim3A_194 = vector.broadcast %broadcast_in_dim3A : f32 to vector<16xf32>
        %ge3A_195 = arith.constant 1.84467441E+19 : f32
        %ge3A_196 = vector.broadcast %ge3A_195 : f32 to vector<16xf32>
        %ge3A_197 = arith.cmpf oge, %add3A_193, %ge3A_196 : vector<16xf32>
        %mul3A_198 = arith.constant 5.42101086E-20 : f32
        %mul3A_199 = vector.broadcast %mul3A_198 : f32 to vector<16xf32>
        %mul3A_200 = arith.mulf %add3A_193, %mul3A_199 : vector<16xf32>
        %select_n3A = arith.select %ge3A_197, %mul3A_200, %add3A_193 : vector<16xi1>, vector<16xf32>
        %mul3A_201 = arith.constant 2.32830644E-10 : f32
        %mul3A_202 = vector.broadcast %mul3A_201 : f32 to vector<16xf32>
        %mul3A_203 = arith.mulf %broadcast_in_dim3A_194, %mul3A_202 : vector<16xf32>
        %select_n3A_204 = arith.select %ge3A_197, %mul3A_203, %broadcast_in_dim3A_194 : vector<16xi1>, vector<16xf32>
        %lt3A = arith.constant 5.42101086E-20 : f32
        %lt3A_205 = vector.broadcast %lt3A : f32 to vector<16xf32>
        %lt3A_206 = arith.cmpf olt, %select_n3A, %lt3A_205 : vector<16xf32>
        %mul3A_207 = arith.constant 1.84467441E+19 : f32
        %mul3A_208 = vector.broadcast %mul3A_207 : f32 to vector<16xf32>
        %mul3A_209 = arith.mulf %select_n3A, %mul3A_208 : vector<16xf32>
        %select_n3A_210 = arith.select %lt3A_206, %mul3A_209, %select_n3A : vector<16xi1>, vector<16xf32>
        %mul3A_211 = arith.constant 4.2949673E+9 : f32
        %mul3A_212 = vector.broadcast %mul3A_211 : f32 to vector<16xf32>
        %mul3A_213 = arith.mulf %select_n3A_204, %mul3A_212 : vector<16xf32>
        %select_n3A_214 = arith.select %lt3A_206, %mul3A_213, %select_n3A_204 : vector<16xi1>, vector<16xf32>
        %ge3A_215 = arith.constant 4.2949673E+9 : f32
        %ge3A_216 = vector.broadcast %ge3A_215 : f32 to vector<16xf32>
        %ge3A_217 = arith.cmpf oge, %select_n3A_210, %ge3A_216 : vector<16xf32>
        %mul3A_218 = arith.constant 2.32830644E-10 : f32
        %mul3A_219 = vector.broadcast %mul3A_218 : f32 to vector<16xf32>
        %mul3A_220 = arith.mulf %select_n3A_210, %mul3A_219 : vector<16xf32>
        %select_n3A_221 = arith.select %ge3A_217, %mul3A_220, %select_n3A_210 : vector<16xi1>, vector<16xf32>
        %mul3A_222 = arith.constant 1.52587891E-5 : f32
        %mul3A_223 = vector.broadcast %mul3A_222 : f32 to vector<16xf32>
        %mul3A_224 = arith.mulf %select_n3A_214, %mul3A_223 : vector<16xf32>
        %select_n3A_225 = arith.select %ge3A_217, %mul3A_224, %select_n3A_214 : vector<16xi1>, vector<16xf32>
        %lt3A_226 = arith.constant 2.32830644E-10 : f32
        %lt3A_227 = vector.broadcast %lt3A_226 : f32 to vector<16xf32>
        %lt3A_228 = arith.cmpf olt, %select_n3A_221, %lt3A_227 : vector<16xf32>
        %mul3A_229 = arith.constant 4.2949673E+9 : f32
        %mul3A_230 = vector.broadcast %mul3A_229 : f32 to vector<16xf32>
        %mul3A_231 = arith.mulf %select_n3A_221, %mul3A_230 : vector<16xf32>
        %select_n3A_232 = arith.select %lt3A_228, %mul3A_231, %select_n3A_221 : vector<16xi1>, vector<16xf32>
        %mul3A_233 = arith.constant 6.553600e+04 : f32
        %mul3A_234 = vector.broadcast %mul3A_233 : f32 to vector<16xf32>
        %mul3A_235 = arith.mulf %select_n3A_225, %mul3A_234 : vector<16xf32>
        %select_n3A_236 = arith.select %lt3A_228, %mul3A_235, %select_n3A_225 : vector<16xi1>, vector<16xf32>
        %ge3A_237 = arith.constant 6.553600e+04 : f32
        %ge3A_238 = vector.broadcast %ge3A_237 : f32 to vector<16xf32>
        %ge3A_239 = arith.cmpf oge, %select_n3A_232, %ge3A_238 : vector<16xf32>
        %mul3A_240 = arith.constant 1.52587891E-5 : f32
        %mul3A_241 = vector.broadcast %mul3A_240 : f32 to vector<16xf32>
        %mul3A_242 = arith.mulf %select_n3A_232, %mul3A_241 : vector<16xf32>
        %select_n3A_243 = arith.select %ge3A_239, %mul3A_242, %select_n3A_232 : vector<16xi1>, vector<16xf32>
        %mul3A_244 = arith.constant 3.906250e-03 : f32
        %mul3A_245 = vector.broadcast %mul3A_244 : f32 to vector<16xf32>
        %mul3A_246 = arith.mulf %select_n3A_236, %mul3A_245 : vector<16xf32>
        %select_n3A_247 = arith.select %ge3A_239, %mul3A_246, %select_n3A_236 : vector<16xi1>, vector<16xf32>
        %lt3A_248 = arith.constant 1.52587891E-5 : f32
        %lt3A_249 = vector.broadcast %lt3A_248 : f32 to vector<16xf32>
        %lt3A_250 = arith.cmpf olt, %select_n3A_243, %lt3A_249 : vector<16xf32>
        %mul3A_251 = arith.constant 6.553600e+04 : f32
        %mul3A_252 = vector.broadcast %mul3A_251 : f32 to vector<16xf32>
        %mul3A_253 = arith.mulf %select_n3A_243, %mul3A_252 : vector<16xf32>
        %select_n3A_254 = arith.select %lt3A_250, %mul3A_253, %select_n3A_243 : vector<16xi1>, vector<16xf32>
        %mul3A_255 = arith.constant 2.560000e+02 : f32
        %mul3A_256 = vector.broadcast %mul3A_255 : f32 to vector<16xf32>
        %mul3A_257 = arith.mulf %select_n3A_247, %mul3A_256 : vector<16xf32>
        %select_n3A_258 = arith.select %lt3A_250, %mul3A_257, %select_n3A_247 : vector<16xi1>, vector<16xf32>
        %ge3A_259 = arith.constant 2.560000e+02 : f32
        %ge3A_260 = vector.broadcast %ge3A_259 : f32 to vector<16xf32>
        %ge3A_261 = arith.cmpf oge, %select_n3A_254, %ge3A_260 : vector<16xf32>
        %mul3A_262 = arith.constant 3.906250e-03 : f32
        %mul3A_263 = vector.broadcast %mul3A_262 : f32 to vector<16xf32>
        %mul3A_264 = arith.mulf %select_n3A_254, %mul3A_263 : vector<16xf32>
        %select_n3A_265 = arith.select %ge3A_261, %mul3A_264, %select_n3A_254 : vector<16xi1>, vector<16xf32>
        %mul3A_266 = arith.constant 6.250000e-02 : f32
        %mul3A_267 = vector.broadcast %mul3A_266 : f32 to vector<16xf32>
        %mul3A_268 = arith.mulf %select_n3A_258, %mul3A_267 : vector<16xf32>
        %select_n3A_269 = arith.select %ge3A_261, %mul3A_268, %select_n3A_258 : vector<16xi1>, vector<16xf32>
        %lt3A_270 = arith.constant 3.906250e-03 : f32
        %lt3A_271 = vector.broadcast %lt3A_270 : f32 to vector<16xf32>
        %lt3A_272 = arith.cmpf olt, %select_n3A_265, %lt3A_271 : vector<16xf32>
        %mul3A_273 = arith.constant 2.560000e+02 : f32
        %mul3A_274 = vector.broadcast %mul3A_273 : f32 to vector<16xf32>
        %mul3A_275 = arith.mulf %select_n3A_265, %mul3A_274 : vector<16xf32>
        %select_n3A_276 = arith.select %lt3A_272, %mul3A_275, %select_n3A_265 : vector<16xi1>, vector<16xf32>
        %mul3A_277 = arith.constant 1.600000e+01 : f32
        %mul3A_278 = vector.broadcast %mul3A_277 : f32 to vector<16xf32>
        %mul3A_279 = arith.mulf %select_n3A_269, %mul3A_278 : vector<16xf32>
        %select_n3A_280 = arith.select %lt3A_272, %mul3A_279, %select_n3A_269 : vector<16xi1>, vector<16xf32>
        %ge3A_281 = arith.constant 1.600000e+01 : f32
        %ge3A_282 = vector.broadcast %ge3A_281 : f32 to vector<16xf32>
        %ge3A_283 = arith.cmpf oge, %select_n3A_276, %ge3A_282 : vector<16xf32>
        %mul3A_284 = arith.constant 6.250000e-02 : f32
        %mul3A_285 = vector.broadcast %mul3A_284 : f32 to vector<16xf32>
        %mul3A_286 = arith.mulf %select_n3A_276, %mul3A_285 : vector<16xf32>
        %select_n3A_287 = arith.select %ge3A_283, %mul3A_286, %select_n3A_276 : vector<16xi1>, vector<16xf32>
        %mul3A_288 = arith.constant 2.500000e-01 : f32
        %mul3A_289 = vector.broadcast %mul3A_288 : f32 to vector<16xf32>
        %mul3A_290 = arith.mulf %select_n3A_280, %mul3A_289 : vector<16xf32>
        %select_n3A_291 = arith.select %ge3A_283, %mul3A_290, %select_n3A_280 : vector<16xi1>, vector<16xf32>
        %lt3A_292 = arith.constant 6.250000e-02 : f32
        %lt3A_293 = vector.broadcast %lt3A_292 : f32 to vector<16xf32>
        %lt3A_294 = arith.cmpf olt, %select_n3A_287, %lt3A_293 : vector<16xf32>
        %mul3A_295 = arith.constant 1.600000e+01 : f32
        %mul3A_296 = vector.broadcast %mul3A_295 : f32 to vector<16xf32>
        %mul3A_297 = arith.mulf %select_n3A_287, %mul3A_296 : vector<16xf32>
        %select_n3A_298 = arith.select %lt3A_294, %mul3A_297, %select_n3A_287 : vector<16xi1>, vector<16xf32>
        %mul3A_299 = arith.constant 4.000000e+00 : f32
        %mul3A_300 = vector.broadcast %mul3A_299 : f32 to vector<16xf32>
        %mul3A_301 = arith.mulf %select_n3A_291, %mul3A_300 : vector<16xf32>
        %select_n3A_302 = arith.select %lt3A_294, %mul3A_301, %select_n3A_291 : vector<16xi1>, vector<16xf32>
        %ge3A_303 = arith.constant 4.000000e+00 : f32
        %ge3A_304 = vector.broadcast %ge3A_303 : f32 to vector<16xf32>
        %ge3A_305 = arith.cmpf oge, %select_n3A_298, %ge3A_304 : vector<16xf32>
        %mul3A_306 = arith.constant 2.500000e-01 : f32
        %mul3A_307 = vector.broadcast %mul3A_306 : f32 to vector<16xf32>
        %mul3A_308 = arith.mulf %select_n3A_298, %mul3A_307 : vector<16xf32>
        %select_n3A_309 = arith.select %ge3A_305, %mul3A_308, %select_n3A_298 : vector<16xi1>, vector<16xf32>
        %mul3A_310 = arith.constant 5.000000e-01 : f32
        %mul3A_311 = vector.broadcast %mul3A_310 : f32 to vector<16xf32>
        %mul3A_312 = arith.mulf %select_n3A_302, %mul3A_311 : vector<16xf32>
        %select_n3A_313 = arith.select %ge3A_305, %mul3A_312, %select_n3A_302 : vector<16xi1>, vector<16xf32>
        %lt3A_314 = arith.constant 2.500000e-01 : f32
        %lt3A_315 = vector.broadcast %lt3A_314 : f32 to vector<16xf32>
        %lt3A_316 = arith.cmpf olt, %select_n3A_309, %lt3A_315 : vector<16xf32>
        %mul3A_317 = arith.constant 4.000000e+00 : f32
        %mul3A_318 = vector.broadcast %mul3A_317 : f32 to vector<16xf32>
        %mul3A_319 = arith.mulf %select_n3A_309, %mul3A_318 : vector<16xf32>
        %select_n3A_320 = arith.select %lt3A_316, %mul3A_319, %select_n3A_309 : vector<16xi1>, vector<16xf32>
        %mul3A_321 = arith.constant 2.000000e+00 : f32
        %mul3A_322 = vector.broadcast %mul3A_321 : f32 to vector<16xf32>
        %mul3A_323 = arith.mulf %select_n3A_313, %mul3A_322 : vector<16xf32>
        %select_n3A_324 = arith.select %lt3A_316, %mul3A_323, %select_n3A_313 : vector<16xi1>, vector<16xf32>
        %ge3A_325 = arith.constant 2.000000e+00 : f32
        %ge3A_326 = vector.broadcast %ge3A_325 : f32 to vector<16xf32>
        %ge3A_327 = arith.cmpf oge, %select_n3A_320, %ge3A_326 : vector<16xf32>
        %mul3A_328 = arith.constant 5.000000e-01 : f32
        %mul3A_329 = vector.broadcast %mul3A_328 : f32 to vector<16xf32>
        %mul3A_330 = arith.mulf %select_n3A_320, %mul3A_329 : vector<16xf32>
        %select_n3A_331 = arith.select %ge3A_327, %mul3A_330, %select_n3A_320 : vector<16xi1>, vector<16xf32>
        %mul3A_332 = arith.constant 0.707106769 : f32
        %mul3A_333 = vector.broadcast %mul3A_332 : f32 to vector<16xf32>
        %mul3A_334 = arith.mulf %select_n3A_324, %mul3A_333 : vector<16xf32>
        %select_n3A_335 = arith.select %ge3A_327, %mul3A_334, %select_n3A_324 : vector<16xi1>, vector<16xf32>
        %mul3A_336 = arith.constant 4.571000e-01 : f32
        %mul3A_337 = vector.broadcast %mul3A_336 : f32 to vector<16xf32>
        %mul3A_338 = arith.mulf %mul3A_337, %select_n3A_331 : vector<16xf32>
        %sub3A_339 = arith.constant 1.530000e+00 : f32
        %sub3A_340 = vector.broadcast %sub3A_339 : f32 to vector<16xf32>
        %sub3A_341 = arith.subf %sub3A_340, %mul3A_338 : vector<16xf32>
        %mul3A_342 = arith.constant 5.000000e-01 : f32
        %mul3A_343 = vector.broadcast %mul3A_342 : f32 to vector<16xf32>
        %mul3A_344 = arith.mulf %mul3A_343, %select_n3A_331 : vector<16xf32>
        %mul3A_345 = arith.mulf %mul3A_344, %sub3A_341 : vector<16xf32>
        %mul3A_346 = arith.mulf %mul3A_345, %sub3A_341 : vector<16xf32>
        %sub3A_347 = arith.constant 1.500000e+00 : f32
        %sub3A_348 = vector.broadcast %sub3A_347 : f32 to vector<16xf32>
        %sub3A_349 = arith.subf %sub3A_348, %mul3A_346 : vector<16xf32>
        %mul3A_350 = arith.mulf %sub3A_341, %sub3A_349 : vector<16xf32>
        %mul3A_351 = arith.constant 5.000000e-01 : f32
        %mul3A_352 = vector.broadcast %mul3A_351 : f32 to vector<16xf32>
        %mul3A_353 = arith.mulf %mul3A_352, %select_n3A_331 : vector<16xf32>
        %mul3A_354 = arith.mulf %mul3A_353, %mul3A_350 : vector<16xf32>
        %mul3A_355 = arith.mulf %mul3A_354, %mul3A_350 : vector<16xf32>
        %sub3A_356 = arith.constant 1.500000e+00 : f32
        %sub3A_357 = vector.broadcast %sub3A_356 : f32 to vector<16xf32>
        %sub3A_358 = arith.subf %sub3A_357, %mul3A_355 : vector<16xf32>
        %mul3A_359 = arith.mulf %mul3A_350, %sub3A_358 : vector<16xf32>
        %mul3A_360 = arith.constant 5.000000e-01 : f32
        %mul3A_361 = vector.broadcast %mul3A_360 : f32 to vector<16xf32>
        %mul3A_362 = arith.mulf %mul3A_361, %select_n3A_331 : vector<16xf32>
        %mul3A_363 = arith.mulf %mul3A_362, %mul3A_359 : vector<16xf32>
        %mul3A_364 = arith.mulf %mul3A_363, %mul3A_359 : vector<16xf32>
        %sub3A_365 = arith.constant 1.500000e+00 : f32
        %sub3A_366 = vector.broadcast %sub3A_365 : f32 to vector<16xf32>
        %sub3A_367 = arith.subf %sub3A_366, %mul3A_364 : vector<16xf32>
        %mul3A_368 = arith.mulf %mul3A_359, %sub3A_367 : vector<16xf32>
        %mul3A_369 = arith.constant 5.000000e-01 : f32
        %mul3A_370 = vector.broadcast %mul3A_369 : f32 to vector<16xf32>
        %mul3A_371 = arith.mulf %mul3A_370, %select_n3A_331 : vector<16xf32>
        %mul3A_372 = arith.mulf %mul3A_371, %mul3A_368 : vector<16xf32>
        %mul3A_373 = arith.mulf %mul3A_372, %mul3A_368 : vector<16xf32>
        %sub3A_374 = arith.constant 1.500000e+00 : f32
        %sub3A_375 = vector.broadcast %sub3A_374 : f32 to vector<16xf32>
        %sub3A_376 = arith.subf %sub3A_375, %mul3A_373 : vector<16xf32>
        %mul3A_377 = arith.mulf %mul3A_368, %sub3A_376 : vector<16xf32>
        %mul3A_378 = arith.mulf %mul3A_377, %select_n3A_335 : vector<16xf32>
        %get3A_379 = arith.index_cast %multiple_of3A_157 : i32 to index
        %get3A_380 = tpu.vector_load %arg18[%get3A_379] {strides = array<i32>} : memref<2048xf32, #tpu.memory_space<vmem>>, vector<16xf32>,
        %get3A_381 = vector.shape_cast %get3A_380 : vector<16xf32> to vector<16xf32>
        %mul3A_382 = arith.mulf %get3A_381, %mul3A_378 : vector<16xf32>
        %mul3A_383 = arith.mulf %mul3A_382, %sub3A : vector<16xf32>
        %swap3A = arith.index_cast %multiple_of3A_157 : i32 to index
        %swap3A_384 = tpu.vector_load %arg25[%swap3A] {strides = array<i32>} : memref<2048xf32, #tpu.memory_space<vmem>>, vector<16xf32>,
        %swap3A_385 = vector.shape_cast %swap3A_384 : vector<16xf32> to vector<16xf32>
        %swap3A_386 = vector.shape_cast %mul3A_383 : vector<16xf32> to vector<16xf32>
        tpu.vector_store %arg25[%swap3A], %swap3A_386 {strides = array<i32>} : memref<2048xf32, #tpu.memory_space<vmem>>, vector<16xf32>,
        %mul3A_387 = arith.mulf %mul3A_382, %sub3A_177 : vector<16xf32>
        %swap3A_388 = arith.index_cast %multiple_of3A_157 : i32 to index
        %swap3A_389 = tpu.vector_load %arg26[%swap3A_388] {strides = array<i32>} : memref<2048xf32, #tpu.memory_space<vmem>>, vector<16xf32>,
        %swap3A_390 = vector.shape_cast %swap3A_389 : vector<16xf32> to vector<16xf32>
        %swap3A_391 = vector.shape_cast %mul3A_387 : vector<16xf32> to vector<16xf32>
        tpu.vector_store %arg26[%swap3A_388], %swap3A_391 {strides = array<i32>} : memref<2048xf32, #tpu.memory_space<vmem>>, vector<16xf32>,
        %mul3A_392 = arith.mulf %mul3A_382, %sub3A_188 : vector<16xf32>
        %swap3A_393 = arith.index_cast %multiple_of3A_157 : i32 to index
        %swap3A_394 = tpu.vector_load %arg27[%swap3A_393] {strides = array<i32>} : memref<2048xf32, #tpu.memory_space<vmem>>, vector<16xf32>,
        %swap3A_395 = vector.shape_cast %swap3A_394 : vector<16xf32> to vector<16xf32>
        %swap3A_396 = vector.shape_cast %mul3A_392 : vector<16xf32> to vector<16xf32>
        tpu.vector_store %arg27[%swap3A_393], %swap3A_396 {strides = array<i32>} : memref<2048xf32, #tpu.memory_space<vmem>>, vector<16xf32>,
      }
      %scan3A_114 = arith.constant 128 : i32
      "tpu.region"() ({
        %run_scoped3A = tpu.sem_alloc : memref<!tpu.dma_semaphore, #tpu.memory_space<semaphore_mem>>
        %dma_start3A_154 = arith.constant 0 : i32
        %dma_start3A_155 = tpu.memref_slice %arg46[%dma_start3A_154] : memref<100352xf32, #tpu.memory_space<vmem_shared>> -> memref<100352xf32, #tpu.memory_space<vmem_shared>>
        tpu.enqueue_indirect_dma source(%arg25 : memref<2048xf32, #tpu.memory_space<vmem>>) target(%dma_start3A_155 : memref<100352xf32, #tpu.memory_space<vmem_shared>>) offsets(%arg13 : memref<2048xi32, #tpu.memory_space<vmem>>) semaphore(%run_scoped3A : memref<!tpu.dma_semaphore, #tpu.memory_space<semaphore_mem>>) {add = true}
        %dma_wait3A_156 = arith.constant 0 : i32
        %dma_wait3A_157 = tpu.memref_slice %arg46[%dma_wait3A_156] : memref<100352xf32, #tpu.memory_space<vmem_shared>> -> memref<100352xf32, #tpu.memory_space<vmem_shared>>
        tpu.wait_indirect_dma semaphore(%run_scoped3A : memref<!tpu.dma_semaphore, #tpu.memory_space<semaphore_mem>>) src(%arg25 : memref<2048xf32, #tpu.memory_space<vmem>>) dst(%dma_wait3A_157 : memref<100352xf32, #tpu.memory_space<vmem_shared>>)
        tpu.yield
      }) : () -> ()
      "tpu.region"() ({
        %run_scoped3A = tpu.sem_alloc : memref<!tpu.dma_semaphore, #tpu.memory_space<semaphore_mem>>
        %dma_start3A_154 = arith.constant 0 : i32
        %dma_start3A_155 = tpu.memref_slice %arg47[%dma_start3A_154] : memref<100352xf32, #tpu.memory_space<vmem_shared>> -> memref<100352xf32, #tpu.memory_space<vmem_shared>>
        tpu.enqueue_indirect_dma source(%arg26 : memref<2048xf32, #tpu.memory_space<vmem>>) target(%dma_start3A_155 : memref<100352xf32, #tpu.memory_space<vmem_shared>>) offsets(%arg13 : memref<2048xi32, #tpu.memory_space<vmem>>) semaphore(%run_scoped3A : memref<!tpu.dma_semaphore, #tpu.memory_space<semaphore_mem>>) {add = true}
        %dma_wait3A_156 = arith.constant 0 : i32
        %dma_wait3A_157 = tpu.memref_slice %arg47[%dma_wait3A_156] : memref<100352xf32, #tpu.memory_space<vmem_shared>> -> memref<100352xf32, #tpu.memory_space<vmem_shared>>
        tpu.wait_indirect_dma semaphore(%run_scoped3A : memref<!tpu.dma_semaphore, #tpu.memory_space<semaphore_mem>>) src(%arg26 : memref<2048xf32, #tpu.memory_space<vmem>>) dst(%dma_wait3A_157 : memref<100352xf32, #tpu.memory_space<vmem_shared>>)
        tpu.yield
      }) : () -> ()
      "tpu.region"() ({
        %run_scoped3A = tpu.sem_alloc : memref<!tpu.dma_semaphore, #tpu.memory_space<semaphore_mem>>
        %dma_start3A_154 = arith.constant 0 : i32
        %dma_start3A_155 = tpu.memref_slice %arg48[%dma_start3A_154] : memref<100352xf32, #tpu.memory_space<vmem_shared>> -> memref<100352xf32, #tpu.memory_space<vmem_shared>>
        tpu.enqueue_indirect_dma source(%arg27 : memref<2048xf32, #tpu.memory_space<vmem>>) target(%dma_start3A_155 : memref<100352xf32, #tpu.memory_space<vmem_shared>>) offsets(%arg13 : memref<2048xi32, #tpu.memory_space<vmem>>) semaphore(%run_scoped3A : memref<!tpu.dma_semaphore, #tpu.memory_space<semaphore_mem>>) {add = true}
        %dma_wait3A_156 = arith.constant 0 : i32
        %dma_wait3A_157 = tpu.memref_slice %arg48[%dma_wait3A_156] : memref<100352xf32, #tpu.memory_space<vmem_shared>> -> memref<100352xf32, #tpu.memory_space<vmem_shared>>
        tpu.wait_indirect_dma semaphore(%run_scoped3A : memref<!tpu.dma_semaphore, #tpu.memory_space<semaphore_mem>>) src(%arg27 : memref<2048xf32, #tpu.memory_space<vmem>>) dst(%dma_wait3A_157 : memref<100352xf32, #tpu.memory_space<vmem_shared>>)
        tpu.yield
      }) : () -> ()
      %not3A_115 = arith.constant true
      %not3A_116 = arith.xori %ge3A_89, %not3A_115 : i1
      %convert_element_type3A_117 = arith.extui %not3A_116 : i1 to i32
      %cond3A_118 = arith.constant 0 : i32
      %cond3A_119 = arith.cmpi ne, %convert_element_type3A_117, %cond3A_118 : i32
      scf.if %cond3A_119 {
        %add3A_154 = arith.constant 2 : i32
        %add3A_155 = arith.addi %add3A_93, %add3A_154 : i32
        %mul3A_156 = arith.constant 102400 : i32
        %mul3A_157 = arith.muli %add3A, %mul3A_156 : i32
        %mul3A_158 = arith.constant 2048 : i32
        %mul3A_159 = arith.muli %add3A_155, %mul3A_158 : i32
        %add3A_160 = arith.addi %mul3A_157, %mul3A_159 : i32
        %multiple_of3A_161 = tpu.assume_multiple %add3A_160, 2048 : i32
        %dma_start3A_162 = tpu.memref_slice %arg2[%multiple_of3A_161] : memref<3276800xi32, #tpu.memory_space<hbm>> -> memref<2048xi32, #tpu.memory_space<hbm>>
        %dma_start3A_163 = tpu.memref_slice %arg2[%multiple_of3A_161] : memref<3276800xi32, #tpu.memory_space<hbm>> -> memref<2048xi32, #tpu.memory_space<hbm>>
        tpu.enqueue_dma source(%dma_start3A_163 : memref<2048xi32, #tpu.memory_space<hbm>>) target(%arg13 : memref<2048xi32, #tpu.memory_space<vmem>>) target_semaphore(%arg49 : memref<!tpu.dma_semaphore, #tpu.memory_space<semaphore_mem>>)
        %dma_start3A_164 = tpu.memref_slice %arg3[%multiple_of3A_161] : memref<3276800xi32, #tpu.memory_space<hbm>> -> memref<2048xi32, #tpu.memory_space<hbm>>
        %dma_start3A_165 = tpu.memref_slice %arg3[%multiple_of3A_161] : memref<3276800xi32, #tpu.memory_space<hbm>> -> memref<2048xi32, #tpu.memory_space<hbm>>
        tpu.enqueue_dma source(%dma_start3A_165 : memref<2048xi32, #tpu.memory_space<hbm>>) target(%arg14 : memref<2048xi32, #tpu.memory_space<vmem>>) target_semaphore(%arg49 : memref<!tpu.dma_semaphore, #tpu.memory_space<semaphore_mem>>)
        %dma_start3A_166 = tpu.memref_slice %arg4[%multiple_of3A_161] : memref<3276800xf32, #tpu.memory_space<hbm>> -> memref<2048xf32, #tpu.memory_space<hbm>>
        %dma_start3A_167 = tpu.memref_slice %arg4[%multiple_of3A_161] : memref<3276800xf32, #tpu.memory_space<hbm>> -> memref<2048xf32, #tpu.memory_space<hbm>>
        tpu.enqueue_dma source(%dma_start3A_167 : memref<2048xf32, #tpu.memory_space<hbm>>) target(%arg15 : memref<2048xf32, #tpu.memory_space<vmem>>) target_semaphore(%arg49 : memref<!tpu.dma_semaphore, #tpu.memory_space<semaphore_mem>>)
        %dma_start3A_168 = tpu.memref_slice %arg5[%multiple_of3A_161] : memref<3276800xf32, #tpu.memory_space<hbm>> -> memref<2048xf32, #tpu.memory_space<hbm>>
        %dma_start3A_169 = tpu.memref_slice %arg5[%multiple_of3A_161] : memref<3276800xf32, #tpu.memory_space<hbm>> -> memref<2048xf32, #tpu.memory_space<hbm>>
        tpu.enqueue_dma source(%dma_start3A_169 : memref<2048xf32, #tpu.memory_space<hbm>>) target(%arg16 : memref<2048xf32, #tpu.memory_space<vmem>>) target_semaphore(%arg49 : memref<!tpu.dma_semaphore, #tpu.memory_space<semaphore_mem>>)
        %dma_start3A_170 = tpu.memref_slice %arg6[%multiple_of3A_161] : memref<3276800xf32, #tpu.memory_space<hbm>> -> memref<2048xf32, #tpu.memory_space<hbm>>
        %dma_start3A_171 = tpu.memref_slice %arg6[%multiple_of3A_161] : memref<3276800xf32, #tpu.memory_space<hbm>> -> memref<2048xf32, #tpu.memory_space<hbm>>
        tpu.enqueue_dma source(%dma_start3A_171 : memref<2048xf32, #tpu.memory_space<hbm>>) target(%arg17 : memref<2048xf32, #tpu.memory_space<vmem>>) target_semaphore(%arg49 : memref<!tpu.dma_semaphore, #tpu.memory_space<semaphore_mem>>)
        %dma_start3A_172 = tpu.memref_slice %arg7[%multiple_of3A_161] : memref<3276800xf32, #tpu.memory_space<hbm>> -> memref<2048xf32, #tpu.memory_space<hbm>>
        %dma_start3A_173 = tpu.memref_slice %arg7[%multiple_of3A_161] : memref<3276800xf32, #tpu.memory_space<hbm>> -> memref<2048xf32, #tpu.memory_space<hbm>>
        tpu.enqueue_dma source(%dma_start3A_173 : memref<2048xf32, #tpu.memory_space<hbm>>) target(%arg18 : memref<2048xf32, #tpu.memory_space<vmem>>) target_semaphore(%arg49 : memref<!tpu.dma_semaphore, #tpu.memory_space<semaphore_mem>>)
      } else {
      }
      %mul3A_120 = arith.constant 2 : i32
      %mul3A_121 = arith.muli %scan3A_88, %mul3A_120 : i32
      %add3A_122 = arith.constant 1 : i32
      %add3A_123 = arith.addi %mul3A_121, %add3A_122 : i32
      %not3A_124 = arith.constant true
      %not3A_125 = arith.xori %ge3A_89, %not3A_124 : i1
      %or3A_126 = arith.constant false
      %or3A_127 = arith.ori %or3A_126, %not3A_125 : i1
      %convert_element_type3A_128 = arith.extui %or3A_127 : i1 to i32
      %cond3A_129 = arith.constant 0 : i32
      %cond3A_130 = arith.cmpi ne, %convert_element_type3A_128, %cond3A_129 : i32
      scf.if %cond3A_130 {
        %add3A_154 = arith.constant 1 : i32
        %add3A_155 = arith.addi %add3A_123, %add3A_154 : i32
        %mul3A_156 = arith.constant 102400 : i32
        %mul3A_157 = arith.muli %add3A, %mul3A_156 : i32
        %mul3A_158 = arith.constant 2048 : i32
        %mul3A_159 = arith.muli %add3A_155, %mul3A_158 : i32
        %add3A_160 = arith.addi %mul3A_157, %mul3A_159 : i32
        %multiple_of3A_161 = tpu.assume_multiple %add3A_160, 2048 : i32
        %dma_wait3A_162 = tpu.memref_slice %arg2[%multiple_of3A_161] : memref<3276800xi32, #tpu.memory_space<hbm>> -> memref<2048xi32, #tpu.memory_space<hbm>>
        %dma_wait3A_163 = tpu.memref_slice %arg2[%multiple_of3A_161] : memref<3276800xi32, #tpu.memory_space<hbm>> -> memref<2048xi32, #tpu.memory_space<hbm>>
        tpu.wait_dma2 semaphore(%arg49 : memref<!tpu.dma_semaphore, #tpu.memory_space<semaphore_mem>>) src(%dma_wait3A_163 : memref<2048xi32, #tpu.memory_space<hbm>>) dst(%arg13 : memref<2048xi32, #tpu.memory_space<vmem>>)
        %dma_wait3A_164 = tpu.memref_slice %arg3[%multiple_of3A_161] : memref<3276800xi32, #tpu.memory_space<hbm>> -> memref<2048xi32, #tpu.memory_space<hbm>>
        %dma_wait3A_165 = tpu.memref_slice %arg3[%multiple_of3A_161] : memref<3276800xi32, #tpu.memory_space<hbm>> -> memref<2048xi32, #tpu.memory_space<hbm>>
        tpu.wait_dma2 semaphore(%arg49 : memref<!tpu.dma_semaphore, #tpu.memory_space<semaphore_mem>>) src(%dma_wait3A_165 : memref<2048xi32, #tpu.memory_space<hbm>>) dst(%arg14 : memref<2048xi32, #tpu.memory_space<vmem>>)
        %dma_wait3A_166 = tpu.memref_slice %arg4[%multiple_of3A_161] : memref<3276800xf32, #tpu.memory_space<hbm>> -> memref<2048xf32, #tpu.memory_space<hbm>>
        %dma_wait3A_167 = tpu.memref_slice %arg4[%multiple_of3A_161] : memref<3276800xf32, #tpu.memory_space<hbm>> -> memref<2048xf32, #tpu.memory_space<hbm>>
        tpu.wait_dma2 semaphore(%arg49 : memref<!tpu.dma_semaphore, #tpu.memory_space<semaphore_mem>>) src(%dma_wait3A_167 : memref<2048xf32, #tpu.memory_space<hbm>>) dst(%arg15 : memref<2048xf32, #tpu.memory_space<vmem>>)
        %dma_wait3A_168 = tpu.memref_slice %arg5[%multiple_of3A_161] : memref<3276800xf32, #tpu.memory_space<hbm>> -> memref<2048xf32, #tpu.memory_space<hbm>>
        %dma_wait3A_169 = tpu.memref_slice %arg5[%multiple_of3A_161] : memref<3276800xf32, #tpu.memory_space<hbm>> -> memref<2048xf32, #tpu.memory_space<hbm>>
        tpu.wait_dma2 semaphore(%arg49 : memref<!tpu.dma_semaphore, #tpu.memory_space<semaphore_mem>>) src(%dma_wait3A_169 : memref<2048xf32, #tpu.memory_space<hbm>>) dst(%arg16 : memref<2048xf32, #tpu.memory_space<vmem>>)
        %dma_wait3A_170 = tpu.memref_slice %arg6[%multiple_of3A_161] : memref<3276800xf32, #tpu.memory_space<hbm>> -> memref<2048xf32, #tpu.memory_space<hbm>>
        %dma_wait3A_171 = tpu.memref_slice %arg6[%multiple_of3A_161] : memref<3276800xf32, #tpu.memory_space<hbm>> -> memref<2048xf32, #tpu.memory_space<hbm>>
        tpu.wait_dma2 semaphore(%arg49 : memref<!tpu.dma_semaphore, #tpu.memory_space<semaphore_mem>>) src(%dma_wait3A_171 : memref<2048xf32, #tpu.memory_space<hbm>>) dst(%arg17 : memref<2048xf32, #tpu.memory_space<vmem>>)
        %dma_wait3A_172 = tpu.memref_slice %arg7[%multiple_of3A_161] : memref<3276800xf32, #tpu.memory_space<hbm>> -> memref<2048xf32, #tpu.memory_space<hbm>>
        %dma_wait3A_173 = tpu.memref_slice %arg7[%multiple_of3A_161] : memref<3276800xf32, #tpu.memory_space<hbm>> -> memref<2048xf32, #tpu.memory_space<hbm>>
        tpu.wait_dma2 semaphore(%arg49 : memref<!tpu.dma_semaphore, #tpu.memory_space<semaphore_mem>>) src(%dma_wait3A_173 : memref<2048xf32, #tpu.memory_space<hbm>>) dst(%arg18 : memref<2048xf32, #tpu.memory_space<vmem>>)
        %dma_start3A_174 = arith.constant 0 : i32
        %dma_start3A_175 = tpu.memref_slice %arg43[%dma_start3A_174] : memref<100352xf32, #tpu.memory_space<vmem_shared>> -> memref<100352xf32, #tpu.memory_space<vmem_shared>>
        tpu.enqueue_indirect_dma source(%dma_start3A_175 : memref<100352xf32, #tpu.memory_space<vmem_shared>>) target(%arg19 : memref<2048xf32, #tpu.memory_space<vmem>>) offsets(%arg13 : memref<2048xi32, #tpu.memory_space<vmem>>) semaphore(%arg51 : memref<!tpu.dma_semaphore, #tpu.memory_space<semaphore_mem>>)
        %dma_start3A_176 = arith.constant 0 : i32
        %dma_start3A_177 = tpu.memref_slice %arg44[%dma_start3A_176] : memref<100352xf32, #tpu.memory_space<vmem_shared>> -> memref<100352xf32, #tpu.memory_space<vmem_shared>>
        tpu.enqueue_indirect_dma source(%dma_start3A_177 : memref<100352xf32, #tpu.memory_space<vmem_shared>>) target(%arg20 : memref<2048xf32, #tpu.memory_space<vmem>>) offsets(%arg13 : memref<2048xi32, #tpu.memory_space<vmem>>) semaphore(%arg51 : memref<!tpu.dma_semaphore, #tpu.memory_space<semaphore_mem>>)
        %dma_start3A_178 = arith.constant 0 : i32
        %dma_start3A_179 = tpu.memref_slice %arg45[%dma_start3A_178] : memref<100352xf32, #tpu.memory_space<vmem_shared>> -> memref<100352xf32, #tpu.memory_space<vmem_shared>>
        tpu.enqueue_indirect_dma source(%dma_start3A_179 : memref<100352xf32, #tpu.memory_space<vmem_shared>>) target(%arg21 : memref<2048xf32, #tpu.memory_space<vmem>>) offsets(%arg13 : memref<2048xi32, #tpu.memory_space<vmem>>) semaphore(%arg51 : memref<!tpu.dma_semaphore, #tpu.memory_space<semaphore_mem>>)
        %dma_start3A_180 = arith.constant 0 : i32
        %dma_start3A_181 = tpu.memref_slice %arg43[%dma_start3A_180] : memref<100352xf32, #tpu.memory_space<vmem_shared>> -> memref<100352xf32, #tpu.memory_space<vmem_shared>>
        tpu.enqueue_indirect_dma source(%dma_start3A_181 : memref<100352xf32, #tpu.memory_space<vmem_shared>>) target(%arg22 : memref<2048xf32, #tpu.memory_space<vmem>>) offsets(%arg14 : memref<2048xi32, #tpu.memory_space<vmem>>) semaphore(%arg51 : memref<!tpu.dma_semaphore, #tpu.memory_space<semaphore_mem>>)
        %dma_start3A_182 = arith.constant 0 : i32
        %dma_start3A_183 = tpu.memref_slice %arg44[%dma_start3A_182] : memref<100352xf32, #tpu.memory_space<vmem_shared>> -> memref<100352xf32, #tpu.memory_space<vmem_shared>>
        tpu.enqueue_indirect_dma source(%dma_start3A_183 : memref<100352xf32, #tpu.memory_space<vmem_shared>>) target(%arg23 : memref<2048xf32, #tpu.memory_space<vmem>>) offsets(%arg14 : memref<2048xi32, #tpu.memory_space<vmem>>) semaphore(%arg51 : memref<!tpu.dma_semaphore, #tpu.memory_space<semaphore_mem>>)
        %dma_start3A_184 = arith.constant 0 : i32
        %dma_start3A_185 = tpu.memref_slice %arg45[%dma_start3A_184] : memref<100352xf32, #tpu.memory_space<vmem_shared>> -> memref<100352xf32, #tpu.memory_space<vmem_shared>>
        tpu.enqueue_indirect_dma source(%dma_start3A_185 : memref<100352xf32, #tpu.memory_space<vmem_shared>>) target(%arg24 : memref<2048xf32, #tpu.memory_space<vmem>>) offsets(%arg14 : memref<2048xi32, #tpu.memory_space<vmem>>) semaphore(%arg51 : memref<!tpu.dma_semaphore, #tpu.memory_space<semaphore_mem>>)
      } else {
      }
      %dma_wait3A_131 = arith.constant 0 : i32
      %dma_wait3A_132 = tpu.memref_slice %arg43[%dma_wait3A_131] : memref<100352xf32, #tpu.memory_space<vmem_shared>> -> memref<100352xf32, #tpu.memory_space<vmem_shared>>
      tpu.wait_indirect_dma semaphore(%arg52 : memref<!tpu.dma_semaphore, #tpu.memory_space<semaphore_mem>>) src(%dma_wait3A_132 : memref<100352xf32, #tpu.memory_space<vmem_shared>>) dst(%arg34 : memref<2048xf32, #tpu.memory_space<vmem>>)
      %dma_wait3A_133 = arith.constant 0 : i32
      %dma_wait3A_134 = tpu.memref_slice %arg44[%dma_wait3A_133] : memref<100352xf32, #tpu.memory_space<vmem_shared>> -> memref<100352xf32, #tpu.memory_space<vmem_shared>>
      tpu.wait_indirect_dma semaphore(%arg52 : memref<!tpu.dma_semaphore, #tpu.memory_space<semaphore_mem>>) src(%dma_wait3A_134 : memref<100352xf32, #tpu.memory_space<vmem_shared>>) dst(%arg35 : memref<2048xf32, #tpu.memory_space<vmem>>)
      %dma_wait3A_135 = arith.constant 0 : i32
      %dma_wait3A_136 = tpu.memref_slice %arg45[%dma_wait3A_135] : memref<100352xf32, #tpu.memory_space<vmem_shared>> -> memref<100352xf32, #tpu.memory_space<vmem_shared>>
      tpu.wait_indirect_dma semaphore(%arg52 : memref<!tpu.dma_semaphore, #tpu.memory_space<semaphore_mem>>) src(%dma_wait3A_136 : memref<100352xf32, #tpu.memory_space<vmem_shared>>) dst(%arg36 : memref<2048xf32, #tpu.memory_space<vmem>>)
      %dma_wait3A_137 = arith.constant 0 : i32
      %dma_wait3A_138 = tpu.memref_slice %arg43[%dma_wait3A_137] : memref<100352xf32, #tpu.memory_space<vmem_shared>> -> memref<100352xf32, #tpu.memory_space<vmem_shared>>
      tpu.wait_indirect_dma semaphore(%arg52 : memref<!tpu.dma_semaphore, #tpu.memory_space<semaphore_mem>>) src(%dma_wait3A_138 : memref<100352xf32, #tpu.memory_space<vmem_shared>>) dst(%arg37 : memref<2048xf32, #tpu.memory_space<vmem>>)
      %dma_wait3A_139 = arith.constant 0 : i32
      %dma_wait3A_140 = tpu.memref_slice %arg44[%dma_wait3A_139] : memref<100352xf32, #tpu.memory_space<vmem_shared>> -> memref<100352xf32, #tpu.memory_space<vmem_shared>>
      tpu.wait_indirect_dma semaphore(%arg52 : memref<!tpu.dma_semaphore, #tpu.memory_space<semaphore_mem>>) src(%dma_wait3A_140 : memref<100352xf32, #tpu.memory_space<vmem_shared>>) dst(%arg38 : memref<2048xf32, #tpu.memory_space<vmem>>)
      %dma_wait3A_141 = arith.constant 0 : i32
      %dma_wait3A_142 = tpu.memref_slice %arg45[%dma_wait3A_141] : memref<100352xf32, #tpu.memory_space<vmem_shared>> -> memref<100352xf32, #tpu.memory_space<vmem_shared>>
      tpu.wait_indirect_dma semaphore(%arg52 : memref<!tpu.dma_semaphore, #tpu.memory_space<semaphore_mem>>) src(%dma_wait3A_142 : memref<100352xf32, #tpu.memory_space<vmem_shared>>) dst(%arg39 : memref<2048xf32, #tpu.memory_space<vmem>>)
      %scan3A_143 = arith.constant 0 : i32
      %scan3A_144 = arith.constant 0 : i32
      %scan3A_145 = arith.constant 128 : i32
      %scan3A_146 = arith.addi %scan3A_144, %scan3A_145 : i32
      %scan3A_147 = arith.constant 1 : i32
      scf.for %scan3A_154 = %scan3A_144 to %scan3A_146 step %scan3A_147  : i32 {
        %mul3A_155 = arith.constant 16 : i32
        %mul3A_156 = arith.muli %scan3A_154, %mul3A_155 : i32
        %multiple_of3A_157 = tpu.assume_multiple %mul3A_156, 16 : i32
        %get3A = arith.index_cast %multiple_of3A_157 : i32 to index
        %get3A_158 = tpu.vector_load %arg34[%get3A] {strides = array<i32>} : memref<2048xf32, #tpu.memory_space<vmem>>, vector<16xf32>,
        %get3A_159 = vector.shape_cast %get3A_158 : vector<16xf32> to vector<16xf32>
        %get3A_160 = arith.index_cast %multiple_of3A_157 : i32 to index
        %get3A_161 = tpu.vector_load %arg30[%get3A_160] {strides = array<i32>} : memref<2048xf32, #tpu.memory_space<vmem>>, vector<16xf32>,
        %get3A_162 = vector.shape_cast %get3A_161 : vector<16xf32> to vector<16xf32>
        %add3A_163 = arith.addf %get3A_159, %get3A_162 : vector<16xf32>
        %get3A_164 = arith.index_cast %multiple_of3A_157 : i32 to index
        %get3A_165 = tpu.vector_load %arg37[%get3A_164] {strides = array<i32>} : memref<2048xf32, #tpu.memory_space<vmem>>, vector<16xf32>,
        %get3A_166 = vector.shape_cast %get3A_165 : vector<16xf32> to vector<16xf32>
        %sub3A = arith.subf %add3A_163, %get3A_166 : vector<16xf32>
        %get3A_167 = arith.index_cast %multiple_of3A_157 : i32 to index
        %get3A_168 = tpu.vector_load %arg35[%get3A_167] {strides = array<i32>} : memref<2048xf32, #tpu.memory_space<vmem>>, vector<16xf32>,
        %get3A_169 = vector.shape_cast %get3A_168 : vector<16xf32> to vector<16xf32>
        %get3A_170 = arith.index_cast %multiple_of3A_157 : i32 to index
        %get3A_171 = tpu.vector_load %arg31[%get3A_170] {strides = array<i32>} : memref<2048xf32, #tpu.memory_space<vmem>>, vector<16xf32>,
        %get3A_172 = vector.shape_cast %get3A_171 : vector<16xf32> to vector<16xf32>
        %add3A_173 = arith.addf %get3A_169, %get3A_172 : vector<16xf32>
        %get3A_174 = arith.index_cast %multiple_of3A_157 : i32 to index
        %get3A_175 = tpu.vector_load %arg38[%get3A_174] {strides = array<i32>} : memref<2048xf32, #tpu.memory_space<vmem>>, vector<16xf32>,
        %get3A_176 = vector.shape_cast %get3A_175 : vector<16xf32> to vector<16xf32>
        %sub3A_177 = arith.subf %add3A_173, %get3A_176 : vector<16xf32>
        %get3A_178 = arith.index_cast %multiple_of3A_157 : i32 to index
        %get3A_179 = tpu.vector_load %arg36[%get3A_178] {strides = array<i32>} : memref<2048xf32, #tpu.memory_space<vmem>>, vector<16xf32>,
        %get3A_180 = vector.shape_cast %get3A_179 : vector<16xf32> to vector<16xf32>
        %get3A_181 = arith.index_cast %multiple_of3A_157 : i32 to index
        %get3A_182 = tpu.vector_load %arg32[%get3A_181] {strides = array<i32>} : memref<2048xf32, #tpu.memory_space<vmem>>, vector<16xf32>,
        %get3A_183 = vector.shape_cast %get3A_182 : vector<16xf32> to vector<16xf32>
        %add3A_184 = arith.addf %get3A_180, %get3A_183 : vector<16xf32>
        %get3A_185 = arith.index_cast %multiple_of3A_157 : i32 to index
        %get3A_186 = tpu.vector_load %arg39[%get3A_185] {strides = array<i32>} : memref<2048xf32, #tpu.memory_space<vmem>>, vector<16xf32>,
        %get3A_187 = vector.shape_cast %get3A_186 : vector<16xf32> to vector<16xf32>
        %sub3A_188 = arith.subf %add3A_184, %get3A_187 : vector<16xf32>
        %mul3A_189 = arith.mulf %sub3A, %sub3A : vector<16xf32>
        %mul3A_190 = arith.mulf %sub3A_177, %sub3A_177 : vector<16xf32>
        %add3A_191 = arith.addf %mul3A_189, %mul3A_190 : vector<16xf32>
        %mul3A_192 = arith.mulf %sub3A_188, %sub3A_188 : vector<16xf32>
        %add3A_193 = arith.addf %add3A_191, %mul3A_192 : vector<16xf32>
        %broadcast_in_dim3A = arith.constant 1.000000e+00 : f32
        %broadcast_in_dim3A_194 = vector.broadcast %broadcast_in_dim3A : f32 to vector<16xf32>
        %ge3A_195 = arith.constant 1.84467441E+19 : f32
        %ge3A_196 = vector.broadcast %ge3A_195 : f32 to vector<16xf32>
        %ge3A_197 = arith.cmpf oge, %add3A_193, %ge3A_196 : vector<16xf32>
        %mul3A_198 = arith.constant 5.42101086E-20 : f32
        %mul3A_199 = vector.broadcast %mul3A_198 : f32 to vector<16xf32>
        %mul3A_200 = arith.mulf %add3A_193, %mul3A_199 : vector<16xf32>
        %select_n3A = arith.select %ge3A_197, %mul3A_200, %add3A_193 : vector<16xi1>, vector<16xf32>
        %mul3A_201 = arith.constant 2.32830644E-10 : f32
        %mul3A_202 = vector.broadcast %mul3A_201 : f32 to vector<16xf32>
        %mul3A_203 = arith.mulf %broadcast_in_dim3A_194, %mul3A_202 : vector<16xf32>
        %select_n3A_204 = arith.select %ge3A_197, %mul3A_203, %broadcast_in_dim3A_194 : vector<16xi1>, vector<16xf32>
        %lt3A = arith.constant 5.42101086E-20 : f32
        %lt3A_205 = vector.broadcast %lt3A : f32 to vector<16xf32>
        %lt3A_206 = arith.cmpf olt, %select_n3A, %lt3A_205 : vector<16xf32>
        %mul3A_207 = arith.constant 1.84467441E+19 : f32
        %mul3A_208 = vector.broadcast %mul3A_207 : f32 to vector<16xf32>
        %mul3A_209 = arith.mulf %select_n3A, %mul3A_208 : vector<16xf32>
        %select_n3A_210 = arith.select %lt3A_206, %mul3A_209, %select_n3A : vector<16xi1>, vector<16xf32>
        %mul3A_211 = arith.constant 4.2949673E+9 : f32
        %mul3A_212 = vector.broadcast %mul3A_211 : f32 to vector<16xf32>
        %mul3A_213 = arith.mulf %select_n3A_204, %mul3A_212 : vector<16xf32>
        %select_n3A_214 = arith.select %lt3A_206, %mul3A_213, %select_n3A_204 : vector<16xi1>, vector<16xf32>
        %ge3A_215 = arith.constant 4.2949673E+9 : f32
        %ge3A_216 = vector.broadcast %ge3A_215 : f32 to vector<16xf32>
        %ge3A_217 = arith.cmpf oge, %select_n3A_210, %ge3A_216 : vector<16xf32>
        %mul3A_218 = arith.constant 2.32830644E-10 : f32
        %mul3A_219 = vector.broadcast %mul3A_218 : f32 to vector<16xf32>
        %mul3A_220 = arith.mulf %select_n3A_210, %mul3A_219 : vector<16xf32>
        %select_n3A_221 = arith.select %ge3A_217, %mul3A_220, %select_n3A_210 : vector<16xi1>, vector<16xf32>
        %mul3A_222 = arith.constant 1.52587891E-5 : f32
        %mul3A_223 = vector.broadcast %mul3A_222 : f32 to vector<16xf32>
        %mul3A_224 = arith.mulf %select_n3A_214, %mul3A_223 : vector<16xf32>
        %select_n3A_225 = arith.select %ge3A_217, %mul3A_224, %select_n3A_214 : vector<16xi1>, vector<16xf32>
        %lt3A_226 = arith.constant 2.32830644E-10 : f32
        %lt3A_227 = vector.broadcast %lt3A_226 : f32 to vector<16xf32>
        %lt3A_228 = arith.cmpf olt, %select_n3A_221, %lt3A_227 : vector<16xf32>
        %mul3A_229 = arith.constant 4.2949673E+9 : f32
        %mul3A_230 = vector.broadcast %mul3A_229 : f32 to vector<16xf32>
        %mul3A_231 = arith.mulf %select_n3A_221, %mul3A_230 : vector<16xf32>
        %select_n3A_232 = arith.select %lt3A_228, %mul3A_231, %select_n3A_221 : vector<16xi1>, vector<16xf32>
        %mul3A_233 = arith.constant 6.553600e+04 : f32
        %mul3A_234 = vector.broadcast %mul3A_233 : f32 to vector<16xf32>
        %mul3A_235 = arith.mulf %select_n3A_225, %mul3A_234 : vector<16xf32>
        %select_n3A_236 = arith.select %lt3A_228, %mul3A_235, %select_n3A_225 : vector<16xi1>, vector<16xf32>
        %ge3A_237 = arith.constant 6.553600e+04 : f32
        %ge3A_238 = vector.broadcast %ge3A_237 : f32 to vector<16xf32>
        %ge3A_239 = arith.cmpf oge, %select_n3A_232, %ge3A_238 : vector<16xf32>
        %mul3A_240 = arith.constant 1.52587891E-5 : f32
        %mul3A_241 = vector.broadcast %mul3A_240 : f32 to vector<16xf32>
        %mul3A_242 = arith.mulf %select_n3A_232, %mul3A_241 : vector<16xf32>
        %select_n3A_243 = arith.select %ge3A_239, %mul3A_242, %select_n3A_232 : vector<16xi1>, vector<16xf32>
        %mul3A_244 = arith.constant 3.906250e-03 : f32
        %mul3A_245 = vector.broadcast %mul3A_244 : f32 to vector<16xf32>
        %mul3A_246 = arith.mulf %select_n3A_236, %mul3A_245 : vector<16xf32>
        %select_n3A_247 = arith.select %ge3A_239, %mul3A_246, %select_n3A_236 : vector<16xi1>, vector<16xf32>
        %lt3A_248 = arith.constant 1.52587891E-5 : f32
        %lt3A_249 = vector.broadcast %lt3A_248 : f32 to vector<16xf32>
        %lt3A_250 = arith.cmpf olt, %select_n3A_243, %lt3A_249 : vector<16xf32>
        %mul3A_251 = arith.constant 6.553600e+04 : f32
        %mul3A_252 = vector.broadcast %mul3A_251 : f32 to vector<16xf32>
        %mul3A_253 = arith.mulf %select_n3A_243, %mul3A_252 : vector<16xf32>
        %select_n3A_254 = arith.select %lt3A_250, %mul3A_253, %select_n3A_243 : vector<16xi1>, vector<16xf32>
        %mul3A_255 = arith.constant 2.560000e+02 : f32
        %mul3A_256 = vector.broadcast %mul3A_255 : f32 to vector<16xf32>
        %mul3A_257 = arith.mulf %select_n3A_247, %mul3A_256 : vector<16xf32>
        %select_n3A_258 = arith.select %lt3A_250, %mul3A_257, %select_n3A_247 : vector<16xi1>, vector<16xf32>
        %ge3A_259 = arith.constant 2.560000e+02 : f32
        %ge3A_260 = vector.broadcast %ge3A_259 : f32 to vector<16xf32>
        %ge3A_261 = arith.cmpf oge, %select_n3A_254, %ge3A_260 : vector<16xf32>
        %mul3A_262 = arith.constant 3.906250e-03 : f32
        %mul3A_263 = vector.broadcast %mul3A_262 : f32 to vector<16xf32>
        %mul3A_264 = arith.mulf %select_n3A_254, %mul3A_263 : vector<16xf32>
        %select_n3A_265 = arith.select %ge3A_261, %mul3A_264, %select_n3A_254 : vector<16xi1>, vector<16xf32>
        %mul3A_266 = arith.constant 6.250000e-02 : f32
        %mul3A_267 = vector.broadcast %mul3A_266 : f32 to vector<16xf32>
        %mul3A_268 = arith.mulf %select_n3A_258, %mul3A_267 : vector<16xf32>
        %select_n3A_269 = arith.select %ge3A_261, %mul3A_268, %select_n3A_258 : vector<16xi1>, vector<16xf32>
        %lt3A_270 = arith.constant 3.906250e-03 : f32
        %lt3A_271 = vector.broadcast %lt3A_270 : f32 to vector<16xf32>
        %lt3A_272 = arith.cmpf olt, %select_n3A_265, %lt3A_271 : vector<16xf32>
        %mul3A_273 = arith.constant 2.560000e+02 : f32
        %mul3A_274 = vector.broadcast %mul3A_273 : f32 to vector<16xf32>
        %mul3A_275 = arith.mulf %select_n3A_265, %mul3A_274 : vector<16xf32>
        %select_n3A_276 = arith.select %lt3A_272, %mul3A_275, %select_n3A_265 : vector<16xi1>, vector<16xf32>
        %mul3A_277 = arith.constant 1.600000e+01 : f32
        %mul3A_278 = vector.broadcast %mul3A_277 : f32 to vector<16xf32>
        %mul3A_279 = arith.mulf %select_n3A_269, %mul3A_278 : vector<16xf32>
        %select_n3A_280 = arith.select %lt3A_272, %mul3A_279, %select_n3A_269 : vector<16xi1>, vector<16xf32>
        %ge3A_281 = arith.constant 1.600000e+01 : f32
        %ge3A_282 = vector.broadcast %ge3A_281 : f32 to vector<16xf32>
        %ge3A_283 = arith.cmpf oge, %select_n3A_276, %ge3A_282 : vector<16xf32>
        %mul3A_284 = arith.constant 6.250000e-02 : f32
        %mul3A_285 = vector.broadcast %mul3A_284 : f32 to vector<16xf32>
        %mul3A_286 = arith.mulf %select_n3A_276, %mul3A_285 : vector<16xf32>
        %select_n3A_287 = arith.select %ge3A_283, %mul3A_286, %select_n3A_276 : vector<16xi1>, vector<16xf32>
        %mul3A_288 = arith.constant 2.500000e-01 : f32
        %mul3A_289 = vector.broadcast %mul3A_288 : f32 to vector<16xf32>
        %mul3A_290 = arith.mulf %select_n3A_280, %mul3A_289 : vector<16xf32>
        %select_n3A_291 = arith.select %ge3A_283, %mul3A_290, %select_n3A_280 : vector<16xi1>, vector<16xf32>
        %lt3A_292 = arith.constant 6.250000e-02 : f32
        %lt3A_293 = vector.broadcast %lt3A_292 : f32 to vector<16xf32>
        %lt3A_294 = arith.cmpf olt, %select_n3A_287, %lt3A_293 : vector<16xf32>
        %mul3A_295 = arith.constant 1.600000e+01 : f32
        %mul3A_296 = vector.broadcast %mul3A_295 : f32 to vector<16xf32>
        %mul3A_297 = arith.mulf %select_n3A_287, %mul3A_296 : vector<16xf32>
        %select_n3A_298 = arith.select %lt3A_294, %mul3A_297, %select_n3A_287 : vector<16xi1>, vector<16xf32>
        %mul3A_299 = arith.constant 4.000000e+00 : f32
        %mul3A_300 = vector.broadcast %mul3A_299 : f32 to vector<16xf32>
        %mul3A_301 = arith.mulf %select_n3A_291, %mul3A_300 : vector<16xf32>
        %select_n3A_302 = arith.select %lt3A_294, %mul3A_301, %select_n3A_291 : vector<16xi1>, vector<16xf32>
        %ge3A_303 = arith.constant 4.000000e+00 : f32
        %ge3A_304 = vector.broadcast %ge3A_303 : f32 to vector<16xf32>
        %ge3A_305 = arith.cmpf oge, %select_n3A_298, %ge3A_304 : vector<16xf32>
        %mul3A_306 = arith.constant 2.500000e-01 : f32
        %mul3A_307 = vector.broadcast %mul3A_306 : f32 to vector<16xf32>
        %mul3A_308 = arith.mulf %select_n3A_298, %mul3A_307 : vector<16xf32>
        %select_n3A_309 = arith.select %ge3A_305, %mul3A_308, %select_n3A_298 : vector<16xi1>, vector<16xf32>
        %mul3A_310 = arith.constant 5.000000e-01 : f32
        %mul3A_311 = vector.broadcast %mul3A_310 : f32 to vector<16xf32>
        %mul3A_312 = arith.mulf %select_n3A_302, %mul3A_311 : vector<16xf32>
        %select_n3A_313 = arith.select %ge3A_305, %mul3A_312, %select_n3A_302 : vector<16xi1>, vector<16xf32>
        %lt3A_314 = arith.constant 2.500000e-01 : f32
        %lt3A_315 = vector.broadcast %lt3A_314 : f32 to vector<16xf32>
        %lt3A_316 = arith.cmpf olt, %select_n3A_309, %lt3A_315 : vector<16xf32>
        %mul3A_317 = arith.constant 4.000000e+00 : f32
        %mul3A_318 = vector.broadcast %mul3A_317 : f32 to vector<16xf32>
        %mul3A_319 = arith.mulf %select_n3A_309, %mul3A_318 : vector<16xf32>
        %select_n3A_320 = arith.select %lt3A_316, %mul3A_319, %select_n3A_309 : vector<16xi1>, vector<16xf32>
        %mul3A_321 = arith.constant 2.000000e+00 : f32
        %mul3A_322 = vector.broadcast %mul3A_321 : f32 to vector<16xf32>
        %mul3A_323 = arith.mulf %select_n3A_313, %mul3A_322 : vector<16xf32>
        %select_n3A_324 = arith.select %lt3A_316, %mul3A_323, %select_n3A_313 : vector<16xi1>, vector<16xf32>
        %ge3A_325 = arith.constant 2.000000e+00 : f32
        %ge3A_326 = vector.broadcast %ge3A_325 : f32 to vector<16xf32>
        %ge3A_327 = arith.cmpf oge, %select_n3A_320, %ge3A_326 : vector<16xf32>
        %mul3A_328 = arith.constant 5.000000e-01 : f32
        %mul3A_329 = vector.broadcast %mul3A_328 : f32 to vector<16xf32>
        %mul3A_330 = arith.mulf %select_n3A_320, %mul3A_329 : vector<16xf32>
        %select_n3A_331 = arith.select %ge3A_327, %mul3A_330, %select_n3A_320 : vector<16xi1>, vector<16xf32>
        %mul3A_332 = arith.constant 0.707106769 : f32
        %mul3A_333 = vector.broadcast %mul3A_332 : f32 to vector<16xf32>
        %mul3A_334 = arith.mulf %select_n3A_324, %mul3A_333 : vector<16xf32>
        %select_n3A_335 = arith.select %ge3A_327, %mul3A_334, %select_n3A_324 : vector<16xi1>, vector<16xf32>
        %mul3A_336 = arith.constant 4.571000e-01 : f32
        %mul3A_337 = vector.broadcast %mul3A_336 : f32 to vector<16xf32>
        %mul3A_338 = arith.mulf %mul3A_337, %select_n3A_331 : vector<16xf32>
        %sub3A_339 = arith.constant 1.530000e+00 : f32
        %sub3A_340 = vector.broadcast %sub3A_339 : f32 to vector<16xf32>
        %sub3A_341 = arith.subf %sub3A_340, %mul3A_338 : vector<16xf32>
        %mul3A_342 = arith.constant 5.000000e-01 : f32
        %mul3A_343 = vector.broadcast %mul3A_342 : f32 to vector<16xf32>
        %mul3A_344 = arith.mulf %mul3A_343, %select_n3A_331 : vector<16xf32>
        %mul3A_345 = arith.mulf %mul3A_344, %sub3A_341 : vector<16xf32>
        %mul3A_346 = arith.mulf %mul3A_345, %sub3A_341 : vector<16xf32>
        %sub3A_347 = arith.constant 1.500000e+00 : f32
        %sub3A_348 = vector.broadcast %sub3A_347 : f32 to vector<16xf32>
        %sub3A_349 = arith.subf %sub3A_348, %mul3A_346 : vector<16xf32>
        %mul3A_350 = arith.mulf %sub3A_341, %sub3A_349 : vector<16xf32>
        %mul3A_351 = arith.constant 5.000000e-01 : f32
        %mul3A_352 = vector.broadcast %mul3A_351 : f32 to vector<16xf32>
        %mul3A_353 = arith.mulf %mul3A_352, %select_n3A_331 : vector<16xf32>
        %mul3A_354 = arith.mulf %mul3A_353, %mul3A_350 : vector<16xf32>
        %mul3A_355 = arith.mulf %mul3A_354, %mul3A_350 : vector<16xf32>
        %sub3A_356 = arith.constant 1.500000e+00 : f32
        %sub3A_357 = vector.broadcast %sub3A_356 : f32 to vector<16xf32>
        %sub3A_358 = arith.subf %sub3A_357, %mul3A_355 : vector<16xf32>
        %mul3A_359 = arith.mulf %mul3A_350, %sub3A_358 : vector<16xf32>
        %mul3A_360 = arith.constant 5.000000e-01 : f32
        %mul3A_361 = vector.broadcast %mul3A_360 : f32 to vector<16xf32>
        %mul3A_362 = arith.mulf %mul3A_361, %select_n3A_331 : vector<16xf32>
        %mul3A_363 = arith.mulf %mul3A_362, %mul3A_359 : vector<16xf32>
        %mul3A_364 = arith.mulf %mul3A_363, %mul3A_359 : vector<16xf32>
        %sub3A_365 = arith.constant 1.500000e+00 : f32
        %sub3A_366 = vector.broadcast %sub3A_365 : f32 to vector<16xf32>
        %sub3A_367 = arith.subf %sub3A_366, %mul3A_364 : vector<16xf32>
        %mul3A_368 = arith.mulf %mul3A_359, %sub3A_367 : vector<16xf32>
        %mul3A_369 = arith.constant 5.000000e-01 : f32
        %mul3A_370 = vector.broadcast %mul3A_369 : f32 to vector<16xf32>
        %mul3A_371 = arith.mulf %mul3A_370, %select_n3A_331 : vector<16xf32>
        %mul3A_372 = arith.mulf %mul3A_371, %mul3A_368 : vector<16xf32>
        %mul3A_373 = arith.mulf %mul3A_372, %mul3A_368 : vector<16xf32>
        %sub3A_374 = arith.constant 1.500000e+00 : f32
        %sub3A_375 = vector.broadcast %sub3A_374 : f32 to vector<16xf32>
        %sub3A_376 = arith.subf %sub3A_375, %mul3A_373 : vector<16xf32>
        %mul3A_377 = arith.mulf %mul3A_368, %sub3A_376 : vector<16xf32>
        %mul3A_378 = arith.mulf %mul3A_377, %select_n3A_335 : vector<16xf32>
        %get3A_379 = arith.index_cast %multiple_of3A_157 : i32 to index
        %get3A_380 = tpu.vector_load %arg33[%get3A_379] {strides = array<i32>} : memref<2048xf32, #tpu.memory_space<vmem>>, vector<16xf32>,
        %get3A_381 = vector.shape_cast %get3A_380 : vector<16xf32> to vector<16xf32>
        %mul3A_382 = arith.mulf %get3A_381, %mul3A_378 : vector<16xf32>
        %mul3A_383 = arith.mulf %mul3A_382, %sub3A : vector<16xf32>
        %swap3A = arith.index_cast %multiple_of3A_157 : i32 to index
        %swap3A_384 = tpu.vector_load %arg40[%swap3A] {strides = array<i32>} : memref<2048xf32, #tpu.memory_space<vmem>>, vector<16xf32>,
        %swap3A_385 = vector.shape_cast %swap3A_384 : vector<16xf32> to vector<16xf32>
        %swap3A_386 = vector.shape_cast %mul3A_383 : vector<16xf32> to vector<16xf32>
        tpu.vector_store %arg40[%swap3A], %swap3A_386 {strides = array<i32>} : memref<2048xf32, #tpu.memory_space<vmem>>, vector<16xf32>,
        %mul3A_387 = arith.mulf %mul3A_382, %sub3A_177 : vector<16xf32>
        %swap3A_388 = arith.index_cast %multiple_of3A_157 : i32 to index
        %swap3A_389 = tpu.vector_load %arg41[%swap3A_388] {strides = array<i32>} : memref<2048xf32, #tpu.memory_space<vmem>>, vector<16xf32>,
        %swap3A_390 = vector.shape_cast %swap3A_389 : vector<16xf32> to vector<16xf32>
        %swap3A_391 = vector.shape_cast %mul3A_387 : vector<16xf32> to vector<16xf32>
        tpu.vector_store %arg41[%swap3A_388], %swap3A_391 {strides = array<i32>} : memref<2048xf32, #tpu.memory_space<vmem>>, vector<16xf32>,
        %mul3A_392 = arith.mulf %mul3A_382, %sub3A_188 : vector<16xf32>
        %swap3A_393 = arith.index_cast %multiple_of3A_157 : i32 to index
        %swap3A_394 = tpu.vector_load %arg42[%swap3A_393] {strides = array<i32>} : memref<2048xf32, #tpu.memory_space<vmem>>, vector<16xf32>,
        %swap3A_395 = vector.shape_cast %swap3A_394 : vector<16xf32> to vector<16xf32>
        %swap3A_396 = vector.shape_cast %mul3A_392 : vector<16xf32> to vector<16xf32>
        tpu.vector_store %arg42[%swap3A_393], %swap3A_396 {strides = array<i32>} : memref<2048xf32, #tpu.memory_space<vmem>>, vector<16xf32>,
      }
      %scan3A_148 = arith.constant 128 : i32
      "tpu.region"() ({
        %run_scoped3A = tpu.sem_alloc : memref<!tpu.dma_semaphore, #tpu.memory_space<semaphore_mem>>
        %dma_start3A_154 = arith.constant 0 : i32
        %dma_start3A_155 = tpu.memref_slice %arg46[%dma_start3A_154] : memref<100352xf32, #tpu.memory_space<vmem_shared>> -> memref<100352xf32, #tpu.memory_space<vmem_shared>>
        tpu.enqueue_indirect_dma source(%arg40 : memref<2048xf32, #tpu.memory_space<vmem>>) target(%dma_start3A_155 : memref<100352xf32, #tpu.memory_space<vmem_shared>>) offsets(%arg28 : memref<2048xi32, #tpu.memory_space<vmem>>) semaphore(%run_scoped3A : memref<!tpu.dma_semaphore, #tpu.memory_space<semaphore_mem>>) {add = true}
        %dma_wait3A_156 = arith.constant 0 : i32
        %dma_wait3A_157 = tpu.memref_slice %arg46[%dma_wait3A_156] : memref<100352xf32, #tpu.memory_space<vmem_shared>> -> memref<100352xf32, #tpu.memory_space<vmem_shared>>
        tpu.wait_indirect_dma semaphore(%run_scoped3A : memref<!tpu.dma_semaphore, #tpu.memory_space<semaphore_mem>>) src(%arg40 : memref<2048xf32, #tpu.memory_space<vmem>>) dst(%dma_wait3A_157 : memref<100352xf32, #tpu.memory_space<vmem_shared>>)
        tpu.yield
      }) : () -> ()
      "tpu.region"() ({
        %run_scoped3A = tpu.sem_alloc : memref<!tpu.dma_semaphore, #tpu.memory_space<semaphore_mem>>
        %dma_start3A_154 = arith.constant 0 : i32
        %dma_start3A_155 = tpu.memref_slice %arg47[%dma_start3A_154] : memref<100352xf32, #tpu.memory_space<vmem_shared>> -> memref<100352xf32, #tpu.memory_space<vmem_shared>>
        tpu.enqueue_indirect_dma source(%arg41 : memref<2048xf32, #tpu.memory_space<vmem>>) target(%dma_start3A_155 : memref<100352xf32, #tpu.memory_space<vmem_shared>>) offsets(%arg28 : memref<2048xi32, #tpu.memory_space<vmem>>) semaphore(%run_scoped3A : memref<!tpu.dma_semaphore, #tpu.memory_space<semaphore_mem>>) {add = true}
        %dma_wait3A_156 = arith.constant 0 : i32
        %dma_wait3A_157 = tpu.memref_slice %arg47[%dma_wait3A_156] : memref<100352xf32, #tpu.memory_space<vmem_shared>> -> memref<100352xf32, #tpu.memory_space<vmem_shared>>
        tpu.wait_indirect_dma semaphore(%run_scoped3A : memref<!tpu.dma_semaphore, #tpu.memory_space<semaphore_mem>>) src(%arg41 : memref<2048xf32, #tpu.memory_space<vmem>>) dst(%dma_wait3A_157 : memref<100352xf32, #tpu.memory_space<vmem_shared>>)
        tpu.yield
      }) : () -> ()
      "tpu.region"() ({
        %run_scoped3A = tpu.sem_alloc : memref<!tpu.dma_semaphore, #tpu.memory_space<semaphore_mem>>
        %dma_start3A_154 = arith.constant 0 : i32
        %dma_start3A_155 = tpu.memref_slice %arg48[%dma_start3A_154] : memref<100352xf32, #tpu.memory_space<vmem_shared>> -> memref<100352xf32, #tpu.memory_space<vmem_shared>>
        tpu.enqueue_indirect_dma source(%arg42 : memref<2048xf32, #tpu.memory_space<vmem>>) target(%dma_start3A_155 : memref<100352xf32, #tpu.memory_space<vmem_shared>>) offsets(%arg28 : memref<2048xi32, #tpu.memory_space<vmem>>) semaphore(%run_scoped3A : memref<!tpu.dma_semaphore, #tpu.memory_space<semaphore_mem>>) {add = true}
        %dma_wait3A_156 = arith.constant 0 : i32
        %dma_wait3A_157 = tpu.memref_slice %arg48[%dma_wait3A_156] : memref<100352xf32, #tpu.memory_space<vmem_shared>> -> memref<100352xf32, #tpu.memory_space<vmem_shared>>
        tpu.wait_indirect_dma semaphore(%run_scoped3A : memref<!tpu.dma_semaphore, #tpu.memory_space<semaphore_mem>>) src(%arg42 : memref<2048xf32, #tpu.memory_space<vmem>>) dst(%dma_wait3A_157 : memref<100352xf32, #tpu.memory_space<vmem_shared>>)
        tpu.yield
      }) : () -> ()
      %not3A_149 = arith.constant true
      %not3A_150 = arith.xori %ge3A_89, %not3A_149 : i1
      %convert_element_type3A_151 = arith.extui %not3A_150 : i1 to i32
      %cond3A_152 = arith.constant 0 : i32
      %cond3A_153 = arith.cmpi ne, %convert_element_type3A_151, %cond3A_152 : i32
      scf.if %cond3A_153 {
        %add3A_154 = arith.constant 2 : i32
        %add3A_155 = arith.addi %add3A_123, %add3A_154 : i32
        %mul3A_156 = arith.constant 102400 : i32
        %mul3A_157 = arith.muli %add3A, %mul3A_156 : i32
        %mul3A_158 = arith.constant 2048 : i32
        %mul3A_159 = arith.muli %add3A_155, %mul3A_158 : i32
        %add3A_160 = arith.addi %mul3A_157, %mul3A_159 : i32
        %multiple_of3A_161 = tpu.assume_multiple %add3A_160, 2048 : i32
        %dma_start3A_162 = tpu.memref_slice %arg2[%multiple_of3A_161] : memref<3276800xi32, #tpu.memory_space<hbm>> -> memref<2048xi32, #tpu.memory_space<hbm>>
        %dma_start3A_163 = tpu.memref_slice %arg2[%multiple_of3A_161] : memref<3276800xi32, #tpu.memory_space<hbm>> -> memref<2048xi32, #tpu.memory_space<hbm>>
        tpu.enqueue_dma source(%dma_start3A_163 : memref<2048xi32, #tpu.memory_space<hbm>>) target(%arg28 : memref<2048xi32, #tpu.memory_space<vmem>>) target_semaphore(%arg50 : memref<!tpu.dma_semaphore, #tpu.memory_space<semaphore_mem>>)
        %dma_start3A_164 = tpu.memref_slice %arg3[%multiple_of3A_161] : memref<3276800xi32, #tpu.memory_space<hbm>> -> memref<2048xi32, #tpu.memory_space<hbm>>
        %dma_start3A_165 = tpu.memref_slice %arg3[%multiple_of3A_161] : memref<3276800xi32, #tpu.memory_space<hbm>> -> memref<2048xi32, #tpu.memory_space<hbm>>
        tpu.enqueue_dma source(%dma_start3A_165 : memref<2048xi32, #tpu.memory_space<hbm>>) target(%arg29 : memref<2048xi32, #tpu.memory_space<vmem>>) target_semaphore(%arg50 : memref<!tpu.dma_semaphore, #tpu.memory_space<semaphore_mem>>)
        %dma_start3A_166 = tpu.memref_slice %arg4[%multiple_of3A_161] : memref<3276800xf32, #tpu.memory_space<hbm>> -> memref<2048xf32, #tpu.memory_space<hbm>>
        %dma_start3A_167 = tpu.memref_slice %arg4[%multiple_of3A_161] : memref<3276800xf32, #tpu.memory_space<hbm>> -> memref<2048xf32, #tpu.memory_space<hbm>>
        tpu.enqueue_dma source(%dma_start3A_167 : memref<2048xf32, #tpu.memory_space<hbm>>) target(%arg30 : memref<2048xf32, #tpu.memory_space<vmem>>) target_semaphore(%arg50 : memref<!tpu.dma_semaphore, #tpu.memory_space<semaphore_mem>>)
        %dma_start3A_168 = tpu.memref_slice %arg5[%multiple_of3A_161] : memref<3276800xf32, #tpu.memory_space<hbm>> -> memref<2048xf32, #tpu.memory_space<hbm>>
        %dma_start3A_169 = tpu.memref_slice %arg5[%multiple_of3A_161] : memref<3276800xf32, #tpu.memory_space<hbm>> -> memref<2048xf32, #tpu.memory_space<hbm>>
        tpu.enqueue_dma source(%dma_start3A_169 : memref<2048xf32, #tpu.memory_space<hbm>>) target(%arg31 : memref<2048xf32, #tpu.memory_space<vmem>>) target_semaphore(%arg50 : memref<!tpu.dma_semaphore, #tpu.memory_space<semaphore_mem>>)
        %dma_start3A_170 = tpu.memref_slice %arg6[%multiple_of3A_161] : memref<3276800xf32, #tpu.memory_space<hbm>> -> memref<2048xf32, #tpu.memory_space<hbm>>
        %dma_start3A_171 = tpu.memref_slice %arg6[%multiple_of3A_161] : memref<3276800xf32, #tpu.memory_space<hbm>> -> memref<2048xf32, #tpu.memory_space<hbm>>
        tpu.enqueue_dma source(%dma_start3A_171 : memref<2048xf32, #tpu.memory_space<hbm>>) target(%arg32 : memref<2048xf32, #tpu.memory_space<vmem>>) target_semaphore(%arg50 : memref<!tpu.dma_semaphore, #tpu.memory_space<semaphore_mem>>)
        %dma_start3A_172 = tpu.memref_slice %arg7[%multiple_of3A_161] : memref<3276800xf32, #tpu.memory_space<hbm>> -> memref<2048xf32, #tpu.memory_space<hbm>>
        %dma_start3A_173 = tpu.memref_slice %arg7[%multiple_of3A_161] : memref<3276800xf32, #tpu.memory_space<hbm>> -> memref<2048xf32, #tpu.memory_space<hbm>>
        tpu.enqueue_dma source(%dma_start3A_173 : memref<2048xf32, #tpu.memory_space<hbm>>) target(%arg33 : memref<2048xf32, #tpu.memory_space<vmem>>) target_semaphore(%arg50 : memref<!tpu.dma_semaphore, #tpu.memory_space<semaphore_mem>>)
      } else {
      }
    }
    %scan3A_68 = arith.constant 25 : i32
    %barrier3A_69 = arith.constant 0 : index
    tpu.barrier barrier_id(%barrier3A_69)
    %mul3A_70 = arith.constant 6272 : i32
    %mul3A_71 = arith.muli %arg1, %mul3A_70 : i32
    %multiple_of3A_72 = tpu.assume_multiple %mul3A_71, 128 : i32
    %mul3A_73 = arith.constant 6272 : i32
    %mul3A_74 = arith.muli %arg1, %mul3A_73 : i32
    %add3A_75 = arith.constant 0 : i32
    %add3A_76 = arith.addi %add3A_75, %mul3A_74 : i32
    %multiple_of3A_77 = tpu.assume_multiple %add3A_76, 128 : i32
    "tpu.region"() ({
      %run_scoped3A = tpu.sem_alloc : memref<!tpu.dma_semaphore, #tpu.memory_space<semaphore_mem>>
      %dma_start3A_88 = tpu.memref_slice %arg12[%arg0, %multiple_of3A_77] : memref<2x301056xf32, #tpu.memory_space<hbm>> -> memref<1x6272xf32, #tpu.memory_space<hbm>>
      %dma_start3A_89 = tpu.memref_squeeze %dma_start3A_88 : memref<1x6272xf32, #tpu.memory_space<hbm>> -> memref<6272xf32, #tpu.memory_space<hbm>>
      %dma_start3A_90 = tpu.memref_slice %arg46[%multiple_of3A_72] : memref<100352xf32, #tpu.memory_space<vmem_shared>> -> memref<6272xf32, #tpu.memory_space<vmem_shared>>
      tpu.enqueue_dma source(%dma_start3A_90 : memref<6272xf32, #tpu.memory_space<vmem_shared>>) target(%dma_start3A_89 : memref<6272xf32, #tpu.memory_space<hbm>>) target_semaphore(%run_scoped3A : memref<!tpu.dma_semaphore, #tpu.memory_space<semaphore_mem>>)
      %dma_wait3A_91 = tpu.memref_slice %arg12[%arg0, %multiple_of3A_77] : memref<2x301056xf32, #tpu.memory_space<hbm>> -> memref<1x6272xf32, #tpu.memory_space<hbm>>
      %dma_wait3A_92 = tpu.memref_squeeze %dma_wait3A_91 : memref<1x6272xf32, #tpu.memory_space<hbm>> -> memref<6272xf32, #tpu.memory_space<hbm>>
      %dma_wait3A_93 = tpu.memref_slice %arg46[%multiple_of3A_72] : memref<100352xf32, #tpu.memory_space<vmem_shared>> -> memref<6272xf32, #tpu.memory_space<vmem_shared>>
      tpu.wait_dma2 semaphore(%run_scoped3A : memref<!tpu.dma_semaphore, #tpu.memory_space<semaphore_mem>>) src(%dma_wait3A_93 : memref<6272xf32, #tpu.memory_space<vmem_shared>>) dst(%dma_wait3A_92 : memref<6272xf32, #tpu.memory_space<hbm>>)
      tpu.yield
    }) : () -> ()
    %mul3A_78 = arith.constant 6272 : i32
    %mul3A_79 = arith.muli %arg1, %mul3A_78 : i32
    %add3A_80 = arith.constant 100352 : i32
    %add3A_81 = arith.addi %add3A_80, %mul3A_79 : i32
    %multiple_of3A_82 = tpu.assume_multiple %add3A_81, 128 : i32
    "tpu.region"() ({
      %run_scoped3A = tpu.sem_alloc : memref<!tpu.dma_semaphore, #tpu.memory_space<semaphore_mem>>
      %dma_start3A_88 = tpu.memref_slice %arg12[%arg0, %multiple_of3A_82] : memref<2x301056xf32, #tpu.memory_space<hbm>> -> memref<1x6272xf32, #tpu.memory_space<hbm>>
      %dma_start3A_89 = tpu.memref_squeeze %dma_start3A_88 : memref<1x6272xf32, #tpu.memory_space<hbm>> -> memref<6272xf32, #tpu.memory_space<hbm>>
      %dma_start3A_90 = tpu.memref_slice %arg47[%multiple_of3A_72] : memref<100352xf32, #tpu.memory_space<vmem_shared>> -> memref<6272xf32, #tpu.memory_space<vmem_shared>>
      tpu.enqueue_dma source(%dma_start3A_90 : memref<6272xf32, #tpu.memory_space<vmem_shared>>) target(%dma_start3A_89 : memref<6272xf32, #tpu.memory_space<hbm>>) target_semaphore(%run_scoped3A : memref<!tpu.dma_semaphore, #tpu.memory_space<semaphore_mem>>)
      %dma_wait3A_91 = tpu.memref_slice %arg12[%arg0, %multiple_of3A_82] : memref<2x301056xf32, #tpu.memory_space<hbm>> -> memref<1x6272xf32, #tpu.memory_space<hbm>>
      %dma_wait3A_92 = tpu.memref_squeeze %dma_wait3A_91 : memref<1x6272xf32, #tpu.memory_space<hbm>> -> memref<6272xf32, #tpu.memory_space<hbm>>
      %dma_wait3A_93 = tpu.memref_slice %arg47[%multiple_of3A_72] : memref<100352xf32, #tpu.memory_space<vmem_shared>> -> memref<6272xf32, #tpu.memory_space<vmem_shared>>
      tpu.wait_dma2 semaphore(%run_scoped3A : memref<!tpu.dma_semaphore, #tpu.memory_space<semaphore_mem>>) src(%dma_wait3A_93 : memref<6272xf32, #tpu.memory_space<vmem_shared>>) dst(%dma_wait3A_92 : memref<6272xf32, #tpu.memory_space<hbm>>)
      tpu.yield
    }) : () -> ()
    %mul3A_83 = arith.constant 6272 : i32
    %mul3A_84 = arith.muli %arg1, %mul3A_83 : i32
    %add3A_85 = arith.constant 200704 : i32
    %add3A_86 = arith.addi %add3A_85, %mul3A_84 : i32
    %multiple_of3A_87 = tpu.assume_multiple %add3A_86, 128 : i32
    "tpu.region"() ({
      %run_scoped3A = tpu.sem_alloc : memref<!tpu.dma_semaphore, #tpu.memory_space<semaphore_mem>>
      %dma_start3A_88 = tpu.memref_slice %arg12[%arg0, %multiple_of3A_87] : memref<2x301056xf32, #tpu.memory_space<hbm>> -> memref<1x6272xf32, #tpu.memory_space<hbm>>
      %dma_start3A_89 = tpu.memref_squeeze %dma_start3A_88 : memref<1x6272xf32, #tpu.memory_space<hbm>> -> memref<6272xf32, #tpu.memory_space<hbm>>
      %dma_start3A_90 = tpu.memref_slice %arg48[%multiple_of3A_72] : memref<100352xf32, #tpu.memory_space<vmem_shared>> -> memref<6272xf32, #tpu.memory_space<vmem_shared>>
      tpu.enqueue_dma source(%dma_start3A_90 : memref<6272xf32, #tpu.memory_space<vmem_shared>>) target(%dma_start3A_89 : memref<6272xf32, #tpu.memory_space<hbm>>) target_semaphore(%run_scoped3A : memref<!tpu.dma_semaphore, #tpu.memory_space<semaphore_mem>>)
      %dma_wait3A_91 = tpu.memref_slice %arg12[%arg0, %multiple_of3A_87] : memref<2x301056xf32, #tpu.memory_space<hbm>> -> memref<1x6272xf32, #tpu.memory_space<hbm>>
      %dma_wait3A_92 = tpu.memref_squeeze %dma_wait3A_91 : memref<1x6272xf32, #tpu.memory_space<hbm>> -> memref<6272xf32, #tpu.memory_space<hbm>>
      %dma_wait3A_93 = tpu.memref_slice %arg48[%multiple_of3A_72] : memref<100352xf32, #tpu.memory_space<vmem_shared>> -> memref<6272xf32, #tpu.memory_space<vmem_shared>>
      tpu.wait_dma2 semaphore(%run_scoped3A : memref<!tpu.dma_semaphore, #tpu.memory_space<semaphore_mem>>) src(%dma_wait3A_93 : memref<6272xf32, #tpu.memory_space<vmem_shared>>) dst(%dma_wait3A_92 : memref<6272xf32, #tpu.memory_space<hbm>>)
      tpu.yield
    }) : () -> ()
    return
  }
}

module attributes {stable_mosaic.version = 14 : i64} {
  func.func @_stats1_body(%arg0: i32, %arg1: memref<25600x16xf32, #tpu.memory_space<vmem>>, %arg2: memref<16x16xf32, #tpu.memory_space<vmem>>, %arg3: memref<16x1xf32, #tpu.memory_space<vmem>>, %arg4: memref<2x16xf32, #tpu.memory_space<vmem>>, %arg5: memref<16x25600xf32, #tpu.memory_space<vmem>>) attributes {dimension_semantics = [#tpu.dimension_semantics<arbitrary>], iteration_bounds = array<i64: 125>, scalar_prefetch = 0 : i64, scratch_operands = 0 : i64, tpu.core_type = #tpu.core_type<tc>, window_params = [{transform_indices = @transform_0, window_bounds = array<i64: 25600, 16>}, {pipeline_mode = #tpu.pipeline_mode<synchronous>, transform_indices = @transform_1, window_bounds = array<i64: 16, 16>}, {pipeline_mode = #tpu.pipeline_mode<synchronous>, transform_indices = @transform_2, window_bounds = array<i64: 16, 1>}, {pipeline_mode = #tpu.pipeline_mode<synchronous>, transform_indices = @transform_3, window_bounds = array<i64: 2, 16>}, {transform_indices = @transform_4, window_bounds = array<i64: 16, 25600>}]} {
    %get3A = arith.constant 0 : index
    %get3A_0 = arith.constant 0 : index
    %get3A_1 = vector.load %arg1[%get3A, %get3A_0] : memref<25600x16xf32, #tpu.memory_space<vmem>>, vector<25600x16xf32>
    %transpose3A = tpu.transpose %get3A_1, [1, 0] : vector<25600x16xf32> -> vector<16x25600xf32>
    %swap3A = arith.constant 0 : index
    %swap3A_2 = arith.constant 0 : index
    %swap3A_3 = vector.load %arg5[%swap3A, %swap3A_2] : memref<16x25600xf32, #tpu.memory_space<vmem>>, vector<16x25600xf32>
    tpu.vector_store %arg5[%swap3A, %swap3A_2], %transpose3A {strides = array<i32>} : memref<16x25600xf32, #tpu.memory_space<vmem>>, vector<16x25600xf32>,
    %get3A_4 = arith.constant 0 : index
    %get3A_5 = arith.constant 0 : index
    %get3A_6 = vector.load %arg2[%get3A_4, %get3A_5] : memref<16x16xf32, #tpu.memory_space<vmem>>, vector<16x16xf32>
    %dot_general3A = arith.constant dense<0.000000e+00> : vector<16x25600xf32>
    %dot_general3A_7 = tpu.matmul %get3A_6, %transpose3A, %dot_general3A {dimension_numbers = #tpu.dot_dimension_numbers<[1], [0], [0], [1], [0, 0, 1, 1], [], []>, transpose_lhs_hint = false} : vector<16x16xf32>, vector<16x25600xf32>, vector<16x25600xf32> -> vector<16x25600xf32>
    %get3A_8 = arith.constant 0 : index
    %get3A_9 = arith.constant 0 : index
    %get3A_10 = vector.load %arg3[%get3A_8, %get3A_9] : memref<16x1xf32, #tpu.memory_space<vmem>>, vector<16x1xf32>
    %add3A = vector.broadcast %get3A_10 : vector<16x1xf32> to vector<16x25600xf32>
    %add3A_11 = arith.addf %dot_general3A_7, %add3A : vector<16x25600xf32>
    %reduce_sum3A = arith.constant dense<0.000000e+00> : vector<16xf32>
    %reduce_sum3A_12 = vector.multi_reduction <add>, %add3A_11, %reduce_sum3A [1] : vector<16x25600xf32> to vector<16xf32>
    %mul3A = arith.mulf %add3A_11, %add3A_11 : vector<16x25600xf32>
    %reduce_sum3A_13 = arith.constant dense<0.000000e+00> : vector<16xf32>
    %reduce_sum3A_14 = vector.multi_reduction <add>, %mul3A, %reduce_sum3A_13 [1] : vector<16x25600xf32> to vector<16xf32>
    %stack3A = vector.shape_cast %reduce_sum3A_12 : vector<16xf32> to vector<1x16xf32>
    %stack3A_15 = vector.shape_cast %reduce_sum3A_14 : vector<16xf32> to vector<1x16xf32>
    %stack3A_16 = tpu.concatenate %stack3A, %stack3A_15 in 0 : vector<1x16xf32>, vector<1x16xf32> -> vector<2x16xf32>
    %eq3A = arith.constant 0 : i32
    %eq3A_17 = arith.cmpi eq, %arg0, %eq3A : i32
    %convert_element_type3A = arith.extui %eq3A_17 : i1 to i32
    %cond3A = arith.constant 0 : i32
    %cond3A_18 = arith.cmpi ne, %convert_element_type3A, %cond3A : i32
    scf.if %cond3A_18 {
      %broadcast_in_dim3A = arith.constant 0.000000e+00 : f32
      %broadcast_in_dim3A_26 = vector.broadcast %broadcast_in_dim3A : f32 to vector<2x16xf32>
      %swap3A_27 = arith.constant 0 : index
      %swap3A_28 = arith.constant 0 : index
      %swap3A_29 = vector.load %arg4[%swap3A_27, %swap3A_28] : memref<2x16xf32, #tpu.memory_space<vmem>>, vector<2x16xf32>
      tpu.vector_store %arg4[%swap3A_27, %swap3A_28], %broadcast_in_dim3A_26 {strides = array<i32>} : memref<2x16xf32, #tpu.memory_space<vmem>>, vector<2x16xf32>,
    } else {
    }
    %get3A_19 = arith.constant 0 : index
    %get3A_20 = arith.constant 0 : index
    %get3A_21 = vector.load %arg4[%get3A_19, %get3A_20] : memref<2x16xf32, #tpu.memory_space<vmem>>, vector<2x16xf32>
    %add3A_22 = arith.addf %get3A_21, %stack3A_16 : vector<2x16xf32>
    %swap3A_23 = arith.constant 0 : index
    %swap3A_24 = arith.constant 0 : index
    %swap3A_25 = vector.load %arg4[%swap3A_23, %swap3A_24] : memref<2x16xf32, #tpu.memory_space<vmem>>, vector<2x16xf32>
    tpu.vector_store %arg4[%swap3A_23, %swap3A_24], %add3A_22 {strides = array<i32>} : memref<2x16xf32, #tpu.memory_space<vmem>>, vector<2x16xf32>,
    return
  }
  func.func @transform_0(%arg0: i32) -> (i32, i32) {
    %c0_i32 = arith.constant 0 : i32
    %c0_i32_0 = arith.constant 0 : i32
    return %arg0, %c0_i32 : i32, i32
  }
  func.func @transform_1(%arg0: i32) -> (i32, i32) {
    %c0_i32 = arith.constant 0 : i32
    %c0_i32_0 = arith.constant 0 : i32
    %c0_i32_1 = arith.constant 0 : i32
    return %c0_i32, %c0_i32_0 : i32, i32
  }
  func.func @transform_2(%arg0: i32) -> (i32, i32) {
    %c0_i32 = arith.constant 0 : i32
    %c0_i32_0 = arith.constant 0 : i32
    %c0_i32_1 = arith.constant 0 : i32
    return %c0_i32, %c0_i32_0 : i32, i32
  }
  func.func @transform_3(%arg0: i32) -> (i32, i32) {
    %c0_i32 = arith.constant 0 : i32
    %c0_i32_0 = arith.constant 0 : i32
    %c0_i32_1 = arith.constant 0 : i32
    return %c0_i32, %c0_i32_0 : i32, i32
  }
  func.func @transform_4(%arg0: i32) -> (i32, i32) {
    %c0_i32 = arith.constant 0 : i32
    %c0_i32_0 = arith.constant 0 : i32
    return %c0_i32, %arg0 : i32, i32
  }
}

module attributes {stable_mosaic.version = 14 : i64} {
  func.func @_stats2_body(%arg0: i32, %arg1: memref<16x25600xf32, #tpu.memory_space<vmem>>, %arg2: memref<16x16xf32, #tpu.memory_space<vmem>>, %arg3: memref<16x1xf32, #tpu.memory_space<vmem>>, %arg4: memref<16x16xf32, #tpu.memory_space<vmem>>, %arg5: memref<16x1xf32, #tpu.memory_space<vmem>>, %arg6: memref<2x16xf32, #tpu.memory_space<vmem>>) attributes {dimension_semantics = [#tpu.dimension_semantics<arbitrary>], iteration_bounds = array<i64: 125>, scalar_prefetch = 0 : i64, scratch_operands = 0 : i64, tpu.core_type = #tpu.core_type<tc>, window_params = [{transform_indices = @transform_0, window_bounds = array<i64: 16, 25600>}, {pipeline_mode = #tpu.pipeline_mode<synchronous>, transform_indices = @transform_1, window_bounds = array<i64: 16, 16>}, {pipeline_mode = #tpu.pipeline_mode<synchronous>, transform_indices = @transform_2, window_bounds = array<i64: 16, 1>}, {pipeline_mode = #tpu.pipeline_mode<synchronous>, transform_indices = @transform_3, window_bounds = array<i64: 16, 16>}, {pipeline_mode = #tpu.pipeline_mode<synchronous>, transform_indices = @transform_4, window_bounds = array<i64: 16, 1>}, {pipeline_mode = #tpu.pipeline_mode<synchronous>, transform_indices = @transform_5, window_bounds = array<i64: 2, 16>}]} {
    %get3A = arith.constant 0 : index
    %get3A_0 = arith.constant 0 : index
    %get3A_1 = vector.load %arg2[%get3A, %get3A_0] : memref<16x16xf32, #tpu.memory_space<vmem>>, vector<16x16xf32>
    %get3A_2 = arith.constant 0 : index
    %get3A_3 = arith.constant 0 : index
    %get3A_4 = vector.load %arg1[%get3A_2, %get3A_3] : memref<16x25600xf32, #tpu.memory_space<vmem>>, vector<16x25600xf32>
    %dot_general3A = arith.constant dense<0.000000e+00> : vector<16x25600xf32>
    %dot_general3A_5 = tpu.matmul %get3A_1, %get3A_4, %dot_general3A {dimension_numbers = #tpu.dot_dimension_numbers<[1], [0], [0], [1], [0, 0, 1, 1], [], []>, transpose_lhs_hint = false} : vector<16x16xf32>, vector<16x25600xf32>, vector<16x25600xf32> -> vector<16x25600xf32>
    %get3A_6 = arith.constant 0 : index
    %get3A_7 = arith.constant 0 : index
    %get3A_8 = vector.load %arg3[%get3A_6, %get3A_7] : memref<16x1xf32, #tpu.memory_space<vmem>>, vector<16x1xf32>
    %add3A = vector.broadcast %get3A_8 : vector<16x1xf32> to vector<16x25600xf32>
    %add3A_9 = arith.addf %dot_general3A_5, %add3A : vector<16x25600xf32>
    %max3A = arith.constant 0.000000e+00 : f32
    %max3A_10 = vector.broadcast %max3A : f32 to vector<16x25600xf32>
    %max3A_11 = arith.maximumf %add3A_9, %max3A_10 : vector<16x25600xf32>
    %abs3A = math.absf %add3A_9 : vector<16x25600xf32>
    %neg3A = arith.constant 0.000000e+00 : f32
    %neg3A_12 = vector.broadcast %neg3A : f32 to vector<16x25600xf32>
    %neg3A_13 = arith.subf %neg3A_12, %abs3A : vector<16x25600xf32>
    %exp3A = math.exp %neg3A_13 : vector<16x25600xf32>
    %log1p3A = math.log1p %exp3A : vector<16x25600xf32>
    %add3A_14 = arith.addf %max3A_11, %log1p3A : vector<16x25600xf32>
    %get3A_15 = arith.constant 0 : index
    %get3A_16 = arith.constant 0 : index
    %get3A_17 = vector.load %arg4[%get3A_15, %get3A_16] : memref<16x16xf32, #tpu.memory_space<vmem>>, vector<16x16xf32>
    %dot_general3A_18 = arith.constant dense<0.000000e+00> : vector<16x25600xf32>
    %dot_general3A_19 = tpu.matmul %get3A_17, %add3A_14, %dot_general3A_18 {dimension_numbers = #tpu.dot_dimension_numbers<[1], [0], [0], [1], [0, 0, 1, 1], [], []>, transpose_lhs_hint = false} : vector<16x16xf32>, vector<16x25600xf32>, vector<16x25600xf32> -> vector<16x25600xf32>
    %get3A_20 = arith.constant 0 : index
    %get3A_21 = arith.constant 0 : index
    %get3A_22 = vector.load %arg5[%get3A_20, %get3A_21] : memref<16x1xf32, #tpu.memory_space<vmem>>, vector<16x1xf32>
    %add3A_23 = vector.broadcast %get3A_22 : vector<16x1xf32> to vector<16x25600xf32>
    %add3A_24 = arith.addf %dot_general3A_19, %add3A_23 : vector<16x25600xf32>
    %reduce_sum3A = arith.constant dense<0.000000e+00> : vector<16xf32>
    %reduce_sum3A_25 = vector.multi_reduction <add>, %add3A_24, %reduce_sum3A [1] : vector<16x25600xf32> to vector<16xf32>
    %mul3A = arith.mulf %add3A_24, %add3A_24 : vector<16x25600xf32>
    %reduce_sum3A_26 = arith.constant dense<0.000000e+00> : vector<16xf32>
    %reduce_sum3A_27 = vector.multi_reduction <add>, %mul3A, %reduce_sum3A_26 [1] : vector<16x25600xf32> to vector<16xf32>
    %stack3A = vector.shape_cast %reduce_sum3A_25 : vector<16xf32> to vector<1x16xf32>
    %stack3A_28 = vector.shape_cast %reduce_sum3A_27 : vector<16xf32> to vector<1x16xf32>
    %stack3A_29 = tpu.concatenate %stack3A, %stack3A_28 in 0 : vector<1x16xf32>, vector<1x16xf32> -> vector<2x16xf32>
    %eq3A = arith.constant 0 : i32
    %eq3A_30 = arith.cmpi eq, %arg0, %eq3A : i32
    %convert_element_type3A = arith.extui %eq3A_30 : i1 to i32
    %cond3A = arith.constant 0 : i32
    %cond3A_31 = arith.cmpi ne, %convert_element_type3A, %cond3A : i32
    scf.if %cond3A_31 {
      %broadcast_in_dim3A = arith.constant 0.000000e+00 : f32
      %broadcast_in_dim3A_38 = vector.broadcast %broadcast_in_dim3A : f32 to vector<2x16xf32>
      %swap3A_39 = arith.constant 0 : index
      %swap3A_40 = arith.constant 0 : index
      %swap3A_41 = vector.load %arg6[%swap3A_39, %swap3A_40] : memref<2x16xf32, #tpu.memory_space<vmem>>, vector<2x16xf32>
      tpu.vector_store %arg6[%swap3A_39, %swap3A_40], %broadcast_in_dim3A_38 {strides = array<i32>} : memref<2x16xf32, #tpu.memory_space<vmem>>, vector<2x16xf32>,
    } else {
    }
    %get3A_32 = arith.constant 0 : index
    %get3A_33 = arith.constant 0 : index
    %get3A_34 = vector.load %arg6[%get3A_32, %get3A_33] : memref<2x16xf32, #tpu.memory_space<vmem>>, vector<2x16xf32>
    %add3A_35 = arith.addf %get3A_34, %stack3A_29 : vector<2x16xf32>
    %swap3A = arith.constant 0 : index
    %swap3A_36 = arith.constant 0 : index
    %swap3A_37 = vector.load %arg6[%swap3A, %swap3A_36] : memref<2x16xf32, #tpu.memory_space<vmem>>, vector<2x16xf32>
    tpu.vector_store %arg6[%swap3A, %swap3A_36], %add3A_35 {strides = array<i32>} : memref<2x16xf32, #tpu.memory_space<vmem>>, vector<2x16xf32>,
    return
  }
  func.func @transform_0(%arg0: i32) -> (i32, i32) {
    %c0_i32 = arith.constant 0 : i32
    %c0_i32_0 = arith.constant 0 : i32
    return %c0_i32, %arg0 : i32, i32
  }
  func.func @transform_1(%arg0: i32) -> (i32, i32) {
    %c0_i32 = arith.constant 0 : i32
    %c0_i32_0 = arith.constant 0 : i32
    %c0_i32_1 = arith.constant 0 : i32
    return %c0_i32, %c0_i32_0 : i32, i32
  }
  func.func @transform_2(%arg0: i32) -> (i32, i32) {
    %c0_i32 = arith.constant 0 : i32
    %c0_i32_0 = arith.constant 0 : i32
    %c0_i32_1 = arith.constant 0 : i32
    return %c0_i32, %c0_i32_0 : i32, i32
  }
  func.func @transform_3(%arg0: i32) -> (i32, i32) {
    %c0_i32 = arith.constant 0 : i32
    %c0_i32_0 = arith.constant 0 : i32
    %c0_i32_1 = arith.constant 0 : i32
    return %c0_i32, %c0_i32_0 : i32, i32
  }
  func.func @transform_4(%arg0: i32) -> (i32, i32) {
    %c0_i32 = arith.constant 0 : i32
    %c0_i32_0 = arith.constant 0 : i32
    %c0_i32_1 = arith.constant 0 : i32
    return %c0_i32, %c0_i32_0 : i32, i32
  }
  func.func @transform_5(%arg0: i32) -> (i32, i32) {
    %c0_i32 = arith.constant 0 : i32
    %c0_i32_0 = arith.constant 0 : i32
    %c0_i32_1 = arith.constant 0 : i32
    return %c0_i32, %c0_i32_0 : i32, i32
  }
}

module attributes {stable_mosaic.version = 14 : i64} {
  func.func @_scalar_body(%arg0: i32, %arg1: memref<16x25600xf32, #tpu.memory_space<vmem>>, %arg2: memref<16x16xf32, #tpu.memory_space<vmem>>, %arg3: memref<16x1xf32, #tpu.memory_space<vmem>>, %arg4: memref<16x16xf32, #tpu.memory_space<vmem>>, %arg5: memref<16x1xf32, #tpu.memory_space<vmem>>, %arg6: memref<16x1xf32, #tpu.memory_space<vmem>>, %arg7: memref<1x1xf32, #tpu.memory_space<vmem>>, %arg8: memref<25600xf32, #tpu.memory_space<vmem>>) attributes {dimension_semantics = [#tpu.dimension_semantics<arbitrary>], iteration_bounds = array<i64: 125>, scalar_prefetch = 0 : i64, scratch_operands = 0 : i64, tpu.core_type = #tpu.core_type<tc>, window_params = [{transform_indices = @transform_0, window_bounds = array<i64: 16, 25600>}, {pipeline_mode = #tpu.pipeline_mode<synchronous>, transform_indices = @transform_1, window_bounds = array<i64: 16, 16>}, {pipeline_mode = #tpu.pipeline_mode<synchronous>, transform_indices = @transform_2, window_bounds = array<i64: 16, 1>}, {pipeline_mode = #tpu.pipeline_mode<synchronous>, transform_indices = @transform_3, window_bounds = array<i64: 16, 16>}, {pipeline_mode = #tpu.pipeline_mode<synchronous>, transform_indices = @transform_4, window_bounds = array<i64: 16, 1>}, {pipeline_mode = #tpu.pipeline_mode<synchronous>, transform_indices = @transform_5, window_bounds = array<i64: 16, 1>}, {pipeline_mode = #tpu.pipeline_mode<synchronous>, transform_indices = @transform_6, window_bounds = array<i64: 1, 1>}, {transform_indices = @transform_7, window_bounds = array<i64: 25600>}]} {
    %get3A = arith.constant 0 : index
    %get3A_0 = arith.constant 0 : index
    %get3A_1 = vector.load %arg2[%get3A, %get3A_0] : memref<16x16xf32, #tpu.memory_space<vmem>>, vector<16x16xf32>
    %get3A_2 = arith.constant 0 : index
    %get3A_3 = arith.constant 0 : index
    %get3A_4 = vector.load %arg1[%get3A_2, %get3A_3] : memref<16x25600xf32, #tpu.memory_space<vmem>>, vector<16x25600xf32>
    %dot_general3A = arith.constant dense<0.000000e+00> : vector<16x25600xf32>
    %dot_general3A_5 = tpu.matmul %get3A_1, %get3A_4, %dot_general3A {dimension_numbers = #tpu.dot_dimension_numbers<[1], [0], [0], [1], [0, 0, 1, 1], [], []>, transpose_lhs_hint = false} : vector<16x16xf32>, vector<16x25600xf32>, vector<16x25600xf32> -> vector<16x25600xf32>
    %get3A_6 = arith.constant 0 : index
    %get3A_7 = arith.constant 0 : index
    %get3A_8 = vector.load %arg3[%get3A_6, %get3A_7] : memref<16x1xf32, #tpu.memory_space<vmem>>, vector<16x1xf32>
    %add3A = vector.broadcast %get3A_8 : vector<16x1xf32> to vector<16x25600xf32>
    %add3A_9 = arith.addf %dot_general3A_5, %add3A : vector<16x25600xf32>
    %max3A = arith.constant 0.000000e+00 : f32
    %max3A_10 = vector.broadcast %max3A : f32 to vector<16x25600xf32>
    %max3A_11 = arith.maximumf %add3A_9, %max3A_10 : vector<16x25600xf32>
    %abs3A = math.absf %add3A_9 : vector<16x25600xf32>
    %neg3A = arith.constant 0.000000e+00 : f32
    %neg3A_12 = vector.broadcast %neg3A : f32 to vector<16x25600xf32>
    %neg3A_13 = arith.subf %neg3A_12, %abs3A : vector<16x25600xf32>
    %exp3A = math.exp %neg3A_13 : vector<16x25600xf32>
    %log1p3A = math.log1p %exp3A : vector<16x25600xf32>
    %add3A_14 = arith.addf %max3A_11, %log1p3A : vector<16x25600xf32>
    %get3A_15 = arith.constant 0 : index
    %get3A_16 = arith.constant 0 : index
    %get3A_17 = vector.load %arg4[%get3A_15, %get3A_16] : memref<16x16xf32, #tpu.memory_space<vmem>>, vector<16x16xf32>
    %dot_general3A_18 = arith.constant dense<0.000000e+00> : vector<16x25600xf32>
    %dot_general3A_19 = tpu.matmul %get3A_17, %add3A_14, %dot_general3A_18 {dimension_numbers = #tpu.dot_dimension_numbers<[1], [0], [0], [1], [0, 0, 1, 1], [], []>, transpose_lhs_hint = false} : vector<16x16xf32>, vector<16x25600xf32>, vector<16x25600xf32> -> vector<16x25600xf32>
    %get3A_20 = arith.constant 0 : index
    %get3A_21 = arith.constant 0 : index
    %get3A_22 = vector.load %arg5[%get3A_20, %get3A_21] : memref<16x1xf32, #tpu.memory_space<vmem>>, vector<16x1xf32>
    %add3A_23 = vector.broadcast %get3A_22 : vector<16x1xf32> to vector<16x25600xf32>
    %add3A_24 = arith.addf %dot_general3A_19, %add3A_23 : vector<16x25600xf32>
    %max3A_25 = arith.constant 0.000000e+00 : f32
    %max3A_26 = vector.broadcast %max3A_25 : f32 to vector<16x25600xf32>
    %max3A_27 = arith.maximumf %add3A_24, %max3A_26 : vector<16x25600xf32>
    %abs3A_28 = math.absf %add3A_24 : vector<16x25600xf32>
    %neg3A_29 = arith.constant 0.000000e+00 : f32
    %neg3A_30 = vector.broadcast %neg3A_29 : f32 to vector<16x25600xf32>
    %neg3A_31 = arith.subf %neg3A_30, %abs3A_28 : vector<16x25600xf32>
    %exp3A_32 = math.exp %neg3A_31 : vector<16x25600xf32>
    %log1p3A_33 = math.log1p %exp3A_32 : vector<16x25600xf32>
    %add3A_34 = arith.addf %max3A_27, %log1p3A_33 : vector<16x25600xf32>
    %get3A_35 = arith.constant 0 : index
    %get3A_36 = arith.constant 0 : index
    %get3A_37 = vector.load %arg6[%get3A_35, %get3A_36] : memref<16x1xf32, #tpu.memory_space<vmem>>, vector<16x1xf32>
    %mul3A = vector.broadcast %get3A_37 : vector<16x1xf32> to vector<16x25600xf32>
    %mul3A_38 = arith.mulf %add3A_34, %mul3A : vector<16x25600xf32>
    %reduce_sum3A = arith.constant dense<0.000000e+00> : vector<25600xf32>
    %reduce_sum3A_39 = vector.multi_reduction <add>, %mul3A_38, %reduce_sum3A [0] : vector<16x25600xf32> to vector<25600xf32>
    %get3A_40 = arith.constant 0 : index
    %get3A_41 = arith.constant 0 : index
    %get3A_42 = vector.load %arg7[%get3A_40, %get3A_41] : memref<1x1xf32, #tpu.memory_space<vmem>>, vector<1x1xf32>
    %get3A_43 = vector.extract %get3A_42[0, 0] : f32 from vector<1x1xf32>
    %add3A_44 = vector.broadcast %get3A_43 : f32 to vector<25600xf32>
    %add3A_45 = arith.addf %reduce_sum3A_39, %add3A_44 : vector<25600xf32>
    %swap3A = arith.constant 0 : index
    %swap3A_46 = vector.load %arg8[%swap3A] : memref<25600xf32, #tpu.memory_space<vmem>>, vector<25600xf32>
    tpu.vector_store %arg8[%swap3A], %add3A_45 {strides = array<i32>} : memref<25600xf32, #tpu.memory_space<vmem>>, vector<25600xf32>,
    return
  }
  func.func @transform_0(%arg0: i32) -> (i32, i32) {
    %c0_i32 = arith.constant 0 : i32
    %c0_i32_0 = arith.constant 0 : i32
    return %c0_i32, %arg0 : i32, i32
  }
  func.func @transform_1(%arg0: i32) -> (i32, i32) {
    %c0_i32 = arith.constant 0 : i32
    %c0_i32_0 = arith.constant 0 : i32
    %c0_i32_1 = arith.constant 0 : i32
    return %c0_i32, %c0_i32_0 : i32, i32
  }
  func.func @transform_2(%arg0: i32) -> (i32, i32) {
    %c0_i32 = arith.constant 0 : i32
    %c0_i32_0 = arith.constant 0 : i32
    %c0_i32_1 = arith.constant 0 : i32
    return %c0_i32, %c0_i32_0 : i32, i32
  }
  func.func @transform_3(%arg0: i32) -> (i32, i32) {
    %c0_i32 = arith.constant 0 : i32
    %c0_i32_0 = arith.constant 0 : i32
    %c0_i32_1 = arith.constant 0 : i32
    return %c0_i32, %c0_i32_0 : i32, i32
  }
  func.func @transform_4(%arg0: i32) -> (i32, i32) {
    %c0_i32 = arith.constant 0 : i32
    %c0_i32_0 = arith.constant 0 : i32
    %c0_i32_1 = arith.constant 0 : i32
    return %c0_i32, %c0_i32_0 : i32, i32
  }
  func.func @transform_5(%arg0: i32) -> (i32, i32) {
    %c0_i32 = arith.constant 0 : i32
    %c0_i32_0 = arith.constant 0 : i32
    %c0_i32_1 = arith.constant 0 : i32
    return %c0_i32, %c0_i32_0 : i32, i32
  }
  func.func @transform_6(%arg0: i32) -> (i32, i32) {
    %c0_i32 = arith.constant 0 : i32
    %c0_i32_0 = arith.constant 0 : i32
    %c0_i32_1 = arith.constant 0 : i32
    return %c0_i32, %c0_i32_0 : i32, i32
  }
  func.func @transform_7(%arg0: i32) -> i32 {
    %c0_i32 = arith.constant 0 : i32
    return %arg0 : i32
  }
}

module attributes {stable_mosaic.version = 14 : i64} {
  func.func @_add_body(%arg0: i32, %arg1: memref<2x2352x128xf32, #tpu.memory_space<vmem>>, %arg2: memref<2352x128xf32, #tpu.memory_space<vmem>>) attributes {dimension_semantics = [#tpu.dimension_semantics<arbitrary>], iteration_bounds = array<i64: 1>, scalar_prefetch = 0 : i64, scratch_operands = 0 : i64, tpu.core_type = #tpu.core_type<tc>, window_params = [{pipeline_mode = #tpu.pipeline_mode<synchronous>, transform_indices = @transform_0, window_bounds = array<i64: 2, 2352, 128>}, {pipeline_mode = #tpu.pipeline_mode<synchronous>, transform_indices = @transform_1, window_bounds = array<i64: 2352, 128>}]} {
    %get3A = arith.constant 0 : index
    %get3A_0 = arith.constant 0 : index
    %get3A_1 = arith.constant 0 : index
    %get3A_2 = vector.load %arg1[%get3A, %get3A_0, %get3A_1] : memref<2x2352x128xf32, #tpu.memory_space<vmem>>, vector<1x2352x128xf32>
    %get3A_3 = vector.shape_cast %get3A_2 : vector<1x2352x128xf32> to vector<2352x128xf32>
    %get3A_4 = arith.constant 1 : index
    %get3A_5 = arith.constant 0 : index
    %get3A_6 = arith.constant 0 : index
    %get3A_7 = vector.load %arg1[%get3A_4, %get3A_5, %get3A_6] : memref<2x2352x128xf32, #tpu.memory_space<vmem>>, vector<1x2352x128xf32>
    %get3A_8 = vector.shape_cast %get3A_7 : vector<1x2352x128xf32> to vector<2352x128xf32>
    %add3A = arith.addf %get3A_3, %get3A_8 : vector<2352x128xf32>
    %swap3A = arith.constant 0 : index
    %swap3A_9 = arith.constant 0 : index
    %swap3A_10 = vector.load %arg2[%swap3A, %swap3A_9] : memref<2352x128xf32, #tpu.memory_space<vmem>>, vector<2352x128xf32>
    tpu.vector_store %arg2[%swap3A, %swap3A_9], %add3A {strides = array<i32>} : memref<2352x128xf32, #tpu.memory_space<vmem>>, vector<2352x128xf32>,
    return
  }
  func.func @transform_0(%arg0: i32) -> (i32, i32, i32) {
    %c0_i32 = arith.constant 0 : i32
    %c0_i32_0 = arith.constant 0 : i32
    %c0_i32_1 = arith.constant 0 : i32
    %c0_i32_2 = arith.constant 0 : i32
    return %c0_i32, %c0_i32_0, %c0_i32_1 : i32, i32, i32
  }
  func.func @transform_1(%arg0: i32) -> (i32, i32) {
    %c0_i32 = arith.constant 0 : i32
    %c0_i32_0 = arith.constant 0 : i32
    %c0_i32_1 = arith.constant 0 : i32
    return %c0_i32, %c0_i32_0 : i32, i32
  }
}

</mosaic_0001>

<sc_bundles>
// kernel: kernel.7.cloned.1.call-start
scs
__scs_entry_jumppad:
0x0: {  	(pc) =	sbr.rel $0x88, $3  }
0x1: {  	(tag) =	ssettag $0x0;
	lr =	simm.s32 $0x1  }
0x2: {  	[smem:$0x3F93] =	sst lr;
	_ =	strace $0xD0000000  }
0x3: {  	_ = 	snop  }
0x4: {  	_ = 	snop  }
0x5: {  	_ = 	snop  }
0x6: {  	_ = 	snop  }
0x7: {  	_ = 	snop  }
__scs_overlays_trampoline_lowered:
0x8: {  	[smem:$0x3FA2] =	sst s0  }
0x9: {  	[smem:$0x3FA3] =	sst s1  }
0xa: {  	[smem:$0x3FA4] =	sst s2  }
0xb: {  	[smem:$0x3FA5] =	sst s3  }
0xc: {  	[smem:$0x3FA6] =	sst s4  }
0xd: {  	[smem:$0x3FA7] =	sst s5  }
0xe: {  	[smem:$0x3FA8] =	sst s6  }
0xf: {  	[smem:$0x3FA9] =	sst s7  }
0x10: {  	[smem:$0x3FAA] =	sst s8  }
0x11: {  	[smem:$0x3FAB] =	sst s9;
	s0 =	simm.s32 @!p0 $0x0  }
0x12: {  	s1 =	sld [smem:$0x3F91];
	s0 =	simm.s32 @p0 $0x1  }
0x13: {  	[smem:$0x3FAC] =	sst s0;
	s0 =	simm.s32 @!p1 $0x0  }
0x14: {  	s2 =	sld [smem:$0x3F90];
	s0 =	simm.s32 @p1 $0x1  }
0x15: {  	[smem:$0x3FAD] =	sst s0;
	s0 =	simm.s32 @!p2 $0x0  }
0x16: {  	s3 =	sld [smem:$0x3FDB];
	s0 =	simm.s32 @p2 $0x1  }
0x17: {  	s4 =	simm.s32 $0x1BF5;
	[smem:$0x3FAF] =	sst s0  }
0x18: {  	s0 =	sld [smem:$0x3F92];
	_ =	swait.ge [sflag:s4], $0x0  }
0x19: {  	s7 =	sld [smem:$0x3F93]  }
0x1a: {  	s8 =	sadd.s32 $0xFFFFE003, lr  }
0x1b: {  	s9 =	sadd.s32 $0xFFFFFEF7, lr;
	s5 =	simm.s32 $0xFFFFFFFF;
	p2 =	slt.u32 s8, $0xFFFFF086  }
0x1c: {  	p1 =	slt.u32 s9, $0xF7A;
	s5 =	simm.s32 @!p2 $0x0  }
0x1d: {  	s5 =	simm.s32 @p1 $0x1;
	p0 =	seq.s32 s7, s2  }
0x1e: {  	s7 =	smul.u32 @!p0 $0xF7A, s2;
	p2 =	seq.s32 @!p0 s5, $0x0  }
0x1f: {  	s9 =	smul.u32 $0xF7A, s1;
	s8 =	simm.s32 @!p0 $0x1BF5;
	p2 =	por !p2, p0  }
0x20: {  	[sflag:s8] =	ssyncset.s32 @!p0 $0xFFFFF086;
	s6 =	sadd.s32 @!p0 s3, s7;
	s7 =	simm.s32 @!p0 $0x108  }
0x21: {  	s3 =	sadd.s32 s3, s9;
	s6 =	sadd.s32 @!p0 $0x88, s6;
	s7 =	simm.s32 @p2 $0x1082  }
0x22: {  	[simem:s7], [sflag:s8] =	dma.local @!p0 [hbm:s6], $0xF7A  }
0x23: {  	s9 =	sor.u32 $0xD0000000, s2;
	s6 =	simm.s32 $0x108;
	_ =	swait.ge @!p0 [sflag:s8], $0x0  }
0x24: {  	s3 =	sadd.s32 $0x88, s3;
	s6 =	simm.s32 @!p1 $0x1082;
	[sflag:s4] =	ssyncset.s32 $0xFFFFF086  }
0x25: {  	[simem:s6], [sflag:s4] =	dma.local [hbm:s3], $0xF7A  }
0x26: {  	[smem:$0x3F93] =	sst s1;
	(tag) =	ssettag s2;
	_ =	strace s9  }
0x27: {  	s1 =	sld [smem:$0x3FA3]  }
0x28: {  	s2 =	sld [smem:$0x3FA4]  }
0x29: {  	s4 =	sld [smem:$0x3FA6]  }
0x2a: {  	p0 =	seq.s32 s5, $0x0;
	s5 =	sld [smem:$0x3FA7]  }
0x2b: {  	s6 =	sld [smem:$0x3FA8]  }
0x2c: {  	s7 =	sld [smem:$0x3FA9]  }
0x2d: {  	s3 =	simm.s32 $0x108;
	s8 =	sld [smem:$0x3FAA]  }
0x2e: {  	s3 =	simm.s32 @!p0 $0x1082;
	s9 =	sld [smem:$0x3FAB]  }
0x2f: {  	lr =	sadd.s32 s0, s3;
	s0 =	sld [smem:$0x3FA2]  }
0x30: {  	s3 =	sld [smem:$0x3FA5]  }
0x31: {  	[smem:$0x3FAE] =	sst s10  }
0x32: {  	s10 =	sld [smem:$0x3FAC];
	_ =	sdelay $0x3  }
0x33: {  	p0 =	seq.s32 s10, $0x1;
	s10 =	sld [smem:$0x3FAE];
	_ =	sdelay $0x3  }
0x34: {  	[smem:$0x3FAE] =	sst s10  }
0x35: {  	s10 =	sld [smem:$0x3FAD];
	_ =	sdelay $0x3  }
0x36: {  	p1 =	seq.s32 s10, $0x1;
	s10 =	sld [smem:$0x3FAE];
	_ =	sdelay $0x3  }
0x37: {  	[smem:$0x3FAE] =	sst s10  }
0x38: {  	s10 =	sld [smem:$0x3FAF]  }
0x39: {  	_ = 	snop;
	(pc) =	sbr.ind lr, $3  }
0x3a: {  	_ = 	snop  }
0x3b: {  	_ = 	snop  }
0x3c: {  	p2 =	seq.s32 s10, $0x1;
	s10 =	sld [smem:$0x3FAE]  }
0x3d: {  	_ =	shalt  }
0x3e: {  	_ =	shalt  }
0x3f: {  	_ =	shalt  }
0x40: {  	_ =	shalt  }
0x41: {  	_ =	shalt  }
0x42: {  	_ =	shalt  }
0x43: {  	_ =	shalt  }
0x44: {  	_ =	shalt  }
0x45: {  	_ =	shalt  }
0x46: {  	_ =	shalt  }
0x47: {  	_ =	shalt  }
0x48: {  	_ =	shalt  }
0x49: {  	_ =	shalt  }
0x4a: {  	_ =	shalt  }
0x4b: {  	_ =	shalt  }
0x4c: {  	_ =	shalt  }
0x4d: {  	_ =	shalt  }
0x4e: {  	_ =	shalt  }
0x4f: {  	_ =	shalt  }
0x50: {  	_ =	shalt  }
0x51: {  	_ =	shalt  }
0x52: {  	_ =	shalt  }
0x53: {  	_ =	shalt  }
0x54: {  	_ =	shalt  }
0x55: {  	_ =	shalt  }
0x56: {  	_ =	shalt  }
0x57: {  	_ =	shalt  }
0x58: {  	_ =	shalt  }
0x59: {  	_ =	shalt  }
0x5a: {  	_ =	shalt  }
0x5b: {  	_ =	shalt  }
0x5c: {  	_ =	shalt  }
0x5d: {  	_ =	shalt  }
0x5e: {  	_ =	shalt  }
0x5f: {  	_ =	shalt  }
0x60: {  	_ =	shalt  }
0x61: {  	_ =	shalt  }
0x62: {  	_ =	shalt  }
0x63: {  	_ =	shalt  }
0x64: {  	_ =	shalt  }
0x65: {  	_ =	shalt  }
0x66: {  	_ =	shalt  }
0x67: {  	_ =	shalt  }
0x68: {  	_ =	shalt  }
0x69: {  	_ =	shalt  }
0x6a: {  	_ =	shalt  }
0x6b: {  	_ =	shalt  }
0x6c: {  	_ =	shalt  }
0x6d: {  	_ =	shalt  }
0x6e: {  	_ =	shalt  }
0x6f: {  	_ =	shalt  }
0x70: {  	_ =	shalt  }
0x71: {  	_ =	shalt  }
0x72: {  	_ =	shalt  }
0x73: {  	_ =	shalt  }
0x74: {  	_ =	shalt  }
0x75: {  	_ =	shalt  }
0x76: {  	_ =	shalt  }
0x77: {  	_ =	shalt  }
0x78: {  	_ =	shalt  }
0x79: {  	_ =	shalt  }
0x7a: {  	_ =	shalt  }
0x7b: {  	_ =	shalt  }
0x7c: {  	_ =	shalt  }
0x7d: {  	_ =	shalt  }
0x7e: {  	_ =	shalt  }
0x7f: {  	_ =	shalt  }
0x80: {  	_ =	shalt  }
0x81: {  	_ =	shalt  }
0x82: {  	_ =	shalt  }
0x83: {  	_ =	shalt  }
0x84: {  	_ =	shalt  }
0x85: {  	_ =	shalt  }
0x86: {  	_ =	shalt  }
0x87: {  	_ =	shalt  }
.Lfunc_end0:
.L_simem_size_0:
called_computation_lowered:
.L_overlay_start_0:
0x88: {  	s2 =	sld [smem:$0x3FD9]  }
0x89: {  	s3 =	sld [smem:$0x3FFE];
	_ =	sdelay $0x1  }
0x8a: {  	s1 =	srdreg.scid  }
0x8b: {  	s0 =	sand.u32 $0x1, s1  }
0x8c: {  	s17 =	sshll.u32 s0, $0xA;
	s2 =	sadd.s32 s3, s2  }
0x8d: {  	s2 =	sadd.s32 s2, s17  }
0x8e: {  	[smem:$0x3FBA] =	sst s2  }
0x8f: {  	_ = 	snop  }
0x90: {  	s2 =	sld [smem:$0x3FD0];
	(tm) =	ssettm $0x1  }
0x91: {  	s18 =	sld [smem:$0x3FFB];
	_ =	sdelay $0x3  }
0x92: {  	_ =	strace s18  }
0x93: {  	s3 =	sld [smem:$0x3FFC];
	_ =	sdelay $0x3  }
0x94: {  	_ =	strace s3  }
0x95: {  	s3 =	sld [smem:$0x3FFD];
	_ =	sdelay $0x3  }
0x96: {  	_ =	strace s3  }
0x97: {  	_ =	strace $0x8FFFFFFF  }
0x98: {  	s19 =	sld [smem:$0x3FDB];
	_ =	sdelay $0x1  }
0x99: {  	s4 =	simm.s32 $_scs_section_size  }
0x9a: {  	s5 =	simm.s32 $_size__tile_overlayer_lowered;
	s6 =	simm.s32 $_tile_overlayer_lowered  }
0x9b: {  	s22 =	simm.s32 $0x1BFF;
	s21 =	sshll.u32 s6, $0x1;
	s3 =	sadd.s32 s4, s19  }
0x9c: {  	s7 =	simm.s32 $0x0;
	s20 =	sshll.u32 s5, $0x1;
	s5 =	sadd.s32 s21, s3  }
0x9d: {  	[timem:s7], [sflag:s22] =	dma.local [hbm:s5], s20  }
0x9e: {  	_ =	swait.ge [sflag:s22], s20  }
0x9f: {  	s4 =	ssub.s32 $0x0, s20;
	[sflag:s22] =	ssyncset.done $0x0  }
0xa0: {  	[sflag:s22] =	ssyncadd.s32 s4;
	_ =	sdelay $0x1  }
0xa1: {  	s23 =	simm.s32 $0x1B8B  }
0xa2: {  	_ =	swait.ge [sflag:s23], $0x1  }
0xa3: {  	[sflag:s23] =	ssyncset.done $0x0  }
0xa4: {  	s25 =	simm.s32 $0x1B8E;
	s24 =	sld [smem:$0x3FFE];
	[sflag:s23] =	ssyncadd.s32 $0xFFFFFFFF  }
0xa5: {  	s26 =	simm.s32 $execute0_lowered;
	[smem:$0x3FD2] =	sst s25  }
0xa6: {  	s5 =	sshll.u32 s26, $0x1;
	_ =	strace $0x80000046;
	[dreg:$0x1] =	wrdreg $0xFFFFFFFF  }
0xa7: {  	s28 =	simm.s32 $_size_execute0_lowered;
	s3 =	sadd.s32 s3, s5;
	[dreg:$0x0] =	wrdreg $0x0  }
0xa8: {  	s5 =	sshll.u32 s28, $0x1;
	[dreg:$0x2] =	wrdreg s3  }
0xa9: {  	[dreg:$0x3] =	wrdreg s5  }
0xaa: {  	[dreg:$0x4] =	wrdreg $0xC0  }
0xab: {  	_ =	task [dreg:s7], $0x5FFFF  }
0xac: {  	[dreg:$0x1] =	wrdreg $0xFFFFFFFF  }
0xad: {  	[dreg:$0x0] =	wrdreg $0x60  }
0xae: {  	[dreg:$0x2] =	wrdreg s24  }
0xaf: {  	[dreg:$0x3] =	wrdreg s2  }
0xb0: {  	[dreg:$0x4] =	wrdreg $0x139800  }
0xb1: {  	[dreg:$0x5] =	wrdreg $0x152000  }
0xb2: {  	[dreg:$0x6] =	wrdreg $0x16A800  }
0xb3: {  	[dreg:$0x7] =	wrdreg $0xF0000  }
0xb4: {  	[dreg:$0x8] =	wrdreg $0x108800  }
0xb5: {  	[dreg:$0x9] =	wrdreg $0x121000  }
0xb6: {  	[dreg:$0xa] =	wrdreg $0x9  }
0xb7: {  	_ =	task.clear_ibuf [dreg:s7], $0xBFFFF;
	_ =	strace $0x90000046  }
0xb8: {  	s29 =	simm.s32 $0x9;
	_ =	strace $0x80000048  }
0xb9: {  	_ =	swait.ge [sflag:s29], $0x1  }
0xba: {  	[sflag:s29] =	ssyncadd.s32 $0xFFFFFFFF  }
0xbb: {  	_ =	strace $0x90000048  }
0xbc: {  	_ =	sfence  }
0xbd: {  	s30 =	sld [smem:$0x0];
	_ =	sdelay $0x2  }
0xbe: {  	s31 =	sshll.u32 s1, $0xD;
	s1 =	sshrl.u32 s1, $0x2  }
0xbf: {  	s3 =	sand.u32 $0x4000, s31;
	s1 =	sadd.s32 s1, s30  }
0xc0: {  	s0 =	sor.u32 s3, s0;
	s1 =	sshll.u32 s1, $0x11  }
0xc1: {  	s0 =	sor.u32 s1, s0  }
0xc2: {  	s0 =	sadd.s32 $0x8F2B, s0  }
0xc3: {  	[sflag:s0] =	ssyncadd.remote.s32 $0x1  }
0xc4: {  	_ =	sfence.sel $0xFFFF  }
0xc5: {  	[dreg:$0x0] =	wrdreg $0xFFFFFFFF;
	(pc) =	sbr.abs _section_cstart, $3  }
0xc6: {  	[dreg:$0x1] =	wrdreg $0xFFFFFFFF  }
0xc7: {  	_ =	task.clear_ibuf [dreg:s7], $0x2FFFF;
	_ =	strace $0x9FFFFFFF  }
0xc8: {  	(tm) =	ssettm $0x7FFFFFFF  }
0xc9: {  	_ =	shalt  }
tec
execute0_lowered:
.L_overlay_start_1:
0x0: {  	(tag) =	ssettag $0x1  }
0x1: {  	s0 =	rddreg [dreg:$0x0]  }
0x2: {  	s8 =	rddreg [dreg:$0x1]  }
0x3: {  	s1 =	rddreg [dreg:$0x2]  }
0x4: {  	s2 =	rddreg [dreg:$0x3]  }
0x5: {  	s3 =	rddreg [dreg:$0x4]  }
0x6: {  	s4 =	rddreg [dreg:$0x5]  }
0x7: {  	s5 =	rddreg [dreg:$0x6]  }
0x8: {  	s6 =	rddreg [dreg:$0x7];
	s7 =	simm.s32 $0x0;
	s22 =	stileid.u32  }
0x9: {  	s14 =	srdreg.scid;
	[smem:$0x7FF] =	sst s7  }
0xa: {  	s9 =	sadd.s32 $0x1F3000, s0;
	s10 =	sadd.s32 $0x257000, s0;
	s11 =	sadd.s32 $0x9C00, s0  }
0xb: {  	s15 =	smul.u32 $0x1880, s22;
	s12 =	sadd.s32 $0x12B000, s0;
	s13 =	sadd.s32 $0x18F000, s0  }
0xc: {  	s16 =	sand.u32 $0x1, s14;
	s14 =	sadd.s32 $0xC7000, s0;
	s25 =	sshll.u32 s22, $0x1  }
0xd: {  	s21 =	smul.u32 $0x3100, s22;
	s22 =	sshll.u32 s22, $0x6;
	_ =	strace $0x80000047  }
0xe: {  	s18 =	ssub.s32 $0x2, s16;
	s24 =	sor.u32 $0x1C05, s22;
	s17 =	sshrl.u32 s15, $0x3  }
0xf: {  	s20 =	sshrl.u32 s18, $0x1;
	s22 =	sadd.s32 s15, s3;
	[dreg:$0xa] =	wrdreg s24  }
0x10: {  	s19 =	sadd.s32 s17, s0;
	s0 =	sadd.s32 $0x70E00, s0;
	s18 =	ssub.s32 s18, s20  }
0x11: {  	s20 =	sor.u32 s16, s25;
	s8 =	sadd.s32 s8, s17;
	[dreg:$0x13] =	wrdreg s22  }
0x12: {  	s16 =	sshll.u32 s16, $0x7;
	s23 =	sadd.s32 $0x6DC00, s19;
	[dreg:$0xb] =	wrdreg s8  }
0x13: {  	s16 =	sor.u32 s16, s21;
	s21 =	sadd.s32 s15, s2;
	[dreg:$0x9] =	wrdreg s23  }
0x14: {  	s26 =	sadd.s32 $0x31000, s16;
	s28 =	sadd.s32 $0x62000, s16;
	s16 =	sshrl.u32 s16, $0x3  }
0x15: {  	[dreg:$0x12] =	wrdreg s21;
	s8 =	sshrl.u32 s26, $0x3;
	s16 =	sadd.s32 s0, s16  }
0x16: {  	s17 =	sshrl.u32 s28, $0x3;
	[dreg:$0xc] =	wrdreg s16;
	s8 =	sadd.s32 s0, s8  }
0x17: {  	s0 =	sadd.s32 s0, s17;
	[dreg:$0xd] =	wrdreg s8  }
0x18: {  	s17 =	sadd.s32 $0x6A00, s19;
	[dreg:$0xe] =	wrdreg s0;
	s0 =	smul.u32 $0x19000, s20  }
0x19: {  	s19 =	sadd.s32 $0x3800, s19;
	[dreg:$0xf] =	wrdreg s17  }
0x1a: {  	[dreg:$0x10] =	wrdreg s19;
	s20 =	sadd.s32 s15, s1;
	s23 =	sshrl.u32 s0, $0x3  }
0x1b: {  	[dreg:$0x11] =	wrdreg s20;
	s25 =	sadd.s32 s9, s23  }
0x1c: {  	s26 =	sadd.s32 s10, s23;
	[dreg:$0x14] =	wrdreg s25  }
0x1d: {  	s28 =	sadd.s32 s11, s23;
	[dreg:$0x15] =	wrdreg s26  }
0x1e: {  	s20 =	sadd.s32 s12, s23;
	[dreg:$0x16] =	wrdreg s28  }
0x1f: {  	s29 =	simm.s32 $0x5;
	s21 =	sadd.s32 s13, s23;
	[dreg:$0x17] =	wrdreg s20  }
0x20: {  	s19 =	sor.u32 $0x100, s23;
	s17 =	sadd.s32 s14, s23;
	[dreg:$0x18] =	wrdreg s21  }
0x21: {  	s30 =	simm.s32 $0x800;
	[dreg:$0x19] =	wrdreg s17;
	s22 =	sadd.s32 s9, s19  }
0x22: {  	s31 =	simm.s32 $0x3;
	s23 =	sadd.s32 s10, s19;
	[dreg:$0x1a] =	wrdreg s22  }
0x23: {  	s16 =	sadd.s32 s15, s5;
	s25 =	sadd.s32 s11, s19;
	[dreg:$0x1b] =	wrdreg s23  }
0x24: {  	s8 =	sadd.s32 s15, s4;
	s26 =	sadd.s32 s12, s19;
	[dreg:$0x1c] =	wrdreg s25  }
0x25: {  	s15 =	sadd.s32 s15, s6;
	s28 =	sadd.s32 s13, s19;
	[dreg:$0x1d] =	wrdreg s26  }
0x26: {  	s20 =	sadd.s32 s14, s19;
	s21 =	smax.u32 s18, $0x1;
	[dreg:$0x1e] =	wrdreg s28  }
0x27: {  	s17 =	simm.s32 $0x1;
	[dreg:$0x1f] =	wrdreg s20;
	s22 =	sadd.s32 $0x1000, s0  }
.Ltmp0:
0x28: {  	s23 =	sadd.s32 $0x1800, s0;
	[smem:$0x7FA] =	sst s21;
	(pc) =	sbr.rel .LBB2_1-.Ltmp0, $4  }
0x29: {  	s25 =	sshrl.u32 s8, $0x3;
	s26 =	sshrl.u32 s16, $0x3;
	s28 =	sshrl.u32 s15, $0x3  }
0x2a: {  	s0 =	simm.s32 $0x7800;
	s8 =	simm.s32 $0x8000;
	[smem:$0x7FB] =	sst s25  }
0x2b: {  	s21 =	simm.s32 $0x2;
	s20 =	simm.s32 $0x4;
	[smem:$0x7FC] =	sst s26  }
0x2c: {  	v0 =	vimm.f32 $1.000000000e+00;
	s16 =	simm.s32 $0x0;
	[smem:$0x7FD] =	sst s28;
	s26 =	simm.s32 $0xE800  }
.LBB2_8:
0x2d: {  	[bflag:$0x0] =	sbarrier.arrive $0xFFFF  }
0x2e: {  	s19 =	sld [smem:$0x7F7]  }
0x2f: {  	s17 =	simm.s32 $0x1;
	s24 =	rddreg [dreg:$0xa]  }
0x30: {  	s16 =	simm.s32 $0x20;
	s18 =	simm.s32 $0x10;
	s15 =	rddreg [dreg:$0xc]  }
0x31: {  	[hbm:s15@s16], [sflag:s24] =	dma.strided [spmem:s19@s18], $0x310, s17, $0x10   }
0x32: {  	_ =	swait.ge [sflag:s29], $0x310  }
0x33: {  	s28 =	sld [smem:$0x7F8]  }
0x34: {  	[sflag:s29] =	ssyncset.done $0x0  }
0x35: {  	s25 =	rddreg [dreg:$0xd];
	[sflag:s29] =	ssyncadd.s32 $0xFFFFFCF0  }
0x36: {  	[hbm:s25@s16], [sflag:s24] =	dma.strided [spmem:s28@s18], $0x310, s17, $0x10   }
0x37: {  	_ =	swait.ge [sflag:s29], $0x310  }
0x38: {  	s28 =	sld [smem:$0x7F9]  }
0x39: {  	[sflag:s29] =	ssyncset.done $0x0  }
0x3a: {  	s25 =	rddreg [dreg:$0xe];
	[sflag:s29] =	ssyncadd.s32 $0xFFFFFCF0  }
0x3b: {  	[hbm:s25@s16], [sflag:s24] =	dma.strided [spmem:s28@s18], $0x310, s17, $0x10   }
0x3c: {  	_ =	swait.ge [sflag:s29], $0x310  }
0x3d: {  	s25 =	sld [smem:$0x7F6]  }
0x3e: {  	s28 =	sld [smem:$0x7FA];
	_ =	sdelay $0x1  }
0x3f: {  	s16 =	sadd.s32 $0x1, s25  }
0x40: {  	p0 =	sne.s32 s16, s28  }
.Ltmp1:
0x41: {  	_ = 	snop;
	(pc) =	sbr.rel @!p0 .LBB2_9-.Ltmp1, $3  }
0x42: {  	_ =	sdelay $0x1  }
0x43: {  	[sflag:s29] =	ssyncset.done $0x0  }
0x44: {  	[sflag:s29] =	ssyncadd.s32 $0xFFFFFCF0  }
.LBB2_1:
0x45: {  	[smem:$0x7F6] =	sst s16  }
0x46: {  	s15 =	rddreg [dreg:$0x11]  }
0x47: {  	s18 =	rddreg [dreg:$0x9];
	s15 =	sshrl.u32 s15, $0x3  }
0x48: {  	[smem:$0x7F7] =	sst s15  }
0x49: {  	[spmem:s15], [sflag:s24] =	dma.local [hbm:s18], $0x310  }
0x4a: {  	_ =	swait.ge [sflag:s29], $0x310  }
0x4b: {  	s19 =	rddreg [dreg:$0x12]  }
0x4c: {  	[sflag:s29] =	ssyncset.done $0x0;
	s16 =	sshrl.u32 s19, $0x3  }
0x4d: {  	[sflag:s29] =	ssyncadd.s32 $0xFFFFFCF0;
	[smem:$0x7F8] =	sst s16  }
0x4e: {  	[spmem:s16], [sflag:s24] =	dma.local [hbm:s18], $0x310  }
0x4f: {  	_ =	swait.ge [sflag:s29], $0x310  }
0x50: {  	s25 =	rddreg [dreg:$0x13]  }
0x51: {  	[sflag:s29] =	ssyncset.done $0x0;
	s16 =	sshrl.u32 s25, $0x3  }
0x52: {  	[sflag:s29] =	ssyncadd.s32 $0xFFFFFCF0;
	[smem:$0x7F9] =	sst s16  }
0x53: {  	[spmem:s16], [sflag:s24] =	dma.local [hbm:s18], $0x310  }
0x54: {  	_ =	swait.ge [sflag:s29], $0x310  }
0x55: {  	s18 =	sld [smem:$0x7FB]  }
0x56: {  	[sflag:s29] =	ssyncset.done $0x0  }
0x57: {  	s16 =	rddreg [dreg:$0xf];
	[sflag:s29] =	ssyncadd.s32 $0xFFFFFCF0  }
0x58: {  	[spmem:s18], [sflag:s24] =	dma.local [hbm:s16], $0x310  }
0x59: {  	_ =	swait.ge [sflag:s29], $0x310  }
0x5a: {  	s25 =	sld [smem:$0x7FC]  }
0x5b: {  	[sflag:s29] =	ssyncset.done $0x0  }
0x5c: {  	s19 =	rddreg [dreg:$0x10];
	[sflag:s29] =	ssyncadd.s32 $0xFFFFFCF0  }
0x5d: {  	[spmem:s25], [sflag:s24] =	dma.local [hbm:s19], $0x310  }
0x5e: {  	_ =	swait.ge [sflag:s29], $0x310  }
0x5f: {  	s19 =	sld [smem:$0x7FD]  }
0x60: {  	[sflag:s29] =	ssyncset.done $0x0  }
0x61: {  	s18 =	rddreg [dreg:$0xb];
	[sflag:s29] =	ssyncadd.s32 $0xFFFFFCF0  }
0x62: {  	[spmem:s19], [sflag:s24] =	dma.local [hbm:s18], $0x310  }
0x63: {  	_ =	swait.ge [sflag:s29], $0x310  }
0x64: {  	[sflag:s29] =	ssyncset.done $0x0  }
0x65: {  	[sflag:s29] =	ssyncadd.s32 $0xFFFFFCF0  }
0x66: {  	[bflag:$0x0] =	sbarrier.arrive $0xFFFF  }
0x67: {  	s25 =	rddreg [dreg:$0x14]  }
0x68: {  	[tilespmem:s7], [sflag:$0x1] =	stream.linear.gather [hbm4b:s25+s7], $0x800, $0x38;
	[tilespmem:$0x18300] =	vst v63  }
0x69: {  	s16 =	rddreg [dreg:$0x15]  }
0x6a: {  	[tilespmem:s30], [sflag:$0x1] =	stream.linear.gather [hbm4b:s16+s7], $0x800, $0x38;
	[tilespmem:$0x18300] =	vst v63  }
0x6b: {  	s19 =	simm.s32 $0x1000;
	s18 =	rddreg [dreg:$0x16]  }
0x6c: {  	[tilespmem:s19], [sflag:$0x1] =	stream.linear.gather [hbm4b:s18+s7], $0x800, $0x38;
	[tilespmem:$0x18300] =	vst v63  }
0x6d: {  	s24 =	rddreg [dreg:$0x17];
	s25 =	simm.s32 $0x1800  }
0x6e: {  	[tilespmem:s25], [sflag:$0x1] =	stream.linear.gather [hbm4b:s24+s7], $0x800, $0x38;
	[tilespmem:$0x18300] =	vst v63  }
0x6f: {  	s18 =	rddreg [dreg:$0x18];
	s19 =	simm.s32 $0x2000  }
0x70: {  	[tilespmem:s19], [sflag:$0x1] =	stream.linear.gather [hbm4b:s18+s7], $0x800, $0x38;
	[tilespmem:$0x18300] =	vst v63  }
0x71: {  	s24 =	rddreg [dreg:$0x19];
	s25 =	simm.s32 $0x2800  }
0x72: {  	[tilespmem:s25], [sflag:$0x1] =	stream.linear.gather [hbm4b:s24+s7], $0x800, $0x38;
	[tilespmem:$0x18300] =	vst v63  }
0x73: {  	_ =	swait.ge [sflag:s17], $0x800  }
0x74: {  	[sflag:s17] =	ssyncset.done $0x0  }
0x75: {  	[sflag:s17] =	ssyncadd.s32 $0xFFFFF800  }
0x76: {  	_ =	swait.ge [sflag:s17], $0x800  }
0x77: {  	[sflag:s17] =	ssyncset.done $0x0  }
0x78: {  	[sflag:s17] =	ssyncadd.s32 $0xFFFFF800  }
0x79: {  	_ =	swait.ge [sflag:s17], $0x800  }
0x7a: {  	[sflag:s17] =	ssyncset.done $0x0  }
0x7b: {  	[sflag:s17] =	ssyncadd.s32 $0xFFFFF800  }
0x7c: {  	_ =	swait.ge [sflag:s17], $0x800  }
0x7d: {  	[sflag:s17] =	ssyncset.done $0x0  }
0x7e: {  	[sflag:s17] =	ssyncadd.s32 $0xFFFFF800  }
0x7f: {  	_ =	swait.ge [sflag:s17], $0x800  }
0x80: {  	[sflag:s17] =	ssyncset.done $0x0  }
0x81: {  	[sflag:s17] =	ssyncadd.s32 $0xFFFFF800  }
0x82: {  	_ =	swait.ge [sflag:s17], $0x800  }
0x83: {  	[sflag:s17] =	ssyncset.done $0x0  }
0x84: {  	s18 =	simm.s32 $0x3000;
	[sflag:s17] =	ssyncadd.s32 $0xFFFFF800  }
0x85: {  	[tilespmem:s18], [sflag:$0x3] =	stream.indirect.gather [spmem:s4], $0x1, s7, s30, $0xb8;
	[tilespmem:$0x18300] =	vst v63  }
0x86: {  	s19 =	simm.s32 $0x3800  }
0x87: {  	[tilespmem:s19], [sflag:$0x3] =	stream.indirect.gather [spmem:s5], $0x1, s7, s30, $0xb8;
	[tilespmem:$0x18300] =	vst v63  }
0x88: {  	s24 =	simm.s32 $0x4000  }
0x89: {  	[tilespmem:s24], [sflag:$0x3] =	stream.indirect.gather [spmem:s6], $0x1, s7, s30, $0xb8;
	[tilespmem:$0x18300] =	vst v63  }
0x8a: {  	s25 =	simm.s32 $0x4800  }
0x8b: {  	[tilespmem:s25], [sflag:$0x3] =	stream.indirect.gather [spmem:s4], $0x1, s30, s30, $0xb8;
	[tilespmem:$0x18300] =	vst v63  }
0x8c: {  	s16 =	simm.s32 $0x5000  }
0x8d: {  	[tilespmem:s16], [sflag:$0x3] =	stream.indirect.gather [spmem:s5], $0x1, s30, s30, $0xb8;
	[tilespmem:$0x18300] =	vst v63  }
0x8e: {  	s17 =	simm.s32 $0x5800  }
0x8f: {  	[tilespmem:s17], [sflag:$0x3] =	stream.indirect.gather [spmem:s6], $0x1, s30, s30, $0xb8;
	[tilespmem:$0x18300] =	vst v63  }
0x90: {  	s18 =	rddreg [dreg:$0x1a]  }
0x91: {  	[tilespmem:s0], [sflag:$0x2] =	stream.linear.gather [hbm4b:s18+s7], $0x800, $0x38;
	[tilespmem:$0x18300] =	vst v63  }
0x92: {  	s19 =	rddreg [dreg:$0x1b]  }
0x93: {  	[tilespmem:s8], [sflag:$0x2] =	stream.linear.gather [hbm4b:s19+s7], $0x800, $0x38;
	[tilespmem:$0x18300] =	vst v63  }
0x94: {  	s24 =	rddreg [dreg:$0x1c];
	s25 =	simm.s32 $0x8800  }
0x95: {  	[tilespmem:s25], [sflag:$0x2] =	stream.linear.gather [hbm4b:s24+s7], $0x800, $0x38;
	[tilespmem:$0x18300] =	vst v63  }
0x96: {  	s16 =	rddreg [dreg:$0x1d];
	s17 =	simm.s32 $0x9000  }
0x97: {  	[tilespmem:s17], [sflag:$0x2] =	stream.linear.gather [hbm4b:s16+s7], $0x800, $0x38;
	[tilespmem:$0x18300] =	vst v63  }
0x98: {  	s18 =	rddreg [dreg:$0x1e];
	s19 =	simm.s32 $0x9800  }
0x99: {  	[tilespmem:s19], [sflag:$0x2] =	stream.linear.gather [hbm4b:s18+s7], $0x800, $0x38;
	[tilespmem:$0x18300] =	vst v63  }
0x9a: {  	s28 =	simm.s32 $0x0;
	s24 =	rddreg [dreg:$0x1f];
	s25 =	simm.s32 $0xA000  }
0x9b: {  	[tilespmem:s25], [sflag:$0x2] =	stream.linear.gather [hbm4b:s24+s7], $0x800, $0x38;
	[tilespmem:$0x18300] =	vst v63  }
.LBB2_2:
0x9c: {  	_ =	swait.ge [sflag:s21], $0x800  }
0x9d: {  	[sflag:s21] =	ssyncset.done $0x0  }
0x9e: {  	[sflag:s21] =	ssyncadd.s32 $0xFFFFF800  }
0x9f: {  	_ =	swait.ge [sflag:s21], $0x800  }
0xa0: {  	[sflag:s21] =	ssyncset.done $0x0  }
0xa1: {  	[sflag:s21] =	ssyncadd.s32 $0xFFFFF800  }
0xa2: {  	_ =	swait.ge [sflag:s21], $0x800  }
0xa3: {  	[sflag:s21] =	ssyncset.done $0x0  }
0xa4: {  	[sflag:s21] =	ssyncadd.s32 $0xFFFFF800  }
0xa5: {  	_ =	swait.ge [sflag:s21], $0x800  }
0xa6: {  	[sflag:s21] =	ssyncset.done $0x0  }
0xa7: {  	[sflag:s21] =	ssyncadd.s32 $0xFFFFF800  }
0xa8: {  	_ =	swait.ge [sflag:s21], $0x800  }
0xa9: {  	[sflag:s21] =	ssyncset.done $0x0  }
0xaa: {  	[sflag:s21] =	ssyncadd.s32 $0xFFFFF800  }
0xab: {  	_ =	swait.ge [sflag:s21], $0x800  }
0xac: {  	[sflag:s21] =	ssyncset.done $0x0  }
0xad: {  	s15 =	simm.s32 $0xA800;
	[sflag:s21] =	ssyncadd.s32 $0xFFFFF800  }
0xae: {  	[tilespmem:s15], [sflag:$0x4] =	stream.indirect.gather [spmem:s4], $0x1, s0, s30, $0xb8;
	[tilespmem:$0x18300] =	vst v63  }
0xaf: {  	s17 =	simm.s32 $0xB000  }
0xb0: {  	[tilespmem:s17], [sflag:$0x4] =	stream.indirect.gather [spmem:s5], $0x1, s0, s30, $0xb8;
	[tilespmem:$0x18300] =	vst v63  }
0xb1: {  	s18 =	simm.s32 $0xB800  }
0xb2: {  	[tilespmem:s18], [sflag:$0x4] =	stream.indirect.gather [spmem:s6], $0x1, s0, s30, $0xb8;
	[tilespmem:$0x18300] =	vst v63  }
0xb3: {  	s19 =	simm.s32 $0xC000  }
0xb4: {  	[tilespmem:s19], [sflag:$0x4] =	stream.indirect.gather [spmem:s4], $0x1, s8, s30, $0xb8;
	[tilespmem:$0x18300] =	vst v63  }
0xb5: {  	s24 =	simm.s32 $0xC800  }
0xb6: {  	[tilespmem:s24], [sflag:$0x4] =	stream.indirect.gather [spmem:s5], $0x1, s8, s30, $0xb8;
	[tilespmem:$0x18300] =	vst v63  }
0xb7: {  	s25 =	simm.s32 $0xD000  }
0xb8: {  	[tilespmem:s25], [sflag:$0x4] =	stream.indirect.gather [spmem:s6], $0x1, s8, s30, $0xb8;
	[tilespmem:$0x18300] =	vst v63  }
0xb9: {  	_ =	swait.ge [sflag:s31], $0x800  }
0xba: {  	[sflag:s31] =	ssyncset.done $0x0  }
0xbb: {  	[sflag:s31] =	ssyncadd.s32 $0xFFFFF800  }
0xbc: {  	_ =	swait.ge [sflag:s31], $0x800  }
0xbd: {  	[sflag:s31] =	ssyncset.done $0x0  }
0xbe: {  	[sflag:s31] =	ssyncadd.s32 $0xFFFFF800  }
0xbf: {  	_ =	swait.ge [sflag:s31], $0x800  }
0xc0: {  	[sflag:s31] =	ssyncset.done $0x0  }
0xc1: {  	[sflag:s31] =	ssyncadd.s32 $0xFFFFF800  }
0xc2: {  	_ =	swait.ge [sflag:s31], $0x800  }
0xc3: {  	[sflag:s31] =	ssyncset.done $0x0  }
0xc4: {  	[sflag:s31] =	ssyncadd.s32 $0xFFFFF800  }
0xc5: {  	_ =	swait.ge [sflag:s31], $0x800  }
0xc6: {  	[sflag:s31] =	ssyncset.done $0x0  }
0xc7: {  	[sflag:s31] =	ssyncadd.s32 $0xFFFFF800  }
0xc8: {  	_ =	swait.ge [sflag:s31], $0x800  }
0xc9: {  	[sflag:s31] =	ssyncset.done $0x0  }
0xca: {  	s16 =	simm.s32 $0x0;
	[sflag:s31] =	ssyncadd.s32 $0xFFFFF800  }
0xcb: {  	v1 =	vld [tilespmem:s16+$0x2000]  }
0xcc: {  	v2 =	vld [tilespmem:s16+$0x1800]  }
0xcd: {  	v3 =	vld [tilespmem:s16+$0x1000]  }
0xce: {  	v4 =	vld [tilespmem:s16+$0x4000]  }
0xcf: {  	v5 =	vld [tilespmem:s16+$0x3800]  }
0xd0: {  	v6 =	vld [tilespmem:s16+$0x3000]  }
0xd1: {  	v7 =	vld [tilespmem:s16+$0x5000]  }
0xd2: {  	v8 =	vld [tilespmem:s16+$0x4800];
	_ =	sdelay $0x1  }
0xd3: {  	v9 =	vld [tilespmem:s16+$0x5800]  }
0xd4: {  	v2 =	vadd.f32 v2, v5;
	v3 =	vadd.f32 v3, v6  }
0xd5: {  	v1 =	vadd.f32 v1, v4  }
0xd6: {  	v5 =	vsub.f32 v2, v7;
	v6 =	vsub.f32 v3, v8;
	_ =	sdelay $0x1  }
0xd7: {  	v4 =	vsub.f32 v1, v9;
	v1 =	vmul.f32 v6, v6;
	v2 =	vmul.f32 v5, v5;
	_ =	sdelay $0x1  }
0xd8: {  	v3 =	vmul.f32 v4, v4;
	v1 =	vadd.f32 v2, v1;
	_ =	sdelay $0x1  }
0xd9: {  	v1 =	vadd.f32 v3, v1  }
0xda: {  	s15 =	simm.s32 $0x10  }
0xdb: {  	v10 =	vld [tilespmem:s15+$0x3800];
	v2 =	vmul.f32 $5.421010860e-20, v1  }
0xdc: {  	v13 =	vld [tilespmem:s15+$0x5000];
	vm0 =	vge.f32 v1, $1.844674410e+19  }
0xdd: {  	v7 =	vld [tilespmem:s15+$0x1800];
	v1 =	vsel vm0, v2, v1  }
0xde: {  	v9 =	vld [tilespmem:s15+$0x4000];
	v8 =	vmul.f32 $1.844674410e+19, v1  }
0xdf: {  	v2 =	vld [tilespmem:s15+$0x1000];
	vm1 =	vlt.f32 v1, $5.421010860e-20  }
0xe0: {  	v1 =	vsel vm1, v8, v1;
	v8 =	vld [tilespmem:s15+$0x3000]  }
0xe1: {  	v3 =	vld [tilespmem:s15+$0x2000];
	v12 =	vmul.f32 $2.328306440e-10, v1  }
0xe2: {  	v15 =	vld [tilespmem:s15+$0x4800];
	v11 =	vsel vm0, $0x2F800000, v0;
	vm0 =	vge.f32 v1, $4.294967300e+09  }
0xe3: {  	v14 =	vmul.f32 $4.294967300e+09, v11;
	v1 =	vsel vm0, v12, v1;
	v12 =	vld [tilespmem:s15+$0x5800]  }
0xe4: {  	v7 =	vadd.f32 v7, v10;
	v16 =	vmul.f32 $4.294967300e+09, v1  }
0xe5: {  	v11 =	vsel vm1, v14, v11;
	vm1 =	vlt.f32 v1, $2.328306440e-10;
	v2 =	vadd.f32 v2, v8  }
0xe6: {  	v9 =	vadd.f32 v3, v9;
	v8 =	vmul.f32 $1.525878910e-05, v11;
	v10 =	vsel vm1, v16, v1  }
0xe7: {  	v1 =	vsub.f32 v7, v13;
	v3 =	vsub.f32 v2, v15;
	v7 =	vmul.f32 $1.525878910e-05, v10  }
0xe8: {  	v8 =	vsel vm0, v8, v11;
	vm2 =	vge.f32 v10, $6.553600000e+04;
	v2 =	vsub.f32 v9, v12  }
0xe9: {  	v11 =	vmul.f32 v1, v1;
	v9 =	vmul.f32 v3, v3;
	v7 =	vsel vm2, v7, v10  }
0xea: {  	v10 =	vmul.f32 $6.553600000e+04, v8;
	v12 =	vmul.f32 $6.553600000e+04, v7  }
0xeb: {  	v13 =	vmul.f32 v2, v2;
	vm3 =	vlt.f32 v7, $1.525878910e-05;
	v9 =	vadd.f32 v11, v9  }
0xec: {  	v8 =	vsel vm1, v10, v8;
	v7 =	vsel vm3, v12, v7  }
0xed: {  	v10 =	vmul.f32 $3.906250000e-03, v8;
	v9 =	vadd.f32 v13, v9;
	v11 =	vmul.f32 $3.906250000e-03, v7  }
0xee: {  	vm0 =	vge.f32 v7, $2.560000000e+02  }
0xef: {  	s17 =	simm.s32 $0x20;
	v8 =	vsel vm2, v10, v8;
	v10 =	vmul.f32 $5.421010860e-20, v9;
	v7 =	vsel vm0, v11, v7  }
0xf0: {  	v20 =	vld [tilespmem:s17+$0x5000];
	v11 =	vmul.f32 $2.560000000e+02, v8;
	vm2 =	vge.f32 v9, $1.844674410e+19;
	v12 =	vmul.f32 $2.560000000e+02, v7  }
0xf1: {  	v16 =	vld [tilespmem:s17+$0x4000];
	vm1 =	vlt.f32 v7, $3.906250000e-03;
	v9 =	vsel vm2, v10, v9  }
0xf2: {  	v10 =	vld [tilespmem:s17+$0x1800];
	v8 =	vsel vm3, v11, v8;
	v11 =	vmul.f32 $1.844674410e+19, v9;
	v7 =	vsel vm1, v12, v7  }
0xf3: {  	v14 =	vsel vm2, $0x2F800000, v0;
	v12 =	vld [tilespmem:s17+$0x1000];
	vm2 =	vlt.f32 v9, $5.421010860e-20;
	v15 =	vmul.f32 $6.250000000e-02, v7  }
0xf4: {  	v17 =	vmul.f32 $4.294967300e+09, v14;
	vm4 =	vge.f32 v7, $1.600000000e+01;
	v9 =	vsel vm2, v11, v9;
	v11 =	vld [tilespmem:s17+$0x3800]  }
0xf5: {  	v19 =	vmul.f32 $6.250000000e-02, v8;
	v18 =	vmul.f32 $2.328306440e-10, v9;
	v7 =	vsel vm4, v15, v7;
	v15 =	vld [tilespmem:s17+$0x3000]  }
0xf6: {  	v13 =	vld [tilespmem:s17+$0x2000];
	v14 =	vsel vm2, v17, v14;
	vm5 =	vge.f32 v9, $4.294967300e+09;
	v17 =	vmul.f32 $1.600000000e+01, v7  }
0xf7: {  	v21 =	vld [tilespmem:s17+$0x4800];
	vm3 =	vlt.f32 v7, $6.250000000e-02;
	v18 =	vsel vm5, v18, v9;
	v9 =	vmul.f32 $1.525878910e-05, v14  }
0xf8: {  	v8 =	vsel vm0, v19, v8;
	v19 =	vld [tilespmem:s17+$0x5800];
	v22 =	vmul.f32 $4.294967300e+09, v18;
	v7 =	vsel vm3, v17, v7  }
0xf9: {  	v17 =	vmul.f32 $1.600000000e+01, v8;
	v14 =	vsel vm5, v9, v14;
	v9 =	vmul.f32 $2.500000000e-01, v7  }
0xfa: {  	vm2 =	vge.f32 v7, $4.000000000e+00;
	v10 =	vadd.f32 v10, v11;
	v11 =	vadd.f32 v12, v15  }
0xfb: {  	v12 =	vsel vm1, v17, v8;
	v8 =	vadd.f32 v13, v16;
	v13 =	vsel vm2, v9, v7  }
0xfc: {  	v7 =	vsub.f32 v10, v20;
	v15 =	vmul.f32 $4.000000000e+00, v13;
	v9 =	vsub.f32 v11, v21  }
0xfd: {  	v10 =	vmul.f32 $2.500000000e-01, v12;
	vm0 =	vlt.f32 v13, $2.500000000e-01;
	v8 =	vsub.f32 v8, v19  }
0xfe: {  	v11 =	vsel vm0, v15, v13;
	v13 =	vmul.f32 v9, v9;
	v15 =	vmul.f32 v7, v7  }
0xff: {  	v10 =	vsel vm4, v10, v12;
	v12 =	vmul.f32 $6.553600000e+04, v14;
	vm4 =	vlt.f32 v18, $2.328306440e-10  }
0x100: {  	v17 =	vmul.f32 v8, v8;
	v16 =	vmul.f32 $5.000000000e-01, v11;
	v13 =	vadd.f32 v15, v13  }
0x101: {  	vm1 =	vge.f32 v11, $2.000000000e+00;
	v12 =	vsel vm4, v12, v14;
	v15 =	vmul.f32 $4.000000000e+00, v10  }
0x102: {  	v14 =	vsel vm4, v22, v18;
	v11 =	vsel vm1, v16, v11;
	v13 =	vadd.f32 v17, v13  }
0x103: {  	v16 =	vmul.f32 $3.906250000e-03, v12;
	v10 =	vsel vm3, v15, v10;
	v15 =	vmul.f32 $1.525878910e-05, v14  }
0x104: {  	vm3 =	vge.f32 v14, $6.553600000e+04;
	v17 =	vmul.f32 $5.000000000e-01, v10;
	v18 =	vmul.f32 $5.421010860e-20, v13  }
0x105: {  	v12 =	vsel vm3, v16, v12;
	v14 =	vsel vm3, v15, v14;
	vm3 =	vge.f32 v13, $1.844674410e+19  }
0x106: {  	v19 =	vmul.f32 $5.000000000e-01, v11;
	v16 =	vmul.f32 $6.553600000e+04, v14;
	v13 =	vsel vm3, v18, v13  }
0x107: {  	v10 =	vsel vm2, v17, v10;
	vm4 =	vlt.f32 v14, $1.525878910e-05;
	v17 =	vmul.f32 $1.844674410e+19, v13  }
0x108: {  	v15 =	vmul.f32 $2.560000000e+02, v12;
	v14 =	vsel vm4, v16, v14;
	vm2 =	vlt.f32 v13, $5.421010860e-20  }
0x109: {  	v16 =	vmul.f32 $-4.571000040e-01, v11;
	v13 =	vsel vm2, v17, v13;
	v17 =	vmul.f32 $3.906250000e-03, v14  }
0x10a: {  	v18 =	vsel vm3, $0x2F800000, v0;
	v12 =	vsel vm4, v15, v12;
	vm3 =	vge.f32 v14, $2.560000000e+02  }
0x10b: {  	v21 =	vmul.f32 $6.250000000e-02, v12;
	v11 =	vadd.f32 $1.529999970e+00, v16;
	v14 =	vsel vm3, v17, v14  }
0x10c: {  	s18 =	simm.s32 $0x30;
	vm1 =	vmmov vm1;
	v16 =	vmul.f32 $4.294967300e+09, v18;
	v15 =	vmul.f32 $2.560000000e+02, v14  }
0x10d: {  	v23 =	vld [tilespmem:s18+$0x2000];
	v12 =	vsel vm3, v21, v12;
	v17 =	vmul.f32 v11, v19;
	vm5 =	vlt.f32 v14, $3.906250000e-03  }
0x10e: {  	v20 =	vmul.f32 $2.328306440e-10, v13;
	v16 =	vsel vm2, v16, v18;
	v18 =	vld [tilespmem:s18+$0x4000];
	v14 =	vsel vm5, v15, v14  }
0x10f: {  	vm4 =	vge.f32 v13, $4.294967300e+09;
	v15 =	vmul.f32 v17, v11;
	v24 =	vmul.f32 $6.250000000e-02, v14  }
0x110: {  	v13 =	vsel vm4, v20, v13;
	v17 =	vadd.f32 v10, v10;
	vm6 =	vge.f32 v14, $1.600000000e+01  }
0x111: {  	v25 =	vld [tilespmem:s18+$0x1000];
	v22 =	vmul.f32 $4.294967300e+09, v13;
	v15 =	vsub.f32 $1.500000000e+00, v15;
	v14 =	vsel vm6, v24, v14  }
0x112: {  	v26 =	vld [tilespmem:s18+$0x3800];
	v17 =	vsel vm0, v17, v10;
	v10 =	vmul.f32 $1.600000000e+01, v12;
	v24 =	vmul.f32 $1.600000000e+01, v14  }
0x113: {  	v21 =	vld [tilespmem:s18+$0x1800];
	v18 =	vadd.f32 v23, v18;
	v15 =	vmul.f32 v15, v11;
	v11 =	vmul.f32 $1.525878910e-05, v16  }
0x114: {  	v30 =	vmul.f32 $7.071067690e-01, v17;
	vm3 =	vlt.f32 v14, $6.250000000e-02;
	v10 =	vsel vm5, v10, v12;
	v12 =	vld [tilespmem:s18+$0x3000]  }
0x115: {  	v27 =	vmul.f32 $2.500000000e-01, v10;
	v14 =	vsel vm3, v24, v14;
	v16 =	vsel vm4, v11, v16;
	v11 =	vld [tilespmem:s18+$0x5000]  }
0x116: {  	v20 =	vld [tilespmem:s18+$0x5800];
	v24 =	vmul.f32 v15, v19;
	vm4 =	vlt.f32 v13, $2.328306440e-10;
	v28 =	vmul.f32 $2.500000000e-01, v14  }
0x117: {  	v29 =	vld [tilespmem:s18+$0x4800];
	vm2 =	vge.f32 v14, $4.000000000e+00;
	v23 =	vsel vm6, v27, v10;
	v13 =	vsel vm4, v22, v13  }
0x118: {  	v24 =	vmul.f32 v24, v15;
	v10 =	vsel vm2, v28, v14;
	v14 =	vadd.f32 v21, v26  }
0x119: {  	v25 =	vadd.f32 v25, v12;
	v26 =	vmul.f32 $6.553600000e+04, v16;
	v21 =	vmul.f32 $4.000000000e+00, v10  }
0x11a: {  	v24 =	vsub.f32 $1.500000000e+00, v24;
	vm5 =	vlt.f32 v10, $2.500000000e-01;
	v12 =	vsub.f32 v14, v11  }
0x11b: {  	v11 =	vsub.f32 v18, v20;
	v16 =	vsel vm4, v26, v16;
	v14 =	vsel vm5, v21, v10  }
0x11c: {  	v10 =	vsub.f32 v25, v29;
	v20 =	vmul.f32 v24, v15;
	v18 =	vmul.f32 $5.000000000e-01, v14  }
0x11d: {  	v15 =	vmul.f32 $4.000000000e+00, v23;
	v25 =	vmul.f32 $3.906250000e-03, v16;
	vm0 =	vge.f32 v14, $2.000000000e+00  }
0x11e: {  	v21 =	vmul.f32 v10, v10;
	v14 =	vsel vm0, v18, v14;
	v18 =	vmul.f32 v12, v12  }
0x11f: {  	v24 =	vmul.f32 v11, v11;
	v22 =	vmul.f32 v20, v19;
	v23 =	vsel vm3, v15, v23  }
0x120: {  	vm3 =	vge.f32 v13, $6.553600000e+04;
	v26 =	vmul.f32 $5.000000000e-01, v23;
	v18 =	vadd.f32 v18, v21  }
0x121: {  	v15 =	vsel vm1, v30, v17;
	v16 =	vsel vm3, v25, v16;
	v21 =	vmul.f32 v22, v20  }
0x122: {  	v22 =	vmul.f32 $1.525878910e-05, v13;
	v26 =	vsel vm2, v26, v23;
	v17 =	vadd.f32 v24, v18  }
0x123: {  	v27 =	vmul.f32 $-4.571000040e-01, v14;
	v28 =	vadd.f32 v26, v26;
	v18 =	vsub.f32 $1.500000000e+00, v21  }
0x124: {  	v13 =	vsel vm3, v22, v13;
	v21 =	vmul.f32 $2.560000000e+02, v16;
	v22 =	vmul.f32 $5.421010860e-20, v17  }
0x125: {  	vm1 =	vlt.f32 v13, $1.525878910e-05;
	v24 =	vmul.f32 v18, v20;
	vm2 =	vge.f32 v17, $1.844674410e+19  }
0x126: {  	v20 =	vmul.f32 $6.553600000e+04, v13;
	v16 =	vsel vm1, v21, v16;
	v17 =	vsel vm2, v22, v17  }
0x127: {  	v18 =	vsel vm2, $0x2F800000, v0;
	v19 =	vmul.f32 v24, v19;
	v21 =	vmul.f32 $1.844674410e+19, v17  }
0x128: {  	v23 =	vsel vm1, v20, v13;
	v20 =	vmul.f32 $4.294967300e+09, v18;
	vm3 =	vlt.f32 v17, $5.421010860e-20  }
0x129: {  	v22 =	vmul.f32 $6.250000000e-02, v16;
	v13 =	vmul.f32 v19, v24;
	v17 =	vsel vm3, v21, v17  }
0x12a: {  	vm4 =	vge.f32 v23, $2.560000000e+02;
	v19 =	vmul.f32 $3.906250000e-03, v23;
	v21 =	vmul.f32 $2.328306440e-10, v17  }
0x12b: {  	v29 =	vsub.f32 $1.500000000e+00, v13;
	vm1 =	vge.f32 v17, $4.294967300e+09;
	v13 =	vmul.f32 $5.000000000e-01, v14  }
0x12c: {  	v25 =	vsel vm4, v19, v23;
	v23 =	vadd.f32 $1.529999970e+00, v27;
	v14 =	vsel vm5, v28, v26  }
0x12d: {  	v27 =	vmul.f32 $2.560000000e+02, v25;
	v17 =	vsel vm1, v21, v17;
	v24 =	vmul.f32 v29, v24  }
0x12e: {  	s19 =	simm.s32 $0x100;
	vm2 =	vlt.f32 v25, $3.906250000e-03;
	v21 =	vld [tilespmem:s16+$0x2800];
	v26 =	vmul.f32 v23, v13;
	v19 =	vmul.f32 $4.294967300e+09, v17  }
.LBB2_3:
0x12f: {  	s24 =	sshra.s32 s19, $0x2;
	p0 =	sne.s32 s19, $0x1FC0;
	s19 =	sadd.s32 $0x40, s19;
	v18 =	vsel vm3, v20, v18;
	v16 =	vsel vm4, v22, v16;
	v15 =	vmul.f32 v24, v15  }
0x130: {  	v20 =	vld [tilespmem:s24+$0x5800];
	v22 =	vmul.f32 $1.525878910e-05, v18;
	v24 =	vsel vm2, v27, v25;
	v25 =	vmul.f32 v26, v23  }
0x131: {  	vm3 =	vmmov vm0;
	v27 =	vmul.f32 $1.600000000e+01, v16;
	v26 =	vld [tilespmem:s24+$0x2000];
	v28 =	vmul.f32 $6.250000000e-02, v24  }
0x132: {  	vm0 =	vge.f32 v24, $1.600000000e+01;
	v29 =	vld [tilespmem:s24+$0x1800];
	v18 =	vsel vm1, v22, v18;
	v22 =	vsub.f32 $1.500000000e+00, v25  }
0x133: {  	v16 =	vsel vm2, v27, v16;
	v15 =	vmul.f32 v15, v21;
	v25 =	vld [tilespmem:s24+$0x1000];
	v24 =	vsel vm0, v28, v24  }
0x134: {  	v21 =	vld [tilespmem:s24+$0x4000];
	v27 =	vmul.f32 $1.600000000e+01, v24;
	v22 =	vmul.f32 v22, v23  }
0x135: {  	vm1 =	vlt.f32 v24, $6.250000000e-02;
	v35 =	vmul.f32 v15, v6;
	v28 =	vmul.f32 v15, v5;
	v5 =	vmovc v1;
	v1 =	vmovc v7;
	v23 =	vld [tilespmem:s24+$0x3800]  }
0x136: {  	v15 =	vmul.f32 v15, v4;
	v7 =	vmovc v12;
	v30 =	vld [tilespmem:s24+$0x3000];
	v24 =	vsel vm1, v27, v24;
	v27 =	vmul.f32 v22, v13  }
0x137: {  	v31 =	vmul.f32 $2.500000000e-01, v16;
	v4 =	vmovc v2;
	v2 =	vmovc v8;
	v8 =	vmov v11;
	v12 =	vld [tilespmem:s24+$0x5000];
	v32 =	vmul.f32 $2.500000000e-01, v24;
	[tilespmem:s16+$0x6000] =	vst v35  }
0x138: {  	v34 =	vmul.f32 $7.071067690e-01, v14;
	v6 =	vmovc v3;
	v3 =	vmovc v9;
	vm2 =	vge.f32 v24, $4.000000000e+00;
	v33 =	vld [tilespmem:s24+$0x4800];
	v11 =	vmul.f32 v27, v22;
	[tilespmem:s16+$0x7000] =	vst v15  }
0x139: {  	v16 =	vsel vm0, v31, v16;
	v15 =	vadd.f32 v26, v21;
	v21 =	vsel vm2, v32, v24;
	[tilespmem:s16+$0x6800] =	vst v28;
	s16 =	smov.u32 s15;
	s15 =	smov.u32 s17;
	s17 =	smov.u32 s18  }
0x13a: {  	v9 =	vmovc v10;
	s18 =	smov.u32 s24;
	v23 =	vadd.f32 v29, v23;
	v24 =	vmul.f32 $4.000000000e+00, v21;
	v26 =	vsub.f32 $1.500000000e+00, v11  }
0x13b: {  	vm5 =	vlt.f32 v21, $2.500000000e-01;
	v10 =	vadd.f32 v25, v30;
	v25 =	vmul.f32 $6.553600000e+04, v18  }
0x13c: {  	v11 =	vsub.f32 v15, v20;
	v12 =	vsub.f32 v23, v12;
	v15 =	vsel vm5, v24, v21  }
0x13d: {  	v21 =	vmul.f32 v26, v22;
	v10 =	vsub.f32 v10, v33;
	v20 =	vmul.f32 $5.000000000e-01, v15  }
0x13e: {  	vm4 =	vlt.f32 v17, $2.328306440e-10;
	v22 =	vmul.f32 $4.000000000e+00, v16;
	vm0 =	vge.f32 v15, $2.000000000e+00  }
0x13f: {  	v18 =	vsel vm4, v25, v18;
	v23 =	vmul.f32 v10, v10;
	v24 =	vsel vm0, v20, v15  }
0x140: {  	v17 =	vsel vm4, v19, v17;
	v19 =	vmul.f32 v21, v13;
	v15 =	vmul.f32 v12, v12  }
0x141: {  	v25 =	vmul.f32 $3.906250000e-03, v18;
	v16 =	vsel vm1, v22, v16;
	v20 =	vmul.f32 v11, v11  }
0x142: {  	vm1 =	vge.f32 v17, $6.553600000e+04;
	v19 =	vmul.f32 v19, v21;
	v22 =	vadd.f32 v15, v23  }
0x143: {  	v26 =	vmul.f32 $5.000000000e-01, v16;
	v23 =	vmul.f32 $1.525878910e-05, v17;
	v15 =	vsel vm3, v34, v14  }
0x144: {  	v18 =	vsel vm1, v25, v18;
	v19 =	vsub.f32 $1.500000000e+00, v19;
	v14 =	vadd.f32 v20, v22  }
0x145: {  	v26 =	vsel vm2, v26, v16;
	v17 =	vsel vm1, v23, v17;
	v20 =	vmul.f32 $2.560000000e+02, v18  }
0x146: {  	vm1 =	vlt.f32 v17, $1.525878910e-05;
	v21 =	vmul.f32 v19, v21;
	v22 =	vmul.f32 $5.421010860e-20, v14  }
0x147: {  	v19 =	vmul.f32 $6.553600000e+04, v17;
	vm2 =	vge.f32 v14, $1.844674410e+19;
	v16 =	vsel vm1, v20, v18  }
0x148: {  	v18 =	vsel vm2, $0x2F800000, v0;
	v13 =	vmul.f32 v21, v13;
	v14 =	vsel vm2, v22, v14  }
0x149: {  	v28 =	vadd.f32 v26, v26;
	v19 =	vsel vm1, v19, v17;
	v22 =	vmul.f32 $1.844674410e+19, v14  }
0x14a: {  	v20 =	vmul.f32 $4.294967300e+09, v18;
	vm3 =	vlt.f32 v14, $5.421010860e-20;
	v13 =	vmul.f32 v13, v21  }
0x14b: {  	vm4 =	vge.f32 v19, $2.560000000e+02;
	v23 =	vmul.f32 $3.906250000e-03, v19;
	v14 =	vsel vm3, v22, v14  }
.Ltmp2:
0x14c: {  	v27 =	vmul.f32 $-4.571000040e-01, v24;
	v29 =	vsub.f32 $1.500000000e+00, v13;
	v17 =	vmul.f32 $2.328306440e-10, v14;
	(pc) =	sbr.rel @p0 .LBB2_3-.Ltmp2, $4  }
0x14d: {  	v22 =	vmul.f32 $6.250000000e-02, v16;
	v13 =	vmul.f32 $5.000000000e-01, v24;
	vm1 =	vge.f32 v14, $4.294967300e+09  }
0x14e: {  	v25 =	vsel vm4, v23, v19;
	v23 =	vadd.f32 $1.529999970e+00, v27;
	v17 =	vsel vm1, v17, v14  }
0x14f: {  	vm2 =	vlt.f32 v25, $3.906250000e-03;
	v24 =	vmul.f32 v29, v21;
	v19 =	vmul.f32 $4.294967300e+09, v17;
	v21 =	vld [tilespmem:s16+$0x2800]  }
0x150: {  	v27 =	vmul.f32 $2.560000000e+02, v25;
	v14 =	vsel vm5, v28, v26;
	v26 =	vmul.f32 v23, v13  }
0x151: {  	vm5 =	vlt.f32 v17, $2.328306440e-10  }
0x152: {  	v25 =	vsel vm2, v27, v25;
	v17 =	vsel vm5, v19, v17  }
0x153: {  	v19 =	vmul.f32 $6.250000000e-02, v25;
	v27 =	vmul.f32 $1.525878910e-05, v17  }
0x154: {  	vm6 =	vge.f32 v25, $1.600000000e+01;
	vm15 =	vge.f32 v17, $6.553600000e+04  }
0x155: {  	v19 =	vsel vm6, v19, v25;
	v17 =	vsel vm15, v27, v17  }
0x156: {  	v25 =	vmul.f32 $1.600000000e+01, v19;
	v27 =	vmul.f32 $6.553600000e+04, v17  }
0x157: {  	vm12 =	vlt.f32 v19, $6.250000000e-02;
	vm13 =	vlt.f32 v17, $1.525878910e-05  }
0x158: {  	v26 =	vmul.f32 v26, v23;
	v19 =	vsel vm12, v25, v19;
	v17 =	vsel vm13, v27, v17  }
0x159: {  	v25 =	vmul.f32 $2.500000000e-01, v19;
	v27 =	vmul.f32 $3.906250000e-03, v17  }
0x15a: {  	vm11 =	vge.f32 v19, $4.000000000e+00;
	vm14 =	vge.f32 v17, $2.560000000e+02  }
0x15b: {  	v19 =	vsel vm11, v25, v19;
	v17 =	vsel vm14, v27, v17;
	v25 =	vsub.f32 $1.500000000e+00, v26  }
0x15c: {  	v26 =	vmul.f32 $4.000000000e+00, v19;
	v27 =	vmul.f32 $2.560000000e+02, v17  }
0x15d: {  	vm10 =	vlt.f32 v19, $2.500000000e-01;
	vm9 =	vlt.f32 v17, $3.906250000e-03;
	v23 =	vmul.f32 v25, v23  }
0x15e: {  	v19 =	vsel vm10, v26, v19;
	v17 =	vsel vm9, v27, v17;
	v27 =	vimm.s32 $0x0  }
0x15f: {  	v25 =	vmul.f32 $5.000000000e-01, v19;
	v26 =	vmul.f32 $6.250000000e-02, v17;
	vm8 =	vge.f32 v17, $1.600000000e+01  }
0x160: {  	vm7 =	vge.f32 v19, $2.000000000e+00;
	v27 =	vsel vm8, $0xFFFFFFFF, v27  }
0x161: {  	[tilespmem:$0x1FFE0] =	vst v27;
	v27 =	vmul.f32 v23, v13;
	v19 =	vsel vm7, v25, v19;
	v17 =	vsel vm8, v26, v17  }
0x162: {  	v28 =	vimm.s32 $0x0;
	v25 =	vmul.f32 $-4.571000040e-01, v19;
	v26 =	vmul.f32 $1.600000000e+01, v17  }
0x163: {  	v15 =	vmul.f32 v24, v15;
	vm8 =	vlt.f32 v17, $6.250000000e-02;
	v27 =	vmul.f32 v27, v23  }
0x164: {  	v19 =	vmul.f32 $5.000000000e-01, v19;
	v25 =	vadd.f32 $1.529999970e+00, v25;
	v17 =	vsel vm8, v26, v17  }
0x165: {  	v28 =	vsel vm8, $0xFFFFFFFF, v28;
	v26 =	vsub.f32 $1.500000000e+00, v27;
	v27 =	vmul.f32 $2.500000000e-01, v17  }
0x166: {  	[tilespmem:$0x1FFF0] =	vst v28;
	vm8 =	vge.f32 v17, $4.000000000e+00;
	v28 =	vmul.f32 v25, v19  }
0x167: {  	v15 =	vmul.f32 v15, v21;
	v23 =	vmul.f32 v26, v23;
	v17 =	vsel vm8, v27, v17  }
0x168: {  	v18 =	vsel vm3, v20, v18;
	v26 =	vmul.f32 v28, v25;
	v27 =	vmul.f32 $4.000000000e+00, v17  }
0x169: {  	v6 =	vmul.f32 v15, v6;
	vm3 =	vlt.f32 v17, $2.500000000e-01;
	v20 =	vmul.f32 v23, v13  }
0x16a: {  	v5 =	vmul.f32 v15, v5;
	v17 =	vsel vm3, v27, v17;
	v24 =	vsub.f32 $1.500000000e+00, v26  }
0x16b: {  	v16 =	vsel vm4, v22, v16;
	v21 =	vmul.f32 $5.000000000e-01, v17;
	v20 =	vmul.f32 v20, v23  }
0x16c: {  	vm4 =	vge.f32 v17, $2.000000000e+00;
	v22 =	vmul.f32 v24, v25;
	v24 =	vmul.f32 $1.525878910e-05, v18  }
0x16d: {  	v4 =	vmul.f32 v15, v4;
	v17 =	vsel vm4, v21, v17;
	v20 =	vsub.f32 $1.500000000e+00, v20  }
0x16e: {  	v21 =	vmul.f32 $1.600000000e+01, v16;
	v18 =	vsel vm1, v24, v18;
	v24 =	vmul.f32 v22, v19  }
0x16f: {  	v25 =	vmul.f32 $-4.571000040e-01, v17;
	v20 =	vmul.f32 v20, v23  }
0x170: {  	v16 =	vsel vm2, v21, v16;
	v21 =	vmul.f32 $6.553600000e+04, v18;
	v23 =	vmul.f32 v24, v22  }
0x171: {  	v17 =	vmul.f32 $5.000000000e-01, v17;
	v24 =	vadd.f32 $1.529999970e+00, v25;
	v13 =	vmul.f32 v20, v13  }
0x172: {  	v15 =	vmul.f32 $2.500000000e-01, v16;
	v18 =	vsel vm5, v21, v18;
	v21 =	vsub.f32 $1.500000000e+00, v23  }
0x173: {  	[tilespmem:s16+$0x6000] =	vst v6;
	v23 =	vmul.f32 v24, v17;
	v13 =	vmul.f32 v13, v20  }
0x174: {  	vm0 =	vmmov vm0;
	[tilespmem:s16+$0x7000] =	vst v4;
	v6 =	vmul.f32 $3.906250000e-03, v18;
	v4 =	vmul.f32 v21, v22  }
0x175: {  	[tilespmem:s16+$0x6800] =	vst v5;
	v15 =	vsel vm6, v15, v16;
	v16 =	vmul.f32 v23, v24;
	v5 =	vsub.f32 $1.500000000e+00, v13  }
0x176: {  	v6 =	vsel vm15, v6, v18;
	v18 =	vmul.f32 $7.071067690e-01, v14;
	v22 =	vmul.f32 v4, v19  }
0x177: {  	v21 =	vld [tilespmem:s15+$0x2800];
	v13 =	vmul.f32 $4.000000000e+00, v15;
	v16 =	vsub.f32 $1.500000000e+00, v16;
	v5 =	vmul.f32 v5, v20  }
0x178: {  	v14 =	vsel vm0, v18, v14;
	v20 =	vmul.f32 $2.560000000e+02, v6;
	v18 =	vmul.f32 v22, v4  }
0x179: {  	v13 =	vsel vm12, v13, v15;
	v16 =	vmul.f32 v16, v24  }
0x17a: {  	v6 =	vsel vm13, v20, v6;
	v5 =	vmul.f32 v5, v14;
	v15 =	vsub.f32 $1.500000000e+00, v18  }
0x17b: {  	v14 =	vmul.f32 $6.250000000e-02, v6;
	v18 =	vmul.f32 v16, v17  }
0x17c: {  	v5 =	vmul.f32 v5, v21;
	v4 =	vmul.f32 v15, v4  }
0x17d: {  	v6 =	vsel vm14, v14, v6;
	v14 =	vmul.f32 v18, v16  }
0x17e: {  	v3 =	vmul.f32 v5, v3;
	v18 =	vmul.f32 v4, v19;
	_ =	sdelay $0x1  }
0x17f: {  	v1 =	vmul.f32 v5, v1;
	[tilespmem:s15+$0x6000] =	vst v3;
	v3 =	vmul.f32 v18, v4  }
0x180: {  	v20 =	vmul.f32 $5.000000000e-01, v13  }
0x181: {  	[tilespmem:s15+$0x6800] =	vst v1;
	v1 =	vsub.f32 $1.500000000e+00, v3  }
0x182: {  	v13 =	vsel vm11, v20, v13  }
0x183: {  	v19 =	vadd.f32 v13, v13;
	v1 =	vmul.f32 v1, v4;
	v4 =	vld [tilespmem:$0x1FFE0]  }
0x184: {  	v14 =	vsub.f32 $1.500000000e+00, v14  }
0x185: {  	v2 =	vmul.f32 v5, v2;
	v13 =	vsel vm10, v19, v13  }
0x186: {  	v5 =	vmul.f32 v14, v16;
	v14 =	vmul.f32 $7.071067690e-01, v13  }
0x187: {  	vm0 =	vmmov vm7;
	v15 =	vmul.f32 $1.600000000e+01, v6  }
0x188: {  	vm1 =	vnez.u8 v4;
	v4 =	vsel vm0, v14, v13  }
0x189: {  	[tilespmem:s15+$0x7000] =	vst v2;
	v2 =	vsel vm9, v15, v6;
	v3 =	vmul.f32 v5, v17;
	v1 =	vmul.f32 v1, v4;
	v4 =	vld [tilespmem:$0x1FFF0]  }
0x18a: {  	v6 =	vmul.f32 $2.500000000e-01, v2;
	v15 =	vld [tilespmem:s17+$0x2800]  }
0x18b: {  	v3 =	vmul.f32 v3, v5  }
0x18c: {  	v2 =	vsel vm1, v6, v2  }
0x18d: {  	v3 =	vsub.f32 $1.500000000e+00, v3;
	v6 =	vmul.f32 $4.000000000e+00, v2  }
0x18e: {  	vm0 =	vnez.u8 v4  }
0x18f: {  	v3 =	vmul.f32 v3, v5;
	v1 =	vmul.f32 v1, v15;
	v2 =	vsel vm0, v6, v2  }
0x190: {  	v4 =	vmul.f32 $5.000000000e-01, v2  }
0x191: {  	v5 =	vmul.f32 v1, v9;
	v6 =	vmul.f32 v3, v17  }
0x192: {  	v2 =	vsel vm8, v4, v2;
	v4 =	vmul.f32 v1, v8  }
0x193: {  	[tilespmem:s17+$0x6000] =	vst v5;
	v5 =	vmul.f32 v6, v3;
	v1 =	vmul.f32 v1, v7;
	v8 =	vadd.f32 v2, v2  }
0x194: {  	[tilespmem:s17+$0x7000] =	vst v4  }
0x195: {  	[tilespmem:s17+$0x6800] =	vst v1;
	v1 =	vsub.f32 $1.500000000e+00, v5;
	v2 =	vsel vm3, v8, v2  }
0x196: {  	v5 =	vld [tilespmem:s18+$0x2800];
	v4 =	vmul.f32 $7.071067690e-01, v2  }
0x197: {  	vm0 =	vmmov vm4;
	v1 =	vmul.f32 v1, v3  }
0x198: {  	v2 =	vsel vm0, v4, v2  }
0x199: {  	v1 =	vmul.f32 v1, v2;
	_ =	sdelay $0x1  }
0x19a: {  	v1 =	vmul.f32 v1, v5;
	_ =	sdelay $0x1  }
0x19b: {  	v2 =	vmul.f32 v1, v10  }
0x19c: {  	v3 =	vmul.f32 v1, v11  }
0x19d: {  	v1 =	vmul.f32 v1, v12;
	[tilespmem:s18+$0x6000] =	vst v2  }
0x19e: {  	[tilespmem:s18+$0x7000] =	vst v3  }
0x19f: {  	s19 =	simm.s32 $0x6000;
	[tilespmem:s18+$0x6800] =	vst v1  }
0x1a0: {  	[spmem:s1] =	stream.indirect.scatter.add.f32 [tilespmem:s19], [sflag:$0x5], $0x1, s7, s30, $0xb8;
	[tilespmem:$0x18300] =	vst v63  }
0x1a1: {  	_ =	swait.ge [sflag:s29], $0x800  }
0x1a2: {  	[sflag:s29] =	ssyncset.done $0x0  }
0x1a3: {  	s24 =	simm.s32 $0x6800;
	[sflag:s29] =	ssyncadd.s32 $0xFFFFF800  }
0x1a4: {  	[spmem:s2] =	stream.indirect.scatter.add.f32 [tilespmem:s24], [sflag:$0x5], $0x1, s7, s30, $0xb8;
	[tilespmem:$0x18300] =	vst v63  }
0x1a5: {  	_ =	swait.ge [sflag:s29], $0x800  }
0x1a6: {  	s25 =	simm.s32 $0x7000;
	[sflag:s29] =	ssyncset.done $0x0  }
0x1a7: {  	p0 =	seq.s32 s28, $0x18;
	s15 =	sshll.u32 s28, $0xC;
	[sflag:s29] =	ssyncadd.s32 $0xFFFFF800  }
0x1a8: {  	[spmem:s3] =	stream.indirect.scatter.add.f32 [tilespmem:s25], [sflag:$0x5], $0x1, s7, s30, $0xb8;
	[tilespmem:$0x18300] =	vst v63  }
0x1a9: {  	s16 =	sadd.s32 @!p0 s15, s22;
	_ =	swait.ge [sflag:s29], $0x800  }
0x1aa: {  	s16 =	sshrl.u32 @!p0 s16, $0x3;
	[sflag:s29] =	ssyncset.done $0x0  }
0x1ab: {  	s17 =	sadd.s32 @!p0 s9, s16;
	s18 =	simm.s32 @!p0 $0x0;
	[sflag:s29] =	ssyncadd.s32 $0xFFFFF800  }
0x1ac: {  	[tilespmem:s18], [sflag:$0x1] =	stream.linear.gather @!p0 [hbm4b:s17+s18], $0x800, $0x38;
	[tilespmem:$0x18300] =	vst v63  }
0x1ad: {  	s19 =	simm.s32 @!p0 $0x800;
	s17 =	sadd.s32 @!p0 s10, s16  }
0x1ae: {  	[tilespmem:s19], [sflag:$0x1] =	stream.linear.gather @!p0 [hbm4b:s17+s18], $0x800, $0x38;
	[tilespmem:$0x18300] =	vst v63  }
0x1af: {  	s24 =	simm.s32 @!p0 $0x1000;
	s17 =	sadd.s32 @!p0 s11, s16  }
0x1b0: {  	[tilespmem:s24], [sflag:$0x1] =	stream.linear.gather @!p0 [hbm4b:s17+s18], $0x800, $0x38;
	[tilespmem:$0x18300] =	vst v63  }
0x1b1: {  	s17 =	sadd.s32 @!p0 s12, s16;
	s24 =	simm.s32 @!p0 $0x1800  }
0x1b2: {  	[tilespmem:s24], [sflag:$0x1] =	stream.linear.gather @!p0 [hbm4b:s17+s18], $0x800, $0x38;
	[tilespmem:$0x18300] =	vst v63  }
0x1b3: {  	s17 =	sadd.s32 @!p0 s13, s16;
	s24 =	simm.s32 @!p0 $0x2000  }
0x1b4: {  	[tilespmem:s24], [sflag:$0x1] =	stream.linear.gather @!p0 [hbm4b:s17+s18], $0x800, $0x38;
	[tilespmem:$0x18300] =	vst v63  }
0x1b5: {  	s16 =	sadd.s32 @!p0 s14, s16;
	s17 =	simm.s32 @!p0 $0x2800  }
0x1b6: {  	[tilespmem:s17], [sflag:$0x1] =	stream.linear.gather @!p0 [hbm4b:s16+s18], $0x800, $0x38;
	[tilespmem:$0x18300] =	vst v63  }
0x1b7: {  	s16 =	simm.s32 @!p0 $0x1  }
0x1b8: {  	_ =	swait.ge @!p0 [sflag:s16], $0x800  }
0x1b9: {  	[sflag:s16] =	ssyncset.done @!p0 $0x0  }
0x1ba: {  	[sflag:s16] =	ssyncadd.s32 @!p0 $0xFFFFF800  }
0x1bb: {  	_ =	swait.ge @!p0 [sflag:s16], $0x800  }
0x1bc: {  	[sflag:s16] =	ssyncset.done @!p0 $0x0  }
0x1bd: {  	[sflag:s16] =	ssyncadd.s32 @!p0 $0xFFFFF800  }
0x1be: {  	_ =	swait.ge @!p0 [sflag:s16], $0x800  }
0x1bf: {  	[sflag:s16] =	ssyncset.done @!p0 $0x0  }
0x1c0: {  	[sflag:s16] =	ssyncadd.s32 @!p0 $0xFFFFF800  }
0x1c1: {  	_ =	swait.ge @!p0 [sflag:s16], $0x800  }
0x1c2: {  	[sflag:s16] =	ssyncset.done @!p0 $0x0  }
0x1c3: {  	[sflag:s16] =	ssyncadd.s32 @!p0 $0xFFFFF800  }
0x1c4: {  	_ =	swait.ge @!p0 [sflag:s16], $0x800  }
0x1c5: {  	[sflag:s16] =	ssyncset.done @!p0 $0x0  }
0x1c6: {  	[sflag:s16] =	ssyncadd.s32 @!p0 $0xFFFFF800  }
0x1c7: {  	_ =	swait.ge @!p0 [sflag:s16], $0x800  }
0x1c8: {  	[sflag:s16] =	ssyncset.done @!p0 $0x0  }
0x1c9: {  	[sflag:s16] =	ssyncadd.s32 @!p0 $0xFFFFF800;
	s16 =	simm.s32 @!p0 $0x3000  }
0x1ca: {  	[tilespmem:s16], [sflag:$0x3] =	stream.indirect.gather @!p0 [spmem:s4], $0x1, s18, s19, $0xb8;
	[tilespmem:$0x18300] =	vst v63  }
0x1cb: {  	s16 =	simm.s32 @!p0 $0x3800  }
0x1cc: {  	[tilespmem:s16], [sflag:$0x3] =	stream.indirect.gather @!p0 [spmem:s5], $0x1, s18, s19, $0xb8;
	[tilespmem:$0x18300] =	vst v63  }
0x1cd: {  	s16 =	simm.s32 @!p0 $0x4000  }
0x1ce: {  	[tilespmem:s16], [sflag:$0x3] =	stream.indirect.gather @!p0 [spmem:s6], $0x1, s18, s19, $0xb8;
	[tilespmem:$0x18300] =	vst v63  }
0x1cf: {  	s16 =	simm.s32 @!p0 $0x4800  }
0x1d0: {  	[tilespmem:s16], [sflag:$0x3] =	stream.indirect.gather @!p0 [spmem:s4], $0x1, s19, s19, $0xb8;
	[tilespmem:$0x18300] =	vst v63  }
0x1d1: {  	s16 =	simm.s32 @!p0 $0x5000  }
0x1d2: {  	[tilespmem:s16], [sflag:$0x3] =	stream.indirect.gather @!p0 [spmem:s5], $0x1, s19, s19, $0xb8;
	[tilespmem:$0x18300] =	vst v63  }
0x1d3: {  	s16 =	simm.s32 @!p0 $0x5800  }
0x1d4: {  	[tilespmem:s16], [sflag:$0x3] =	stream.indirect.gather @!p0 [spmem:s6], $0x1, s19, s19, $0xb8;
	[tilespmem:$0x18300] =	vst v63  }
0x1d5: {  	_ =	swait.ge [sflag:s20], $0x800  }
0x1d6: {  	[sflag:s20] =	ssyncset.done $0x0  }
0x1d7: {  	[sflag:s20] =	ssyncadd.s32 $0xFFFFF800  }
0x1d8: {  	_ =	swait.ge [sflag:s20], $0x800  }
0x1d9: {  	[sflag:s20] =	ssyncset.done $0x0  }
0x1da: {  	[sflag:s20] =	ssyncadd.s32 $0xFFFFF800  }
0x1db: {  	_ =	swait.ge [sflag:s20], $0x800  }
0x1dc: {  	[sflag:s20] =	ssyncset.done $0x0  }
0x1dd: {  	[sflag:s20] =	ssyncadd.s32 $0xFFFFF800  }
0x1de: {  	_ =	swait.ge [sflag:s20], $0x800  }
0x1df: {  	[sflag:s20] =	ssyncset.done $0x0  }
0x1e0: {  	[sflag:s20] =	ssyncadd.s32 $0xFFFFF800  }
0x1e1: {  	_ =	swait.ge [sflag:s20], $0x800  }
0x1e2: {  	[sflag:s20] =	ssyncset.done $0x0  }
0x1e3: {  	[sflag:s20] =	ssyncadd.s32 $0xFFFFF800  }
0x1e4: {  	_ =	swait.ge [sflag:s20], $0x800  }
0x1e5: {  	[sflag:s20] =	ssyncset.done $0x0  }
0x1e6: {  	s17 =	simm.s32 $0x0;
	[sflag:s20] =	ssyncadd.s32 $0xFFFFF800  }
0x1e7: {  	v1 =	vld [tilespmem:s17+$0x9800]  }
0x1e8: {  	v2 =	vld [tilespmem:s17+$0x9000]  }
0x1e9: {  	v3 =	vld [tilespmem:s17+$0x8800]  }
0x1ea: {  	v4 =	vld [tilespmem:s17+$0xB800]  }
0x1eb: {  	v5 =	vld [tilespmem:s17+$0xB000]  }
0x1ec: {  	v6 =	vld [tilespmem:s17+$0xA800]  }
0x1ed: {  	v7 =	vld [tilespmem:s17+$0xC800]  }
0x1ee: {  	v8 =	vld [tilespmem:s17+$0xC000];
	_ =	sdelay $0x1  }
0x1ef: {  	v9 =	vld [tilespmem:s17+$0xD000]  }
0x1f0: {  	v2 =	vadd.f32 v2, v5;
	v3 =	vadd.f32 v3, v6  }
0x1f1: {  	v1 =	vadd.f32 v1, v4  }
0x1f2: {  	v5 =	vsub.f32 v2, v7;
	v6 =	vsub.f32 v3, v8;
	_ =	sdelay $0x1  }
0x1f3: {  	v4 =	vsub.f32 v1, v9;
	v1 =	vmul.f32 v6, v6;
	v2 =	vmul.f32 v5, v5;
	_ =	sdelay $0x1  }
0x1f4: {  	v3 =	vmul.f32 v4, v4;
	v1 =	vadd.f32 v2, v1;
	_ =	sdelay $0x1  }
0x1f5: {  	v1 =	vadd.f32 v3, v1  }
0x1f6: {  	s16 =	simm.s32 $0x10  }
0x1f7: {  	v10 =	vld [tilespmem:s16+$0xB000];
	v2 =	vmul.f32 $5.421010860e-20, v1  }
0x1f8: {  	v13 =	vld [tilespmem:s16+$0xC800];
	vm0 =	vge.f32 v1, $1.844674410e+19  }
0x1f9: {  	v7 =	vld [tilespmem:s16+$0x9000];
	v1 =	vsel vm0, v2, v1  }
0x1fa: {  	v9 =	vld [tilespmem:s16+$0xB800];
	v8 =	vmul.f32 $1.844674410e+19, v1  }
0x1fb: {  	v2 =	vld [tilespmem:s16+$0x8800];
	vm1 =	vlt.f32 v1, $5.421010860e-20  }
0x1fc: {  	v1 =	vsel vm1, v8, v1;
	v8 =	vld [tilespmem:s16+$0xA800]  }
0x1fd: {  	v3 =	vld [tilespmem:s16+$0x9800];
	v12 =	vmul.f32 $2.328306440e-10, v1  }
0x1fe: {  	v15 =	vld [tilespmem:s16+$0xC000];
	v11 =	vsel vm0, $0x2F800000, v0;
	vm0 =	vge.f32 v1, $4.294967300e+09  }
0x1ff: {  	v14 =	vmul.f32 $4.294967300e+09, v11;
	v1 =	vsel vm0, v12, v1;
	v12 =	vld [tilespmem:s16+$0xD000]  }
0x200: {  	v7 =	vadd.f32 v7, v10;
	v16 =	vmul.f32 $4.294967300e+09, v1  }
0x201: {  	v11 =	vsel vm1, v14, v11;
	vm1 =	vlt.f32 v1, $2.328306440e-10;
	v2 =	vadd.f32 v2, v8  }
0x202: {  	v9 =	vadd.f32 v3, v9;
	v8 =	vmul.f32 $1.525878910e-05, v11;
	v10 =	vsel vm1, v16, v1  }
0x203: {  	v1 =	vsub.f32 v7, v13;
	v3 =	vsub.f32 v2, v15;
	v7 =	vmul.f32 $1.525878910e-05, v10  }
0x204: {  	v8 =	vsel vm0, v8, v11;
	vm2 =	vge.f32 v10, $6.553600000e+04;
	v2 =	vsub.f32 v9, v12  }
0x205: {  	v11 =	vmul.f32 v1, v1;
	v9 =	vmul.f32 v3, v3;
	v7 =	vsel vm2, v7, v10  }
0x206: {  	v10 =	vmul.f32 $6.553600000e+04, v8;
	v12 =	vmul.f32 $6.553600000e+04, v7  }
0x207: {  	v13 =	vmul.f32 v2, v2;
	vm3 =	vlt.f32 v7, $1.525878910e-05;
	v9 =	vadd.f32 v11, v9  }
0x208: {  	v8 =	vsel vm1, v10, v8;
	v7 =	vsel vm3, v12, v7  }
0x209: {  	v10 =	vmul.f32 $3.906250000e-03, v8;
	v9 =	vadd.f32 v13, v9;
	v11 =	vmul.f32 $3.906250000e-03, v7  }
0x20a: {  	vm0 =	vge.f32 v7, $2.560000000e+02  }
0x20b: {  	s18 =	simm.s32 $0x20;
	v8 =	vsel vm2, v10, v8;
	v10 =	vmul.f32 $5.421010860e-20, v9;
	v7 =	vsel vm0, v11, v7  }
0x20c: {  	v20 =	vld [tilespmem:s18+$0xC800];
	v11 =	vmul.f32 $2.560000000e+02, v8;
	vm2 =	vge.f32 v9, $1.844674410e+19;
	v12 =	vmul.f32 $2.560000000e+02, v7  }
0x20d: {  	v16 =	vld [tilespmem:s18+$0xB800];
	vm1 =	vlt.f32 v7, $3.906250000e-03;
	v9 =	vsel vm2, v10, v9  }
0x20e: {  	v10 =	vld [tilespmem:s18+$0x9000];
	v8 =	vsel vm3, v11, v8;
	v11 =	vmul.f32 $1.844674410e+19, v9;
	v7 =	vsel vm1, v12, v7  }
0x20f: {  	v14 =	vsel vm2, $0x2F800000, v0;
	v12 =	vld [tilespmem:s18+$0x8800];
	vm2 =	vlt.f32 v9, $5.421010860e-20;
	v15 =	vmul.f32 $6.250000000e-02, v7  }
0x210: {  	v17 =	vmul.f32 $4.294967300e+09, v14;
	vm4 =	vge.f32 v7, $1.600000000e+01;
	v9 =	vsel vm2, v11, v9;
	v11 =	vld [tilespmem:s18+$0xB000]  }
0x211: {  	v19 =	vmul.f32 $6.250000000e-02, v8;
	v18 =	vmul.f32 $2.328306440e-10, v9;
	v7 =	vsel vm4, v15, v7;
	v15 =	vld [tilespmem:s18+$0xA800]  }
0x212: {  	v13 =	vld [tilespmem:s18+$0x9800];
	v14 =	vsel vm2, v17, v14;
	vm5 =	vge.f32 v9, $4.294967300e+09;
	v17 =	vmul.f32 $1.600000000e+01, v7  }
0x213: {  	v21 =	vld [tilespmem:s18+$0xC000];
	vm3 =	vlt.f32 v7, $6.250000000e-02;
	v18 =	vsel vm5, v18, v9;
	v9 =	vmul.f32 $1.525878910e-05, v14  }
0x214: {  	v8 =	vsel vm0, v19, v8;
	v19 =	vld [tilespmem:s18+$0xD000];
	v22 =	vmul.f32 $4.294967300e+09, v18;
	v7 =	vsel vm3, v17, v7  }
0x215: {  	v17 =	vmul.f32 $1.600000000e+01, v8;
	v14 =	vsel vm5, v9, v14;
	v9 =	vmul.f32 $2.500000000e-01, v7  }
0x216: {  	vm2 =	vge.f32 v7, $4.000000000e+00;
	v10 =	vadd.f32 v10, v11;
	v11 =	vadd.f32 v12, v15  }
0x217: {  	v12 =	vsel vm1, v17, v8;
	v8 =	vadd.f32 v13, v16;
	v13 =	vsel vm2, v9, v7  }
0x218: {  	v7 =	vsub.f32 v10, v20;
	v15 =	vmul.f32 $4.000000000e+00, v13;
	v9 =	vsub.f32 v11, v21  }
0x219: {  	v10 =	vmul.f32 $2.500000000e-01, v12;
	vm0 =	vlt.f32 v13, $2.500000000e-01;
	v8 =	vsub.f32 v8, v19  }
0x21a: {  	v11 =	vsel vm0, v15, v13;
	v13 =	vmul.f32 v9, v9;
	v15 =	vmul.f32 v7, v7  }
0x21b: {  	v10 =	vsel vm4, v10, v12;
	v12 =	vmul.f32 $6.553600000e+04, v14;
	vm4 =	vlt.f32 v18, $2.328306440e-10  }
0x21c: {  	v17 =	vmul.f32 v8, v8;
	v16 =	vmul.f32 $5.000000000e-01, v11;
	v13 =	vadd.f32 v15, v13  }
0x21d: {  	vm1 =	vge.f32 v11, $2.000000000e+00;
	v12 =	vsel vm4, v12, v14;
	v15 =	vmul.f32 $4.000000000e+00, v10  }
0x21e: {  	v14 =	vsel vm4, v22, v18;
	v11 =	vsel vm1, v16, v11;
	v13 =	vadd.f32 v17, v13  }
0x21f: {  	v16 =	vmul.f32 $3.906250000e-03, v12;
	v10 =	vsel vm3, v15, v10;
	v15 =	vmul.f32 $1.525878910e-05, v14  }
0x220: {  	vm3 =	vge.f32 v14, $6.553600000e+04;
	v17 =	vmul.f32 $5.000000000e-01, v10;
	v18 =	vmul.f32 $5.421010860e-20, v13  }
0x221: {  	v12 =	vsel vm3, v16, v12;
	v14 =	vsel vm3, v15, v14;
	vm3 =	vge.f32 v13, $1.844674410e+19  }
0x222: {  	v19 =	vmul.f32 $5.000000000e-01, v11;
	v16 =	vmul.f32 $6.553600000e+04, v14;
	v13 =	vsel vm3, v18, v13  }
0x223: {  	v10 =	vsel vm2, v17, v10;
	vm4 =	vlt.f32 v14, $1.525878910e-05;
	v17 =	vmul.f32 $1.844674410e+19, v13  }
0x224: {  	v15 =	vmul.f32 $2.560000000e+02, v12;
	v14 =	vsel vm4, v16, v14;
	vm2 =	vlt.f32 v13, $5.421010860e-20  }
0x225: {  	v16 =	vmul.f32 $-4.571000040e-01, v11;
	v13 =	vsel vm2, v17, v13;
	v17 =	vmul.f32 $3.906250000e-03, v14  }
0x226: {  	v18 =	vsel vm3, $0x2F800000, v0;
	v12 =	vsel vm4, v15, v12;
	vm3 =	vge.f32 v14, $2.560000000e+02  }
0x227: {  	v21 =	vmul.f32 $6.250000000e-02, v12;
	v11 =	vadd.f32 $1.529999970e+00, v16;
	v14 =	vsel vm3, v17, v14  }
0x228: {  	s19 =	simm.s32 $0x30;
	vm1 =	vmmov vm1;
	v16 =	vmul.f32 $4.294967300e+09, v18;
	v15 =	vmul.f32 $2.560000000e+02, v14  }
0x229: {  	v23 =	vld [tilespmem:s19+$0x9800];
	v12 =	vsel vm3, v21, v12;
	v17 =	vmul.f32 v11, v19;
	vm5 =	vlt.f32 v14, $3.906250000e-03  }
0x22a: {  	v20 =	vmul.f32 $2.328306440e-10, v13;
	v16 =	vsel vm2, v16, v18;
	v18 =	vld [tilespmem:s19+$0xB800];
	v14 =	vsel vm5, v15, v14  }
0x22b: {  	vm4 =	vge.f32 v13, $4.294967300e+09;
	v15 =	vmul.f32 v17, v11;
	v24 =	vmul.f32 $6.250000000e-02, v14  }
0x22c: {  	v13 =	vsel vm4, v20, v13;
	v17 =	vadd.f32 v10, v10;
	vm6 =	vge.f32 v14, $1.600000000e+01  }
0x22d: {  	v25 =	vld [tilespmem:s19+$0x8800];
	v22 =	vmul.f32 $4.294967300e+09, v13;
	v15 =	vsub.f32 $1.500000000e+00, v15;
	v14 =	vsel vm6, v24, v14  }
0x22e: {  	v26 =	vld [tilespmem:s19+$0xB000];
	v17 =	vsel vm0, v17, v10;
	v10 =	vmul.f32 $1.600000000e+01, v12;
	v24 =	vmul.f32 $1.600000000e+01, v14  }
0x22f: {  	v21 =	vld [tilespmem:s19+$0x9000];
	v18 =	vadd.f32 v23, v18;
	v15 =	vmul.f32 v15, v11;
	v11 =	vmul.f32 $1.525878910e-05, v16  }
0x230: {  	v30 =	vmul.f32 $7.071067690e-01, v17;
	vm3 =	vlt.f32 v14, $6.250000000e-02;
	v10 =	vsel vm5, v10, v12;
	v12 =	vld [tilespmem:s19+$0xA800]  }
0x231: {  	v27 =	vmul.f32 $2.500000000e-01, v10;
	v14 =	vsel vm3, v24, v14;
	v16 =	vsel vm4, v11, v16;
	v11 =	vld [tilespmem:s19+$0xC800]  }
0x232: {  	v20 =	vld [tilespmem:s19+$0xD000];
	v24 =	vmul.f32 v15, v19;
	vm4 =	vlt.f32 v13, $2.328306440e-10;
	v28 =	vmul.f32 $2.500000000e-01, v14  }
0x233: {  	v29 =	vld [tilespmem:s19+$0xC000];
	vm2 =	vge.f32 v14, $4.000000000e+00;
	v23 =	vsel vm6, v27, v10;
	v13 =	vsel vm4, v22, v13  }
0x234: {  	v24 =	vmul.f32 v24, v15;
	v10 =	vsel vm2, v28, v14;
	v14 =	vadd.f32 v21, v26  }
0x235: {  	v25 =	vadd.f32 v25, v12;
	v26 =	vmul.f32 $6.553600000e+04, v16;
	v21 =	vmul.f32 $4.000000000e+00, v10  }
0x236: {  	v24 =	vsub.f32 $1.500000000e+00, v24;
	vm5 =	vlt.f32 v10, $2.500000000e-01;
	v12 =	vsub.f32 v14, v11  }
0x237: {  	v11 =	vsub.f32 v18, v20;
	v16 =	vsel vm4, v26, v16;
	v14 =	vsel vm5, v21, v10  }
0x238: {  	v10 =	vsub.f32 v25, v29;
	v20 =	vmul.f32 v24, v15;
	v18 =	vmul.f32 $5.000000000e-01, v14  }
0x239: {  	v15 =	vmul.f32 $4.000000000e+00, v23;
	v25 =	vmul.f32 $3.906250000e-03, v16;
	vm0 =	vge.f32 v14, $2.000000000e+00  }
0x23a: {  	v21 =	vmul.f32 v10, v10;
	v14 =	vsel vm0, v18, v14;
	v18 =	vmul.f32 v12, v12  }
0x23b: {  	v24 =	vmul.f32 v11, v11;
	v22 =	vmul.f32 v20, v19;
	v23 =	vsel vm3, v15, v23  }
0x23c: {  	vm3 =	vge.f32 v13, $6.553600000e+04;
	v26 =	vmul.f32 $5.000000000e-01, v23;
	v18 =	vadd.f32 v18, v21  }
0x23d: {  	v15 =	vsel vm1, v30, v17;
	v16 =	vsel vm3, v25, v16;
	v21 =	vmul.f32 v22, v20  }
0x23e: {  	v22 =	vmul.f32 $1.525878910e-05, v13;
	v26 =	vsel vm2, v26, v23;
	v17 =	vadd.f32 v24, v18  }
0x23f: {  	v27 =	vmul.f32 $-4.571000040e-01, v14;
	v28 =	vadd.f32 v26, v26;
	v18 =	vsub.f32 $1.500000000e+00, v21  }
0x240: {  	v13 =	vsel vm3, v22, v13;
	v21 =	vmul.f32 $2.560000000e+02, v16;
	v22 =	vmul.f32 $5.421010860e-20, v17  }
0x241: {  	vm1 =	vlt.f32 v13, $1.525878910e-05;
	v24 =	vmul.f32 v18, v20;
	vm2 =	vge.f32 v17, $1.844674410e+19  }
0x242: {  	v20 =	vmul.f32 $6.553600000e+04, v13;
	v16 =	vsel vm1, v21, v16;
	v17 =	vsel vm2, v22, v17  }
0x243: {  	v18 =	vsel vm2, $0x2F800000, v0;
	v19 =	vmul.f32 v24, v19;
	v21 =	vmul.f32 $1.844674410e+19, v17  }
0x244: {  	v23 =	vsel vm1, v20, v13;
	v20 =	vmul.f32 $4.294967300e+09, v18;
	vm3 =	vlt.f32 v17, $5.421010860e-20  }
0x245: {  	v22 =	vmul.f32 $6.250000000e-02, v16;
	v13 =	vmul.f32 v19, v24;
	v17 =	vsel vm3, v21, v17  }
0x246: {  	vm4 =	vge.f32 v23, $2.560000000e+02;
	v19 =	vmul.f32 $3.906250000e-03, v23;
	v21 =	vmul.f32 $2.328306440e-10, v17  }
0x247: {  	v29 =	vsub.f32 $1.500000000e+00, v13;
	vm1 =	vge.f32 v17, $4.294967300e+09;
	v13 =	vmul.f32 $5.000000000e-01, v14  }
0x248: {  	v25 =	vsel vm4, v19, v23;
	v23 =	vadd.f32 $1.529999970e+00, v27;
	v14 =	vsel vm5, v28, v26  }
0x249: {  	v27 =	vmul.f32 $2.560000000e+02, v25;
	v17 =	vsel vm1, v21, v17;
	v24 =	vmul.f32 v29, v24  }
0x24a: {  	s24 =	simm.s32 $0x100;
	vm2 =	vlt.f32 v25, $3.906250000e-03;
	v21 =	vld [tilespmem:s17+$0xA000];
	v26 =	vmul.f32 v23, v13;
	v19 =	vmul.f32 $4.294967300e+09, v17  }
.LBB2_5:
0x24b: {  	s25 =	sshra.s32 s24, $0x2;
	p1 =	sne.s32 s24, $0x1FC0;
	s24 =	sadd.s32 $0x40, s24;
	v18 =	vsel vm3, v20, v18;
	v16 =	vsel vm4, v22, v16;
	v15 =	vmul.f32 v24, v15  }
0x24c: {  	v20 =	vld [tilespmem:s25+$0xD000];
	v22 =	vmul.f32 $1.525878910e-05, v18;
	v24 =	vsel vm2, v27, v25;
	v25 =	vmul.f32 v26, v23  }
0x24d: {  	vm3 =	vmmov vm0;
	v27 =	vmul.f32 $1.600000000e+01, v16;
	v26 =	vld [tilespmem:s25+$0x9800];
	v28 =	vmul.f32 $6.250000000e-02, v24  }
0x24e: {  	vm0 =	vge.f32 v24, $1.600000000e+01;
	v29 =	vld [tilespmem:s25+$0x9000];
	v18 =	vsel vm1, v22, v18;
	v22 =	vsub.f32 $1.500000000e+00, v25  }
0x24f: {  	v16 =	vsel vm2, v27, v16;
	v15 =	vmul.f32 v15, v21;
	v25 =	vld [tilespmem:s25+$0x8800];
	v24 =	vsel vm0, v28, v24  }
0x250: {  	v21 =	vld [tilespmem:s25+$0xB800];
	v27 =	vmul.f32 $1.600000000e+01, v24;
	v22 =	vmul.f32 v22, v23  }
0x251: {  	vm1 =	vlt.f32 v24, $6.250000000e-02;
	v35 =	vmul.f32 v15, v6;
	v28 =	vmul.f32 v15, v5;
	v5 =	vmovc v1;
	v1 =	vmovc v7;
	v23 =	vld [tilespmem:s25+$0xB000]  }
0x252: {  	v15 =	vmul.f32 v15, v4;
	v7 =	vmovc v12;
	v30 =	vld [tilespmem:s25+$0xA800];
	v24 =	vsel vm1, v27, v24;
	v27 =	vmul.f32 v22, v13  }
0x253: {  	v31 =	vmul.f32 $2.500000000e-01, v16;
	v4 =	vmovc v2;
	v2 =	vmovc v8;
	v8 =	vmov v11;
	v12 =	vld [tilespmem:s25+$0xC800];
	v32 =	vmul.f32 $2.500000000e-01, v24;
	[tilespmem:s17+$0xD800] =	vst v35  }
0x254: {  	v34 =	vmul.f32 $7.071067690e-01, v14;
	v6 =	vmovc v3;
	v3 =	vmovc v9;
	vm2 =	vge.f32 v24, $4.000000000e+00;
	v33 =	vld [tilespmem:s25+$0xC000];
	v11 =	vmul.f32 v27, v22;
	[tilespmem:s17+$0xE800] =	vst v15  }
0x255: {  	v16 =	vsel vm0, v31, v16;
	v15 =	vadd.f32 v26, v21;
	v21 =	vsel vm2, v32, v24;
	[tilespmem:s17+$0xE000] =	vst v28;
	s17 =	smov.u32 s16;
	s16 =	smov.u32 s18;
	s18 =	smov.u32 s19  }
0x256: {  	v9 =	vmovc v10;
	s19 =	smov.u32 s25;
	v23 =	vadd.f32 v29, v23;
	v24 =	vmul.f32 $4.000000000e+00, v21;
	v26 =	vsub.f32 $1.500000000e+00, v11  }
0x257: {  	vm5 =	vlt.f32 v21, $2.500000000e-01;
	v10 =	vadd.f32 v25, v30;
	v25 =	vmul.f32 $6.553600000e+04, v18  }
0x258: {  	v11 =	vsub.f32 v15, v20;
	v12 =	vsub.f32 v23, v12;
	v15 =	vsel vm5, v24, v21  }
0x259: {  	v21 =	vmul.f32 v26, v22;
	v10 =	vsub.f32 v10, v33;
	v20 =	vmul.f32 $5.000000000e-01, v15  }
0x25a: {  	vm4 =	vlt.f32 v17, $2.328306440e-10;
	v22 =	vmul.f32 $4.000000000e+00, v16;
	vm0 =	vge.f32 v15, $2.000000000e+00  }
0x25b: {  	v18 =	vsel vm4, v25, v18;
	v23 =	vmul.f32 v10, v10;
	v24 =	vsel vm0, v20, v15  }
0x25c: {  	v17 =	vsel vm4, v19, v17;
	v19 =	vmul.f32 v21, v13;
	v15 =	vmul.f32 v12, v12  }
0x25d: {  	v25 =	vmul.f32 $3.906250000e-03, v18;
	v16 =	vsel vm1, v22, v16;
	v20 =	vmul.f32 v11, v11  }
0x25e: {  	vm1 =	vge.f32 v17, $6.553600000e+04;
	v19 =	vmul.f32 v19, v21;
	v22 =	vadd.f32 v15, v23  }
0x25f: {  	v26 =	vmul.f32 $5.000000000e-01, v16;
	v23 =	vmul.f32 $1.525878910e-05, v17;
	v15 =	vsel vm3, v34, v14  }
0x260: {  	v18 =	vsel vm1, v25, v18;
	v19 =	vsub.f32 $1.500000000e+00, v19;
	v14 =	vadd.f32 v20, v22  }
0x261: {  	v26 =	vsel vm2, v26, v16;
	v17 =	vsel vm1, v23, v17;
	v20 =	vmul.f32 $2.560000000e+02, v18  }
0x262: {  	vm1 =	vlt.f32 v17, $1.525878910e-05;
	v21 =	vmul.f32 v19, v21;
	v22 =	vmul.f32 $5.421010860e-20, v14  }
0x263: {  	v19 =	vmul.f32 $6.553600000e+04, v17;
	vm2 =	vge.f32 v14, $1.844674410e+19;
	v16 =	vsel vm1, v20, v18  }
0x264: {  	v18 =	vsel vm2, $0x2F800000, v0;
	v13 =	vmul.f32 v21, v13;
	v14 =	vsel vm2, v22, v14  }
0x265: {  	v28 =	vadd.f32 v26, v26;
	v19 =	vsel vm1, v19, v17;
	v22 =	vmul.f32 $1.844674410e+19, v14  }
0x266: {  	v20 =	vmul.f32 $4.294967300e+09, v18;
	vm3 =	vlt.f32 v14, $5.421010860e-20;
	v13 =	vmul.f32 v13, v21  }
0x267: {  	vm4 =	vge.f32 v19, $2.560000000e+02;
	v23 =	vmul.f32 $3.906250000e-03, v19;
	v14 =	vsel vm3, v22, v14  }
.Ltmp3:
0x268: {  	v27 =	vmul.f32 $-4.571000040e-01, v24;
	v29 =	vsub.f32 $1.500000000e+00, v13;
	v17 =	vmul.f32 $2.328306440e-10, v14;
	(pc) =	sbr.rel @p1 .LBB2_5-.Ltmp3, $4  }
0x269: {  	v22 =	vmul.f32 $6.250000000e-02, v16;
	v13 =	vmul.f32 $5.000000000e-01, v24;
	vm1 =	vge.f32 v14, $4.294967300e+09  }
0x26a: {  	v25 =	vsel vm4, v23, v19;
	v23 =	vadd.f32 $1.529999970e+00, v27;
	v17 =	vsel vm1, v17, v14  }
0x26b: {  	vm2 =	vlt.f32 v25, $3.906250000e-03;
	v24 =	vmul.f32 v29, v21;
	v19 =	vmul.f32 $4.294967300e+09, v17;
	v21 =	vld [tilespmem:s17+$0xA000]  }
0x26c: {  	v27 =	vmul.f32 $2.560000000e+02, v25;
	v14 =	vsel vm5, v28, v26;
	v26 =	vmul.f32 v23, v13  }
0x26d: {  	vm5 =	vlt.f32 v17, $2.328306440e-10  }
0x26e: {  	v25 =	vsel vm2, v27, v25;
	v17 =	vsel vm5, v19, v17  }
0x26f: {  	v41 =	vmul.f32 $6.250000000e-02, v25;
	v42 =	vmul.f32 $1.525878910e-05, v17  }
0x270: {  	vm6 =	vge.f32 v25, $1.600000000e+01;
	vm15 =	vge.f32 v17, $6.553600000e+04  }
0x271: {  	v19 =	vsel vm6, v41, v25;
	v17 =	vsel vm15, v42, v17  }
0x272: {  	v25 =	vmul.f32 $1.600000000e+01, v19;
	v27 =	vmul.f32 $6.553600000e+04, v17  }
0x273: {  	vm12 =	vlt.f32 v19, $6.250000000e-02;
	vm13 =	vlt.f32 v17, $1.525878910e-05  }
0x274: {  	v48 =	vimm.s32 $0x0;
	v19 =	vsel vm12, v25, v19;
	v17 =	vsel vm13, v27, v17  }
0x275: {  	v28 =	vimm.s32 $0x0;
	v25 =	vmul.f32 $2.500000000e-01, v19;
	v27 =	vmul.f32 $3.906250000e-03, v17  }
0x276: {  	v26 =	vmul.f32 v26, v23;
	vm11 =	vge.f32 v19, $4.000000000e+00;
	vm14 =	vge.f32 v17, $2.560000000e+02  }
0x277: {  	v18 =	vsel vm3, v20, v18;
	v19 =	vsel vm11, v25, v19;
	v17 =	vsel vm14, v27, v17  }
0x278: {  	v43 =	vsub.f32 $1.500000000e+00, v26;
	v44 =	vmul.f32 $4.000000000e+00, v19;
	v27 =	vmul.f32 $2.560000000e+02, v17  }
0x279: {  	v15 =	vmul.f32 v24, v15;
	vm10 =	vlt.f32 v19, $2.500000000e-01;
	vm9 =	vlt.f32 v17, $3.906250000e-03  }
0x27a: {  	v45 =	vmul.f32 v43, v23;
	v19 =	vsel vm10, v44, v19;
	v17 =	vsel vm9, v27, v17  }
0x27b: {  	v16 =	vsel vm4, v22, v16;
	v46 =	vmul.f32 $5.000000000e-01, v19;
	v47 =	vmul.f32 $6.250000000e-02, v17  }
0x27c: {  	v36 =	vmul.f32 $7.071067690e-01, v14;
	vm7 =	vge.f32 v19, $2.000000000e+00;
	vm8 =	vge.f32 v17, $1.600000000e+01  }
0x27d: {  	v49 =	vmul.f32 v45, v13;
	v19 =	vsel vm7, v46, v19;
	v17 =	vsel vm8, v47, v17  }
0x27e: {  	v27 =	vsel vm8, $0xFFFFFFFF, v48;
	v25 =	vmul.f32 $-4.571000040e-01, v19;
	v26 =	vmul.f32 $1.600000000e+01, v17  }
0x27f: {  	v58 =	vmul.f32 $1.525878910e-05, v18;
	[tilespmem:$0x1FFC0] =	vst v27;
	v27 =	vmul.f32 v49, v45;
	vm8 =	vlt.f32 v17, $6.250000000e-02  }
0x280: {  	v19 =	vmul.f32 $5.000000000e-01, v19;
	v25 =	vadd.f32 $1.529999970e+00, v25;
	v17 =	vsel vm8, v26, v17  }
0x281: {  	v59 =	vmul.f32 $1.600000000e+01, v16;
	v50 =	vsub.f32 $1.500000000e+00, v27;
	v51 =	vmul.f32 $2.500000000e-01, v17  }
0x282: {  	v28 =	vsel vm8, $0xFFFFFFFF, v28;
	vm8 =	vge.f32 v17, $4.000000000e+00;
	v52 =	vmul.f32 v25, v19  }
0x283: {  	v15 =	vmul.f32 v15, v21;
	v23 =	vmul.f32 v50, v45;
	v17 =	vsel vm8, v51, v17  }
0x284: {  	v53 =	vmul.f32 v52, v25;
	v27 =	vmul.f32 $4.000000000e+00, v17  }
0x285: {  	v18 =	vsel vm1, v58, v18;
	v54 =	vmul.f32 v23, v13;
	vm3 =	vlt.f32 v17, $2.500000000e-01  }
0x286: {  	v62 =	vmul.f32 $6.553600000e+04, v18;
	v17 =	vsel vm3, v27, v17;
	v55 =	vsub.f32 $1.500000000e+00, v53  }
0x287: {  	v16 =	vsel vm2, v59, v16;
	v20 =	vmul.f32 v54, v23;
	v56 =	vmul.f32 $5.000000000e-01, v17  }
0x288: {  	v30 =	vmul.f32 $2.500000000e-01, v16;
	vm4 =	vge.f32 v17, $2.000000000e+00;
	v57 =	vmul.f32 v55, v25  }
0x289: {  	v6 =	vmul.f32 v15, v6;
	v20 =	vsub.f32 $1.500000000e+00, v20;
	v17 =	vsel vm4, v56, v17  }
0x28a: {  	v60 =	vmul.f32 v57, v19;
	v61 =	vmul.f32 $-4.571000040e-01, v17  }
0x28b: {  	v5 =	vmul.f32 v15, v5;
	v20 =	vmul.f32 v20, v23  }
0x28c: {  	[tilespmem:$0x1FFD0] =	vst v28;
	v17 =	vmul.f32 $5.000000000e-01, v17;
	v63 =	vmul.f32 v60, v57;
	v28 =	vadd.f32 $1.529999970e+00, v61  }
0x28d: {  	v4 =	vmul.f32 v15, v4;
	v29 =	vmul.f32 v20, v13  }
0x28e: {  	v18 =	vsel vm5, v62, v18;
	v31 =	vsub.f32 $1.500000000e+00, v63;
	v32 =	vmul.f32 v28, v17  }
0x28f: {  	[tilespmem:s17+$0xD800] =	vst v6;
	v33 =	vmul.f32 $3.906250000e-03, v18;
	v13 =	vmul.f32 v29, v20  }
0x290: {  	vm0 =	vmmov vm0;
	[tilespmem:s17+$0xE800] =	vst v4;
	v34 =	vmul.f32 v31, v57;
	v35 =	vmul.f32 v32, v28  }
0x291: {  	v15 =	vsel vm6, v30, v16;
	[tilespmem:s17+$0xE000] =	vst v5;
	v6 =	vsel vm15, v33, v18;
	v37 =	vsub.f32 $1.500000000e+00, v13  }
0x292: {  	v39 =	vld [tilespmem:s16+$0xA000];
	v40 =	vmul.f32 $2.560000000e+02, v6;
	v22 =	vmul.f32 v34, v19;
	v16 =	vsub.f32 $1.500000000e+00, v35  }
0x293: {  	v14 =	vsel vm0, v36, v14;
	v38 =	vmul.f32 $4.000000000e+00, v15;
	v5 =	vmul.f32 v37, v20  }
0x294: {  	v6 =	vsel vm13, v40, v6;
	v16 =	vmul.f32 v16, v28;
	v41 =	vmul.f32 v22, v34  }
0x295: {  	v42 =	vmul.f32 $6.250000000e-02, v6;
	v5 =	vmul.f32 v5, v14  }
0x296: {  	v13 =	vsel vm12, v38, v15;
	v43 =	vsub.f32 $1.500000000e+00, v41;
	v44 =	vmul.f32 v16, v17  }
0x297: {  	v45 =	vmul.f32 $5.000000000e-01, v13;
	v5 =	vmul.f32 v5, v39  }
0x298: {  	v6 =	vsel vm14, v42, v6;
	v4 =	vmul.f32 v43, v34;
	v46 =	vmul.f32 v44, v16  }
0x299: {  	v47 =	vmul.f32 $1.600000000e+01, v6;
	v13 =	vsel vm11, v45, v13  }
0x29a: {  	v53 =	vld [tilespmem:$0x1FFC0];
	v3 =	vmul.f32 v5, v3;
	v48 =	vmul.f32 v4, v19;
	v14 =	vsub.f32 $1.500000000e+00, v46  }
0x29b: {  	v49 =	vadd.f32 v13, v13;
	v1 =	vmul.f32 v5, v1;
	v2 =	vmul.f32 v5, v2  }
0x29c: {  	[tilespmem:s16+$0xD800] =	vst v3;
	v3 =	vmul.f32 v48, v4;
	v50 =	vmul.f32 v14, v16  }
0x29d: {  	v13 =	vsel vm10, v49, v13;
	[tilespmem:s16+$0xE800] =	vst v2  }
0x29e: {  	v55 =	vld [tilespmem:$0x1FFD0];
	v2 =	vsel vm9, v47, v6;
	[tilespmem:s16+$0xE000] =	vst v1;
	v1 =	vsub.f32 $1.500000000e+00, v3;
	v3 =	vmul.f32 v50, v17  }
0x29f: {  	vm13 =	vnez.u8 v53;
	v51 =	vmul.f32 $7.071067690e-01, v13;
	v6 =	vmul.f32 $2.500000000e-01, v2;
	v52 =	vld [tilespmem:s18+$0xA000]  }
0x2a0: {  	vm12 =	vmmov vm7;
	v1 =	vmul.f32 v1, v4;
	v3 =	vmul.f32 v3, v50  }
0x2a1: {  	v54 =	vsel vm12, v51, v13;
	v2 =	vsel vm13, v6, v2  }
0x2a2: {  	v6 =	vmul.f32 $4.000000000e+00, v2;
	v1 =	vmul.f32 v1, v54;
	v3 =	vsub.f32 $1.500000000e+00, v3  }
0x2a3: {  	vm14 =	vnez.u8 v55  }
0x2a4: {  	v2 =	vsel vm14, v6, v2;
	v1 =	vmul.f32 v1, v52;
	v3 =	vmul.f32 v3, v50  }
0x2a5: {  	v56 =	vmul.f32 $5.000000000e-01, v2  }
0x2a6: {  	v57 =	vmul.f32 v1, v9;
	v58 =	vmul.f32 v3, v17  }
0x2a7: {  	v2 =	vsel vm8, v56, v2;
	v59 =	vmul.f32 v1, v8  }
0x2a8: {  	v60 =	vadd.f32 v2, v2;
	v1 =	vmul.f32 v1, v7;
	[tilespmem:s18+$0xD800] =	vst v57;
	v61 =	vmul.f32 v58, v3  }
0x2a9: {  	[tilespmem:s18+$0xE800] =	vst v59  }
0x2aa: {  	v2 =	vsel vm3, v60, v2;
	[tilespmem:s18+$0xE000] =	vst v1;
	v1 =	vsub.f32 $1.500000000e+00, v61  }
0x2ab: {  	v62 =	vmul.f32 $7.071067690e-01, v2;
	v63 =	vld [tilespmem:s19+$0xA000]  }
0x2ac: {  	vm15 =	vmmov vm4;
	v1 =	vmul.f32 v1, v3  }
0x2ad: {  	v2 =	vsel vm15, v62, v2  }
0x2ae: {  	v1 =	vmul.f32 v1, v2;
	_ =	sdelay $0x1  }
0x2af: {  	v1 =	vmul.f32 v1, v63;
	_ =	sdelay $0x1  }
0x2b0: {  	v2 =	vmul.f32 v1, v10  }
0x2b1: {  	v3 =	vmul.f32 v1, v11  }
0x2b2: {  	v1 =	vmul.f32 v1, v12;
	[tilespmem:s19+$0xD800] =	vst v2  }
0x2b3: {  	[tilespmem:s19+$0xE800] =	vst v3  }
0x2b4: {  	s24 =	simm.s32 $0xD800;
	[tilespmem:s19+$0xE000] =	vst v1  }
0x2b5: {  	[spmem:s1] =	stream.indirect.scatter.add.f32 [tilespmem:s24], [sflag:$0x5], $0x1, s0, s30, $0xb8;
	[tilespmem:$0x18300] =	vst v63  }
0x2b6: {  	_ =	swait.ge [sflag:s29], $0x800  }
0x2b7: {  	[sflag:s29] =	ssyncset.done $0x0  }
0x2b8: {  	s25 =	simm.s32 $0xE000;
	[sflag:s29] =	ssyncadd.s32 $0xFFFFF800  }
0x2b9: {  	[spmem:s2] =	stream.indirect.scatter.add.f32 [tilespmem:s25], [sflag:$0x5], $0x1, s0, s30, $0xb8;
	[tilespmem:$0x18300] =	vst v63  }
0x2ba: {  	_ =	swait.ge [sflag:s29], $0x800  }
0x2bb: {  	[sflag:s29] =	ssyncset.done $0x0  }
.Ltmp4:
0x2bc: {  	[sflag:s29] =	ssyncadd.s32 $0xFFFFF800;
	(pc) =	sbr.rel @p0 .LBB2_8-.Ltmp4, $4  }
0x2bd: {  	[spmem:s3] =	stream.indirect.scatter.add.f32 [tilespmem:s26], [sflag:$0x5], $0x1, s0, s30, $0xb8;
	[tilespmem:$0x18300] =	vst v63  }
0x2be: {  	_ =	swait.ge [sflag:s29], $0x800  }
0x2bf: {  	[sflag:s29] =	ssyncset.done $0x0  }
0x2c0: {  	[sflag:s29] =	ssyncadd.s32 $0xFFFFF800  }
0x2c1: {  	s15 =	sadd.s32 s15, s23  }
0x2c2: {  	s15 =	sshrl.u32 s15, $0x3  }
0x2c3: {  	s16 =	sadd.s32 s9, s15  }
0x2c4: {  	[tilespmem:s0], [sflag:$0x2] =	stream.linear.gather [hbm4b:s16+s7], $0x800, $0x38;
	[tilespmem:$0x18300] =	vst v63  }
0x2c5: {  	s24 =	sadd.s32 s10, s15  }
0x2c6: {  	[tilespmem:s8], [sflag:$0x2] =	stream.linear.gather [hbm4b:s24+s7], $0x800, $0x38;
	[tilespmem:$0x18300] =	vst v63  }
0x2c7: {  	s17 =	simm.s32 $0x8800;
	s25 =	sadd.s32 s11, s15  }
0x2c8: {  	[tilespmem:s17], [sflag:$0x2] =	stream.linear.gather [hbm4b:s25+s7], $0x800, $0x38;
	[tilespmem:$0x18300] =	vst v63  }
0x2c9: {  	s18 =	simm.s32 $0x9000;
	s17 =	sadd.s32 s12, s15  }
0x2ca: {  	[tilespmem:s18], [sflag:$0x2] =	stream.linear.gather [hbm4b:s17+s7], $0x800, $0x38;
	[tilespmem:$0x18300] =	vst v63  }
.Ltmp5:
0x2cb: {  	_ = 	snop;
	(pc) =	sbr.rel .LBB2_2-.Ltmp5, $4  }
0x2cc: {  	s19 =	sadd.s32 s13, s15;
	s24 =	simm.s32 $0x9800  }
0x2cd: {  	[tilespmem:s24], [sflag:$0x2] =	stream.linear.gather [hbm4b:s19+s7], $0x800, $0x38;
	[tilespmem:$0x18300] =	vst v63  }
0x2ce: {  	s28 =	sadd.s32 $0x1, s28;
	s15 =	sadd.s32 s14, s15;
	s25 =	simm.s32 $0xA000  }
0x2cf: {  	[tilespmem:s25], [sflag:$0x2] =	stream.linear.gather [hbm4b:s15+s7], $0x800, $0x38;
	[tilespmem:$0x18300] =	vst v63  }
.LBB2_9:
0x2d0: {  	_ =	sfence.sel $0x180000  }
0x2d1: {  	[bflag:$0x0] =	sbarrier.arrive $0xFFFF  }
0x2d2: {  	_ =	strace $0x90000047  }
0x2d3: {  	s0 =	stileid.u32;
	[bflag:$0x2] =	sbarrier.arrive $0xFFFF  }
0x2d4: {  	p0 =	sne.s32 s0, $0x0;
	s0 =	rddreg [dreg:$0x8]  }
0x2d5: {  	s0 =	sadd.s32 @!p0 $0x100000, s0  }
0x2d6: {  	[sflag:s0] =	ssyncadd.tile.s32 @!p0 $0x1;
	_ =	shalt  }
.Lfunc_end2:
_tile_overlayer_lowered:
.L_overlay_start_2:
0x2d7: {  	(tag) =	ssettag $0x2  }
0x2d8: {  	s0 =	rddreg [dreg:$0x0];
	s2 =	stileid.u32  }
0x2d9: {  	s1 =	rddreg [dreg:$0x1];
	p0 =	sne.s32 s2, $0x0  }
0x2da: {  	s3 =	rddreg [dreg:$0x2];
	[bflag:$0x3] =	sbarrier.arrive $0xFFFF;
	s2 =	simm.s32 @!p0 $0x1C05  }
0x2db: {  	[timem:s3], [sflag:s2] =	dma.local @!p0 [hbm:s0], s1  }
0x2dc: {  	s0 =	simm.s32 @!p0 $0x5  }
0x2dd: {  	_ =	swait.ge @!p0 [sflag:s0], s1  }
0x2de: {  	s1 =	ssub.s32 @!p0 $0x0, s1;
	[sflag:s0] =	ssyncset.done @!p0 $0x0  }
0x2df: {  	[sflag:s0] =	ssyncadd.s32 @!p0 s1  }
0x2e0: {  	[bflag:$0x3] =	sbarrier.arrive $0xFFFF  }
0x2e1: {  	_ =	shalt  }

</sc_bundles>
